<compile_context>
chip_gen: v7x
topology: tpu7x:2x2x1
jax: 0.10.2.dev20260603
libtpu: 0.0.44.dev20260713+nightly
codegen_flags: <defaults>
</compile_context>

<pallas_src>
import functools

import jax
import jax.numpy as jnp
from jax import lax
from jax.experimental import pallas as pl
from jax.experimental.pallas import tpu as pltpu
from jax.experimental.pallas import tpu_sc as plsc

HIDDEN = 64
B = 16384
NC = 2
NS = 16
NW = NC * NS
BPW = B // NW
QUAD = 2
NQ = BPW // QUAD
NBANK = 7
COLS = 128


def _make_kernel():
    mesh = plsc.VectorSubcoreMesh(core_axis_name="c", subcore_axis_name="s")

    @functools.partial(
        pl.kernel,
        mesh=mesh,
        out_type=jax.ShapeDtypeStruct((HIDDEN, B), jnp.float32),
        scratch_types=[
            pltpu.VMEM((BPW + 16,), jnp.int32),
            pltpu.VMEM((NBANK, QUAD, HIDDEN, 128), jnp.float32),
            pltpu.VMEM((HIDDEN, COLS), jnp.float32),
            pltpu.SemaphoreType.DMA((NBANK,)),
        ],
        compiler_params=pltpu.CompilerParams(needs_layout_passes=False),
    )
    def emb(idx_hbm, tblt_hbm, outt_hbm, idx_v, blocks_v, cols_v, sems):
        wid = lax.axis_index("s") * NC + lax.axis_index("c")
        pltpu.sync_copy(idx_hbm.at[wid], idx_v.at[pl.ds(0, BPW)])
        iota = lax.broadcasted_iota(jnp.int32, (16,), 0)

        def fetch(q, bank):
            vec = idx_v[pl.ds(q * QUAD, 16)]
            for j in range(QUAD):
                c = vec[j]
                base = pl.multiple_of((c >> 7) << 7, 128)
                pltpu.async_copy(
                    tblt_hbm.at[:, pl.ds(base, 128)],
                    blocks_v.at[bank, j],
                    sems.at[bank],
                )

        def extract(q, bank):
            vec = idx_v[pl.ds(q * QUAD, 16)]
            for j in range(QUAD):
                c = vec[j]
                pltpu.make_async_copy(
                    tblt_hbm.at[:, pl.ds(0, 128)],
                    blocks_v.at[bank, j],
                    sems.at[bank],
                ).wait()
                lane = jnp.broadcast_to(c & 127, (16,))
                ocol = jnp.broadcast_to(
                    (lax.rem(q, COLS // QUAD)) * QUAD + j, (16,)
                )
                for r in range(HIDDEN // 16):
                    rows = iota + (r * 16)
                    vals = plsc.load_gather(blocks_v.at[bank, j], [rows, lane])
                    plsc.store_scatter(cols_v, [rows, ocol], vals)

        for k in range(NBANK):
            fetch(k, k)

        def step(p, _):
            for k in range(NBANK):
                q = p * NBANK + k

                @pl.when(q < NQ)
                def _():
                    extract(q, k)

                    @pl.when(q + NBANK < NQ)
                    def _():
                        fetch(q + NBANK, k)

                    @pl.when(lax.rem(q + 1, COLS // QUAD) == 0)
                    def _():
                        off = pl.multiple_of(
                            wid * BPW + (q + 1) * QUAD - COLS, 128
                        )
                        pltpu.sync_copy(
                            cols_v, outt_hbm.at[:, pl.ds(off, COLS)]
                        )

            return ()

        lax.fori_loop(0, (NQ + NBANK - 1) // NBANK, step, ())

    return emb


_emb = _make_kernel()


def kernel(labels, table):
    idx = labels.astype(jnp.int32).reshape(NW, BPW)
    outt = _emb(idx, table.T)
    return outt.T

# --- scband reference (transcript-rebuilt; emitter-appended) ---
"""Pipeline reference for scband-label-embedder-61074434949692 (READ-ONLY COPY).

The authoritative reference and input builder live on the scoring server;
editing this copy changes nothing except your own understanding.
"""

import jax, jax.numpy as jnp
import numpy as np

NUM_CLASSES = 1000000
HIDDEN_SIZE = 64
DROPOUT_PROB = 0.1  # use_cfg=True -> table has NUM_CLASSES+1 rows


def setup_inputs(seed: int = 0) -> dict:
    key = jax.random.key(seed)
    k1, k2 = jax.random.split(key)
    labels = jax.random.randint(k1, (16384,), 0, NUM_CLASSES, dtype=jnp.int64 if jax.config.jax_enable_x64 else jnp.int32)
    # Embedding table: num_classes + 1 rows (CFG null token) since dropout_prob > 0
    table = jax.random.normal(k2, (NUM_CLASSES + 1, HIDDEN_SIZE), dtype=jnp.float32)
    return {"labels": labels, "table": table}


def reference(labels, table):
    # Eval mode, force_drop=False: plain embedding lookup.
    return jnp.take(table, labels, axis=0)

if __name__ == "__main__":
    import jax
    _d = setup_inputs()
    print(jax.jit(kernel)(*tuple(_d.values())))

</pallas_src>

<mosaic_0001>
#map = affine_map<(d0, d1) -> (0, 0)>
module attributes {stable_mosaic.version = 14 : i64} {
  func.func @emb(%arg0: i32, %arg1: i32, %arg2: memref<32x512xi32, #tpu.memory_space<hbm>>, %arg3: memref<64x1000001xf32, #tpu.memory_space<hbm>>, %arg4: memref<64x16384xf32, #tpu.memory_space<hbm>>, %arg5: memref<528xi32, #tpu.memory_space<vmem>>, %arg6: memref<7x2x64x128xf32, #tpu.memory_space<vmem>>, %arg7: memref<64x128xf32, #tpu.memory_space<vmem>>, %arg8: memref<7x!tpu.dma_semaphore, #tpu.memory_space<semaphore_mem>>) attributes {dimension_semantics = [#tpu.dimension_semantics<core_parallel>, #tpu.dimension_semantics<subcore_parallel>], iteration_bounds = array<i64: 2, 16>, scalar_prefetch = 0 : i64, scratch_operands = 4 : i64, tpu.core_type = #tpu.core_type<sc_vector_subcore>, window_params = [{transform_indices = #map}, {transform_indices = #map}, {transform_indices = #map}]} {
    %mul3A = arith.constant 2 : i32
    %mul3A_0 = arith.muli %arg1, %mul3A : i32
    %add3A = arith.addi %mul3A_0, %arg0 : i32
    "tpu.region"() ({
      %run_scoped3A = tpu.sem_alloc : memref<!tpu.dma_semaphore, #tpu.memory_space<semaphore_mem>>
      %dma_start3A_348 = arith.constant 0 : i32
      %dma_start3A_349 = tpu.memref_slice %arg5[%dma_start3A_348] : memref<528xi32, #tpu.memory_space<vmem>> -> memref<512xi32, #tpu.memory_space<vmem>>
      %dma_start3A_350 = arith.constant 0 : i32
      %dma_start3A_351 = tpu.memref_slice %arg2[%add3A, %dma_start3A_350] : memref<32x512xi32, #tpu.memory_space<hbm>> -> memref<1x512xi32, #tpu.memory_space<hbm>>
      %dma_start3A_352 = tpu.memref_squeeze %dma_start3A_351 : memref<1x512xi32, #tpu.memory_space<hbm>> -> memref<512xi32, #tpu.memory_space<hbm>>
      %dma_start3A_353 = arith.constant 0 : i32
      %dma_start3A_354 = tpu.memref_slice %arg5[%dma_start3A_353] : memref<528xi32, #tpu.memory_space<vmem>> -> memref<512xi32, #tpu.memory_space<vmem>>
      %dma_start3A_355 = arith.constant 0 : i32
      %dma_start3A_356 = tpu.memref_slice %arg2[%add3A, %dma_start3A_355] : memref<32x512xi32, #tpu.memory_space<hbm>> -> memref<1x512xi32, #tpu.memory_space<hbm>>
      %dma_start3A_357 = tpu.memref_squeeze %dma_start3A_356 : memref<1x512xi32, #tpu.memory_space<hbm>> -> memref<512xi32, #tpu.memory_space<hbm>>
      tpu.enqueue_dma source(%dma_start3A_357 : memref<512xi32, #tpu.memory_space<hbm>>) target(%dma_start3A_354 : memref<512xi32, #tpu.memory_space<vmem>>) target_semaphore(%run_scoped3A : memref<!tpu.dma_semaphore, #tpu.memory_space<semaphore_mem>>)
      %dma_wait3A = arith.constant 0 : i32
      %dma_wait3A_358 = tpu.memref_slice %arg5[%dma_wait3A] : memref<528xi32, #tpu.memory_space<vmem>> -> memref<512xi32, #tpu.memory_space<vmem>>
      %dma_wait3A_359 = arith.constant 0 : i32
      %dma_wait3A_360 = tpu.memref_slice %arg2[%add3A, %dma_wait3A_359] : memref<32x512xi32, #tpu.memory_space<hbm>> -> memref<1x512xi32, #tpu.memory_space<hbm>>
      %dma_wait3A_361 = tpu.memref_squeeze %dma_wait3A_360 : memref<1x512xi32, #tpu.memory_space<hbm>> -> memref<512xi32, #tpu.memory_space<hbm>>
      %dma_wait3A_362 = arith.constant 0 : i32
      %dma_wait3A_363 = tpu.memref_slice %arg5[%dma_wait3A_362] : memref<528xi32, #tpu.memory_space<vmem>> -> memref<512xi32, #tpu.memory_space<vmem>>
      %dma_wait3A_364 = arith.constant 0 : i32
      %dma_wait3A_365 = tpu.memref_slice %arg2[%add3A, %dma_wait3A_364] : memref<32x512xi32, #tpu.memory_space<hbm>> -> memref<1x512xi32, #tpu.memory_space<hbm>>
      %dma_wait3A_366 = tpu.memref_squeeze %dma_wait3A_365 : memref<1x512xi32, #tpu.memory_space<hbm>> -> memref<512xi32, #tpu.memory_space<hbm>>
      tpu.wait_dma2 semaphore(%run_scoped3A : memref<!tpu.dma_semaphore, #tpu.memory_space<semaphore_mem>>) src(%dma_wait3A_366 : memref<512xi32, #tpu.memory_space<hbm>>) dst(%dma_wait3A_363 : memref<512xi32, #tpu.memory_space<vmem>>)
      tpu.yield
    }) : () -> ()
    %iota3A = tpu.iota {dimensions = array<i32: 0>} : vector<16xi32>
    %get3A = arith.constant 0 : index
    %get3A_1 = tpu.vector_load %arg5[%get3A] {strides = array<i32>} : memref<528xi32, #tpu.memory_space<vmem>>, vector<16xi32>,
    %slice3A = vector.extract_strided_slice %get3A_1 {offsets = [0], sizes = [1], strides = [1]} : vector<16xi32> to vector<1xi32>
    %squeeze3A = vector.extract %slice3A[0] : i32 from vector<1xi32>
    %shift_right_arithmetic3A = arith.constant 7 : i32
    %shift_right_arithmetic3A_2 = arith.shrsi %squeeze3A, %shift_right_arithmetic3A : i32
    %shift_left3A = arith.constant 7 : i32
    %shift_left3A_3 = arith.shli %shift_right_arithmetic3A_2, %shift_left3A : i32
    %multiple_of3A = tpu.assume_multiple %shift_left3A_3, 128 : i32
    %dma_start3A = arith.constant 0 : i32
    %dma_start3A_4 = arith.constant 0 : i32
    %dma_start3A_5 = arith.constant 0 : i32
    %dma_start3A_6 = arith.constant 0 : i32
    %dma_start3A_7 = arith.constant 0 : i32
    %dma_start3A_8 = tpu.memref_slice %arg6[%dma_start3A, %dma_start3A_4, %dma_start3A_6, %dma_start3A_7] : memref<7x2x64x128xf32, #tpu.memory_space<vmem>> -> memref<1x1x64x128xf32, #tpu.memory_space<vmem>>
    %dma_start3A_9 = tpu.memref_squeeze %dma_start3A_8 : memref<1x1x64x128xf32, #tpu.memory_space<vmem>> -> memref<64x128xf32, #tpu.memory_space<vmem>>
    %dma_start3A_10 = arith.constant 0 : i32
    %dma_start3A_11 = tpu.memref_slice %arg3[%dma_start3A_10, %multiple_of3A] : memref<64x1000001xf32, #tpu.memory_space<hbm>> -> memref<64x128xf32, #tpu.memory_space<hbm>>
    %dma_start3A_12 = tpu.memref_slice %arg8[%dma_start3A_5] : memref<7x!tpu.dma_semaphore, #tpu.memory_space<semaphore_mem>> -> memref<1x!tpu.dma_semaphore, #tpu.memory_space<semaphore_mem>>
    %dma_start3A_13 = tpu.memref_squeeze %dma_start3A_12 : memref<1x!tpu.dma_semaphore, #tpu.memory_space<semaphore_mem>> -> memref<!tpu.dma_semaphore, #tpu.memory_space<semaphore_mem>>
    %dma_start3A_14 = arith.constant 0 : i32
    %dma_start3A_15 = arith.constant 0 : i32
    %dma_start3A_16 = tpu.memref_slice %arg6[%dma_start3A, %dma_start3A_4, %dma_start3A_14, %dma_start3A_15] : memref<7x2x64x128xf32, #tpu.memory_space<vmem>> -> memref<1x1x64x128xf32, #tpu.memory_space<vmem>>
    %dma_start3A_17 = tpu.memref_squeeze %dma_start3A_16 : memref<1x1x64x128xf32, #tpu.memory_space<vmem>> -> memref<64x128xf32, #tpu.memory_space<vmem>>
    %dma_start3A_18 = arith.constant 0 : i32
    %dma_start3A_19 = tpu.memref_slice %arg3[%dma_start3A_18, %multiple_of3A] : memref<64x1000001xf32, #tpu.memory_space<hbm>> -> memref<64x128xf32, #tpu.memory_space<hbm>>
    tpu.enqueue_dma source(%dma_start3A_19 : memref<64x128xf32, #tpu.memory_space<hbm>>) target(%dma_start3A_17 : memref<64x128xf32, #tpu.memory_space<vmem>>) target_semaphore(%dma_start3A_13 : memref<!tpu.dma_semaphore, #tpu.memory_space<semaphore_mem>>)
    %slice3A_20 = vector.extract_strided_slice %get3A_1 {offsets = [1], sizes = [1], strides = [1]} : vector<16xi32> to vector<1xi32>
    %squeeze3A_21 = vector.extract %slice3A_20[0] : i32 from vector<1xi32>
    %shift_right_arithmetic3A_22 = arith.constant 7 : i32
    %shift_right_arithmetic3A_23 = arith.shrsi %squeeze3A_21, %shift_right_arithmetic3A_22 : i32
    %shift_left3A_24 = arith.constant 7 : i32
    %shift_left3A_25 = arith.shli %shift_right_arithmetic3A_23, %shift_left3A_24 : i32
    %multiple_of3A_26 = tpu.assume_multiple %shift_left3A_25, 128 : i32
    %dma_start3A_27 = arith.constant 0 : i32
    %dma_start3A_28 = arith.constant 1 : i32
    %dma_start3A_29 = arith.constant 0 : i32
    %dma_start3A_30 = arith.constant 0 : i32
    %dma_start3A_31 = arith.constant 0 : i32
    %dma_start3A_32 = tpu.memref_slice %arg6[%dma_start3A_27, %dma_start3A_28, %dma_start3A_30, %dma_start3A_31] : memref<7x2x64x128xf32, #tpu.memory_space<vmem>> -> memref<1x1x64x128xf32, #tpu.memory_space<vmem>>
    %dma_start3A_33 = tpu.memref_squeeze %dma_start3A_32 : memref<1x1x64x128xf32, #tpu.memory_space<vmem>> -> memref<64x128xf32, #tpu.memory_space<vmem>>
    %dma_start3A_34 = arith.constant 0 : i32
    %dma_start3A_35 = tpu.memref_slice %arg3[%dma_start3A_34, %multiple_of3A_26] : memref<64x1000001xf32, #tpu.memory_space<hbm>> -> memref<64x128xf32, #tpu.memory_space<hbm>>
    %dma_start3A_36 = tpu.memref_slice %arg8[%dma_start3A_29] : memref<7x!tpu.dma_semaphore, #tpu.memory_space<semaphore_mem>> -> memref<1x!tpu.dma_semaphore, #tpu.memory_space<semaphore_mem>>
    %dma_start3A_37 = tpu.memref_squeeze %dma_start3A_36 : memref<1x!tpu.dma_semaphore, #tpu.memory_space<semaphore_mem>> -> memref<!tpu.dma_semaphore, #tpu.memory_space<semaphore_mem>>
    %dma_start3A_38 = arith.constant 0 : i32
    %dma_start3A_39 = arith.constant 0 : i32
    %dma_start3A_40 = tpu.memref_slice %arg6[%dma_start3A_27, %dma_start3A_28, %dma_start3A_38, %dma_start3A_39] : memref<7x2x64x128xf32, #tpu.memory_space<vmem>> -> memref<1x1x64x128xf32, #tpu.memory_space<vmem>>
    %dma_start3A_41 = tpu.memref_squeeze %dma_start3A_40 : memref<1x1x64x128xf32, #tpu.memory_space<vmem>> -> memref<64x128xf32, #tpu.memory_space<vmem>>
    %dma_start3A_42 = arith.constant 0 : i32
    %dma_start3A_43 = tpu.memref_slice %arg3[%dma_start3A_42, %multiple_of3A_26] : memref<64x1000001xf32, #tpu.memory_space<hbm>> -> memref<64x128xf32, #tpu.memory_space<hbm>>
    tpu.enqueue_dma source(%dma_start3A_43 : memref<64x128xf32, #tpu.memory_space<hbm>>) target(%dma_start3A_41 : memref<64x128xf32, #tpu.memory_space<vmem>>) target_semaphore(%dma_start3A_37 : memref<!tpu.dma_semaphore, #tpu.memory_space<semaphore_mem>>)
    %get3A_44 = arith.constant 2 : index
    %get3A_45 = tpu.vector_load %arg5[%get3A_44] {strides = array<i32>} : memref<528xi32, #tpu.memory_space<vmem>>, vector<16xi32>,
    %slice3A_46 = vector.extract_strided_slice %get3A_45 {offsets = [0], sizes = [1], strides = [1]} : vector<16xi32> to vector<1xi32>
    %squeeze3A_47 = vector.extract %slice3A_46[0] : i32 from vector<1xi32>
    %shift_right_arithmetic3A_48 = arith.constant 7 : i32
    %shift_right_arithmetic3A_49 = arith.shrsi %squeeze3A_47, %shift_right_arithmetic3A_48 : i32
    %shift_left3A_50 = arith.constant 7 : i32
    %shift_left3A_51 = arith.shli %shift_right_arithmetic3A_49, %shift_left3A_50 : i32
    %multiple_of3A_52 = tpu.assume_multiple %shift_left3A_51, 128 : i32
    %dma_start3A_53 = arith.constant 1 : i32
    %dma_start3A_54 = arith.constant 0 : i32
    %dma_start3A_55 = arith.constant 1 : i32
    %dma_start3A_56 = arith.constant 0 : i32
    %dma_start3A_57 = arith.constant 0 : i32
    %dma_start3A_58 = tpu.memref_slice %arg6[%dma_start3A_53, %dma_start3A_54, %dma_start3A_56, %dma_start3A_57] : memref<7x2x64x128xf32, #tpu.memory_space<vmem>> -> memref<1x1x64x128xf32, #tpu.memory_space<vmem>>
    %dma_start3A_59 = tpu.memref_squeeze %dma_start3A_58 : memref<1x1x64x128xf32, #tpu.memory_space<vmem>> -> memref<64x128xf32, #tpu.memory_space<vmem>>
    %dma_start3A_60 = arith.constant 0 : i32
    %dma_start3A_61 = tpu.memref_slice %arg3[%dma_start3A_60, %multiple_of3A_52] : memref<64x1000001xf32, #tpu.memory_space<hbm>> -> memref<64x128xf32, #tpu.memory_space<hbm>>
    %dma_start3A_62 = tpu.memref_slice %arg8[%dma_start3A_55] : memref<7x!tpu.dma_semaphore, #tpu.memory_space<semaphore_mem>> -> memref<1x!tpu.dma_semaphore, #tpu.memory_space<semaphore_mem>>
    %dma_start3A_63 = tpu.memref_squeeze %dma_start3A_62 : memref<1x!tpu.dma_semaphore, #tpu.memory_space<semaphore_mem>> -> memref<!tpu.dma_semaphore, #tpu.memory_space<semaphore_mem>>
    %dma_start3A_64 = arith.constant 0 : i32
    %dma_start3A_65 = arith.constant 0 : i32
    %dma_start3A_66 = tpu.memref_slice %arg6[%dma_start3A_53, %dma_start3A_54, %dma_start3A_64, %dma_start3A_65] : memref<7x2x64x128xf32, #tpu.memory_space<vmem>> -> memref<1x1x64x128xf32, #tpu.memory_space<vmem>>
    %dma_start3A_67 = tpu.memref_squeeze %dma_start3A_66 : memref<1x1x64x128xf32, #tpu.memory_space<vmem>> -> memref<64x128xf32, #tpu.memory_space<vmem>>
    %dma_start3A_68 = arith.constant 0 : i32
    %dma_start3A_69 = tpu.memref_slice %arg3[%dma_start3A_68, %multiple_of3A_52] : memref<64x1000001xf32, #tpu.memory_space<hbm>> -> memref<64x128xf32, #tpu.memory_space<hbm>>
    tpu.enqueue_dma source(%dma_start3A_69 : memref<64x128xf32, #tpu.memory_space<hbm>>) target(%dma_start3A_67 : memref<64x128xf32, #tpu.memory_space<vmem>>) target_semaphore(%dma_start3A_63 : memref<!tpu.dma_semaphore, #tpu.memory_space<semaphore_mem>>)
    %slice3A_70 = vector.extract_strided_slice %get3A_45 {offsets = [1], sizes = [1], strides = [1]} : vector<16xi32> to vector<1xi32>
    %squeeze3A_71 = vector.extract %slice3A_70[0] : i32 from vector<1xi32>
    %shift_right_arithmetic3A_72 = arith.constant 7 : i32
    %shift_right_arithmetic3A_73 = arith.shrsi %squeeze3A_71, %shift_right_arithmetic3A_72 : i32
    %shift_left3A_74 = arith.constant 7 : i32
    %shift_left3A_75 = arith.shli %shift_right_arithmetic3A_73, %shift_left3A_74 : i32
    %multiple_of3A_76 = tpu.assume_multiple %shift_left3A_75, 128 : i32
    %dma_start3A_77 = arith.constant 1 : i32
    %dma_start3A_78 = arith.constant 1 : i32
    %dma_start3A_79 = arith.constant 1 : i32
    %dma_start3A_80 = arith.constant 0 : i32
    %dma_start3A_81 = arith.constant 0 : i32
    %dma_start3A_82 = tpu.memref_slice %arg6[%dma_start3A_77, %dma_start3A_78, %dma_start3A_80, %dma_start3A_81] : memref<7x2x64x128xf32, #tpu.memory_space<vmem>> -> memref<1x1x64x128xf32, #tpu.memory_space<vmem>>
    %dma_start3A_83 = tpu.memref_squeeze %dma_start3A_82 : memref<1x1x64x128xf32, #tpu.memory_space<vmem>> -> memref<64x128xf32, #tpu.memory_space<vmem>>
    %dma_start3A_84 = arith.constant 0 : i32
    %dma_start3A_85 = tpu.memref_slice %arg3[%dma_start3A_84, %multiple_of3A_76] : memref<64x1000001xf32, #tpu.memory_space<hbm>> -> memref<64x128xf32, #tpu.memory_space<hbm>>
    %dma_start3A_86 = tpu.memref_slice %arg8[%dma_start3A_79] : memref<7x!tpu.dma_semaphore, #tpu.memory_space<semaphore_mem>> -> memref<1x!tpu.dma_semaphore, #tpu.memory_space<semaphore_mem>>
    %dma_start3A_87 = tpu.memref_squeeze %dma_start3A_86 : memref<1x!tpu.dma_semaphore, #tpu.memory_space<semaphore_mem>> -> memref<!tpu.dma_semaphore, #tpu.memory_space<semaphore_mem>>
    %dma_start3A_88 = arith.constant 0 : i32
    %dma_start3A_89 = arith.constant 0 : i32
    %dma_start3A_90 = tpu.memref_slice %arg6[%dma_start3A_77, %dma_start3A_78, %dma_start3A_88, %dma_start3A_89] : memref<7x2x64x128xf32, #tpu.memory_space<vmem>> -> memref<1x1x64x128xf32, #tpu.memory_space<vmem>>
    %dma_start3A_91 = tpu.memref_squeeze %dma_start3A_90 : memref<1x1x64x128xf32, #tpu.memory_space<vmem>> -> memref<64x128xf32, #tpu.memory_space<vmem>>
    %dma_start3A_92 = arith.constant 0 : i32
    %dma_start3A_93 = tpu.memref_slice %arg3[%dma_start3A_92, %multiple_of3A_76] : memref<64x1000001xf32, #tpu.memory_space<hbm>> -> memref<64x128xf32, #tpu.memory_space<hbm>>
    tpu.enqueue_dma source(%dma_start3A_93 : memref<64x128xf32, #tpu.memory_space<hbm>>) target(%dma_start3A_91 : memref<64x128xf32, #tpu.memory_space<vmem>>) target_semaphore(%dma_start3A_87 : memref<!tpu.dma_semaphore, #tpu.memory_space<semaphore_mem>>)
    %get3A_94 = arith.constant 4 : index
    %get3A_95 = tpu.vector_load %arg5[%get3A_94] {strides = array<i32>} : memref<528xi32, #tpu.memory_space<vmem>>, vector<16xi32>,
    %slice3A_96 = vector.extract_strided_slice %get3A_95 {offsets = [0], sizes = [1], strides = [1]} : vector<16xi32> to vector<1xi32>
    %squeeze3A_97 = vector.extract %slice3A_96[0] : i32 from vector<1xi32>
    %shift_right_arithmetic3A_98 = arith.constant 7 : i32
    %shift_right_arithmetic3A_99 = arith.shrsi %squeeze3A_97, %shift_right_arithmetic3A_98 : i32
    %shift_left3A_100 = arith.constant 7 : i32
    %shift_left3A_101 = arith.shli %shift_right_arithmetic3A_99, %shift_left3A_100 : i32
    %multiple_of3A_102 = tpu.assume_multiple %shift_left3A_101, 128 : i32
    %dma_start3A_103 = arith.constant 2 : i32
    %dma_start3A_104 = arith.constant 0 : i32
    %dma_start3A_105 = arith.constant 2 : i32
    %dma_start3A_106 = arith.constant 0 : i32
    %dma_start3A_107 = arith.constant 0 : i32
    %dma_start3A_108 = tpu.memref_slice %arg6[%dma_start3A_103, %dma_start3A_104, %dma_start3A_106, %dma_start3A_107] : memref<7x2x64x128xf32, #tpu.memory_space<vmem>> -> memref<1x1x64x128xf32, #tpu.memory_space<vmem>>
    %dma_start3A_109 = tpu.memref_squeeze %dma_start3A_108 : memref<1x1x64x128xf32, #tpu.memory_space<vmem>> -> memref<64x128xf32, #tpu.memory_space<vmem>>
    %dma_start3A_110 = arith.constant 0 : i32
    %dma_start3A_111 = tpu.memref_slice %arg3[%dma_start3A_110, %multiple_of3A_102] : memref<64x1000001xf32, #tpu.memory_space<hbm>> -> memref<64x128xf32, #tpu.memory_space<hbm>>
    %dma_start3A_112 = tpu.memref_slice %arg8[%dma_start3A_105] : memref<7x!tpu.dma_semaphore, #tpu.memory_space<semaphore_mem>> -> memref<1x!tpu.dma_semaphore, #tpu.memory_space<semaphore_mem>>
    %dma_start3A_113 = tpu.memref_squeeze %dma_start3A_112 : memref<1x!tpu.dma_semaphore, #tpu.memory_space<semaphore_mem>> -> memref<!tpu.dma_semaphore, #tpu.memory_space<semaphore_mem>>
    %dma_start3A_114 = arith.constant 0 : i32
    %dma_start3A_115 = arith.constant 0 : i32
    %dma_start3A_116 = tpu.memref_slice %arg6[%dma_start3A_103, %dma_start3A_104, %dma_start3A_114, %dma_start3A_115] : memref<7x2x64x128xf32, #tpu.memory_space<vmem>> -> memref<1x1x64x128xf32, #tpu.memory_space<vmem>>
    %dma_start3A_117 = tpu.memref_squeeze %dma_start3A_116 : memref<1x1x64x128xf32, #tpu.memory_space<vmem>> -> memref<64x128xf32, #tpu.memory_space<vmem>>
    %dma_start3A_118 = arith.constant 0 : i32
    %dma_start3A_119 = tpu.memref_slice %arg3[%dma_start3A_118, %multiple_of3A_102] : memref<64x1000001xf32, #tpu.memory_space<hbm>> -> memref<64x128xf32, #tpu.memory_space<hbm>>
    tpu.enqueue_dma source(%dma_start3A_119 : memref<64x128xf32, #tpu.memory_space<hbm>>) target(%dma_start3A_117 : memref<64x128xf32, #tpu.memory_space<vmem>>) target_semaphore(%dma_start3A_113 : memref<!tpu.dma_semaphore, #tpu.memory_space<semaphore_mem>>)
    %slice3A_120 = vector.extract_strided_slice %get3A_95 {offsets = [1], sizes = [1], strides = [1]} : vector<16xi32> to vector<1xi32>
    %squeeze3A_121 = vector.extract %slice3A_120[0] : i32 from vector<1xi32>
    %shift_right_arithmetic3A_122 = arith.constant 7 : i32
    %shift_right_arithmetic3A_123 = arith.shrsi %squeeze3A_121, %shift_right_arithmetic3A_122 : i32
    %shift_left3A_124 = arith.constant 7 : i32
    %shift_left3A_125 = arith.shli %shift_right_arithmetic3A_123, %shift_left3A_124 : i32
    %multiple_of3A_126 = tpu.assume_multiple %shift_left3A_125, 128 : i32
    %dma_start3A_127 = arith.constant 2 : i32
    %dma_start3A_128 = arith.constant 1 : i32
    %dma_start3A_129 = arith.constant 2 : i32
    %dma_start3A_130 = arith.constant 0 : i32
    %dma_start3A_131 = arith.constant 0 : i32
    %dma_start3A_132 = tpu.memref_slice %arg6[%dma_start3A_127, %dma_start3A_128, %dma_start3A_130, %dma_start3A_131] : memref<7x2x64x128xf32, #tpu.memory_space<vmem>> -> memref<1x1x64x128xf32, #tpu.memory_space<vmem>>
    %dma_start3A_133 = tpu.memref_squeeze %dma_start3A_132 : memref<1x1x64x128xf32, #tpu.memory_space<vmem>> -> memref<64x128xf32, #tpu.memory_space<vmem>>
    %dma_start3A_134 = arith.constant 0 : i32
    %dma_start3A_135 = tpu.memref_slice %arg3[%dma_start3A_134, %multiple_of3A_126] : memref<64x1000001xf32, #tpu.memory_space<hbm>> -> memref<64x128xf32, #tpu.memory_space<hbm>>
    %dma_start3A_136 = tpu.memref_slice %arg8[%dma_start3A_129] : memref<7x!tpu.dma_semaphore, #tpu.memory_space<semaphore_mem>> -> memref<1x!tpu.dma_semaphore, #tpu.memory_space<semaphore_mem>>
    %dma_start3A_137 = tpu.memref_squeeze %dma_start3A_136 : memref<1x!tpu.dma_semaphore, #tpu.memory_space<semaphore_mem>> -> memref<!tpu.dma_semaphore, #tpu.memory_space<semaphore_mem>>
    %dma_start3A_138 = arith.constant 0 : i32
    %dma_start3A_139 = arith.constant 0 : i32
    %dma_start3A_140 = tpu.memref_slice %arg6[%dma_start3A_127, %dma_start3A_128, %dma_start3A_138, %dma_start3A_139] : memref<7x2x64x128xf32, #tpu.memory_space<vmem>> -> memref<1x1x64x128xf32, #tpu.memory_space<vmem>>
    %dma_start3A_141 = tpu.memref_squeeze %dma_start3A_140 : memref<1x1x64x128xf32, #tpu.memory_space<vmem>> -> memref<64x128xf32, #tpu.memory_space<vmem>>
    %dma_start3A_142 = arith.constant 0 : i32
    %dma_start3A_143 = tpu.memref_slice %arg3[%dma_start3A_142, %multiple_of3A_126] : memref<64x1000001xf32, #tpu.memory_space<hbm>> -> memref<64x128xf32, #tpu.memory_space<hbm>>
    tpu.enqueue_dma source(%dma_start3A_143 : memref<64x128xf32, #tpu.memory_space<hbm>>) target(%dma_start3A_141 : memref<64x128xf32, #tpu.memory_space<vmem>>) target_semaphore(%dma_start3A_137 : memref<!tpu.dma_semaphore, #tpu.memory_space<semaphore_mem>>)
    %get3A_144 = arith.constant 6 : index
    %get3A_145 = tpu.vector_load %arg5[%get3A_144] {strides = array<i32>} : memref<528xi32, #tpu.memory_space<vmem>>, vector<16xi32>,
    %slice3A_146 = vector.extract_strided_slice %get3A_145 {offsets = [0], sizes = [1], strides = [1]} : vector<16xi32> to vector<1xi32>
    %squeeze3A_147 = vector.extract %slice3A_146[0] : i32 from vector<1xi32>
    %shift_right_arithmetic3A_148 = arith.constant 7 : i32
    %shift_right_arithmetic3A_149 = arith.shrsi %squeeze3A_147, %shift_right_arithmetic3A_148 : i32
    %shift_left3A_150 = arith.constant 7 : i32
    %shift_left3A_151 = arith.shli %shift_right_arithmetic3A_149, %shift_left3A_150 : i32
    %multiple_of3A_152 = tpu.assume_multiple %shift_left3A_151, 128 : i32
    %dma_start3A_153 = arith.constant 3 : i32
    %dma_start3A_154 = arith.constant 0 : i32
    %dma_start3A_155 = arith.constant 3 : i32
    %dma_start3A_156 = arith.constant 0 : i32
    %dma_start3A_157 = arith.constant 0 : i32
    %dma_start3A_158 = tpu.memref_slice %arg6[%dma_start3A_153, %dma_start3A_154, %dma_start3A_156, %dma_start3A_157] : memref<7x2x64x128xf32, #tpu.memory_space<vmem>> -> memref<1x1x64x128xf32, #tpu.memory_space<vmem>>
    %dma_start3A_159 = tpu.memref_squeeze %dma_start3A_158 : memref<1x1x64x128xf32, #tpu.memory_space<vmem>> -> memref<64x128xf32, #tpu.memory_space<vmem>>
    %dma_start3A_160 = arith.constant 0 : i32
    %dma_start3A_161 = tpu.memref_slice %arg3[%dma_start3A_160, %multiple_of3A_152] : memref<64x1000001xf32, #tpu.memory_space<hbm>> -> memref<64x128xf32, #tpu.memory_space<hbm>>
    %dma_start3A_162 = tpu.memref_slice %arg8[%dma_start3A_155] : memref<7x!tpu.dma_semaphore, #tpu.memory_space<semaphore_mem>> -> memref<1x!tpu.dma_semaphore, #tpu.memory_space<semaphore_mem>>
    %dma_start3A_163 = tpu.memref_squeeze %dma_start3A_162 : memref<1x!tpu.dma_semaphore, #tpu.memory_space<semaphore_mem>> -> memref<!tpu.dma_semaphore, #tpu.memory_space<semaphore_mem>>
    %dma_start3A_164 = arith.constant 0 : i32
    %dma_start3A_165 = arith.constant 0 : i32
    %dma_start3A_166 = tpu.memref_slice %arg6[%dma_start3A_153, %dma_start3A_154, %dma_start3A_164, %dma_start3A_165] : memref<7x2x64x128xf32, #tpu.memory_space<vmem>> -> memref<1x1x64x128xf32, #tpu.memory_space<vmem>>
    %dma_start3A_167 = tpu.memref_squeeze %dma_start3A_166 : memref<1x1x64x128xf32, #tpu.memory_space<vmem>> -> memref<64x128xf32, #tpu.memory_space<vmem>>
    %dma_start3A_168 = arith.constant 0 : i32
    %dma_start3A_169 = tpu.memref_slice %arg3[%dma_start3A_168, %multiple_of3A_152] : memref<64x1000001xf32, #tpu.memory_space<hbm>> -> memref<64x128xf32, #tpu.memory_space<hbm>>
    tpu.enqueue_dma source(%dma_start3A_169 : memref<64x128xf32, #tpu.memory_space<hbm>>) target(%dma_start3A_167 : memref<64x128xf32, #tpu.memory_space<vmem>>) target_semaphore(%dma_start3A_163 : memref<!tpu.dma_semaphore, #tpu.memory_space<semaphore_mem>>)
    %slice3A_170 = vector.extract_strided_slice %get3A_145 {offsets = [1], sizes = [1], strides = [1]} : vector<16xi32> to vector<1xi32>
    %squeeze3A_171 = vector.extract %slice3A_170[0] : i32 from vector<1xi32>
    %shift_right_arithmetic3A_172 = arith.constant 7 : i32
    %shift_right_arithmetic3A_173 = arith.shrsi %squeeze3A_171, %shift_right_arithmetic3A_172 : i32
    %shift_left3A_174 = arith.constant 7 : i32
    %shift_left3A_175 = arith.shli %shift_right_arithmetic3A_173, %shift_left3A_174 : i32
    %multiple_of3A_176 = tpu.assume_multiple %shift_left3A_175, 128 : i32
    %dma_start3A_177 = arith.constant 3 : i32
    %dma_start3A_178 = arith.constant 1 : i32
    %dma_start3A_179 = arith.constant 3 : i32
    %dma_start3A_180 = arith.constant 0 : i32
    %dma_start3A_181 = arith.constant 0 : i32
    %dma_start3A_182 = tpu.memref_slice %arg6[%dma_start3A_177, %dma_start3A_178, %dma_start3A_180, %dma_start3A_181] : memref<7x2x64x128xf32, #tpu.memory_space<vmem>> -> memref<1x1x64x128xf32, #tpu.memory_space<vmem>>
    %dma_start3A_183 = tpu.memref_squeeze %dma_start3A_182 : memref<1x1x64x128xf32, #tpu.memory_space<vmem>> -> memref<64x128xf32, #tpu.memory_space<vmem>>
    %dma_start3A_184 = arith.constant 0 : i32
    %dma_start3A_185 = tpu.memref_slice %arg3[%dma_start3A_184, %multiple_of3A_176] : memref<64x1000001xf32, #tpu.memory_space<hbm>> -> memref<64x128xf32, #tpu.memory_space<hbm>>
    %dma_start3A_186 = tpu.memref_slice %arg8[%dma_start3A_179] : memref<7x!tpu.dma_semaphore, #tpu.memory_space<semaphore_mem>> -> memref<1x!tpu.dma_semaphore, #tpu.memory_space<semaphore_mem>>
    %dma_start3A_187 = tpu.memref_squeeze %dma_start3A_186 : memref<1x!tpu.dma_semaphore, #tpu.memory_space<semaphore_mem>> -> memref<!tpu.dma_semaphore, #tpu.memory_space<semaphore_mem>>
    %dma_start3A_188 = arith.constant 0 : i32
    %dma_start3A_189 = arith.constant 0 : i32
    %dma_start3A_190 = tpu.memref_slice %arg6[%dma_start3A_177, %dma_start3A_178, %dma_start3A_188, %dma_start3A_189] : memref<7x2x64x128xf32, #tpu.memory_space<vmem>> -> memref<1x1x64x128xf32, #tpu.memory_space<vmem>>
    %dma_start3A_191 = tpu.memref_squeeze %dma_start3A_190 : memref<1x1x64x128xf32, #tpu.memory_space<vmem>> -> memref<64x128xf32, #tpu.memory_space<vmem>>
    %dma_start3A_192 = arith.constant 0 : i32
    %dma_start3A_193 = tpu.memref_slice %arg3[%dma_start3A_192, %multiple_of3A_176] : memref<64x1000001xf32, #tpu.memory_space<hbm>> -> memref<64x128xf32, #tpu.memory_space<hbm>>
    tpu.enqueue_dma source(%dma_start3A_193 : memref<64x128xf32, #tpu.memory_space<hbm>>) target(%dma_start3A_191 : memref<64x128xf32, #tpu.memory_space<vmem>>) target_semaphore(%dma_start3A_187 : memref<!tpu.dma_semaphore, #tpu.memory_space<semaphore_mem>>)
    %get3A_194 = arith.constant 8 : index
    %get3A_195 = tpu.vector_load %arg5[%get3A_194] {strides = array<i32>} : memref<528xi32, #tpu.memory_space<vmem>>, vector<16xi32>,
    %slice3A_196 = vector.extract_strided_slice %get3A_195 {offsets = [0], sizes = [1], strides = [1]} : vector<16xi32> to vector<1xi32>
    %squeeze3A_197 = vector.extract %slice3A_196[0] : i32 from vector<1xi32>
    %shift_right_arithmetic3A_198 = arith.constant 7 : i32
    %shift_right_arithmetic3A_199 = arith.shrsi %squeeze3A_197, %shift_right_arithmetic3A_198 : i32
    %shift_left3A_200 = arith.constant 7 : i32
    %shift_left3A_201 = arith.shli %shift_right_arithmetic3A_199, %shift_left3A_200 : i32
    %multiple_of3A_202 = tpu.assume_multiple %shift_left3A_201, 128 : i32
    %dma_start3A_203 = arith.constant 4 : i32
    %dma_start3A_204 = arith.constant 0 : i32
    %dma_start3A_205 = arith.constant 4 : i32
    %dma_start3A_206 = arith.constant 0 : i32
    %dma_start3A_207 = arith.constant 0 : i32
    %dma_start3A_208 = tpu.memref_slice %arg6[%dma_start3A_203, %dma_start3A_204, %dma_start3A_206, %dma_start3A_207] : memref<7x2x64x128xf32, #tpu.memory_space<vmem>> -> memref<1x1x64x128xf32, #tpu.memory_space<vmem>>
    %dma_start3A_209 = tpu.memref_squeeze %dma_start3A_208 : memref<1x1x64x128xf32, #tpu.memory_space<vmem>> -> memref<64x128xf32, #tpu.memory_space<vmem>>
    %dma_start3A_210 = arith.constant 0 : i32
    %dma_start3A_211 = tpu.memref_slice %arg3[%dma_start3A_210, %multiple_of3A_202] : memref<64x1000001xf32, #tpu.memory_space<hbm>> -> memref<64x128xf32, #tpu.memory_space<hbm>>
    %dma_start3A_212 = tpu.memref_slice %arg8[%dma_start3A_205] : memref<7x!tpu.dma_semaphore, #tpu.memory_space<semaphore_mem>> -> memref<1x!tpu.dma_semaphore, #tpu.memory_space<semaphore_mem>>
    %dma_start3A_213 = tpu.memref_squeeze %dma_start3A_212 : memref<1x!tpu.dma_semaphore, #tpu.memory_space<semaphore_mem>> -> memref<!tpu.dma_semaphore, #tpu.memory_space<semaphore_mem>>
    %dma_start3A_214 = arith.constant 0 : i32
    %dma_start3A_215 = arith.constant 0 : i32
    %dma_start3A_216 = tpu.memref_slice %arg6[%dma_start3A_203, %dma_start3A_204, %dma_start3A_214, %dma_start3A_215] : memref<7x2x64x128xf32, #tpu.memory_space<vmem>> -> memref<1x1x64x128xf32, #tpu.memory_space<vmem>>
    %dma_start3A_217 = tpu.memref_squeeze %dma_start3A_216 : memref<1x1x64x128xf32, #tpu.memory_space<vmem>> -> memref<64x128xf32, #tpu.memory_space<vmem>>
    %dma_start3A_218 = arith.constant 0 : i32
    %dma_start3A_219 = tpu.memref_slice %arg3[%dma_start3A_218, %multiple_of3A_202] : memref<64x1000001xf32, #tpu.memory_space<hbm>> -> memref<64x128xf32, #tpu.memory_space<hbm>>
    tpu.enqueue_dma source(%dma_start3A_219 : memref<64x128xf32, #tpu.memory_space<hbm>>) target(%dma_start3A_217 : memref<64x128xf32, #tpu.memory_space<vmem>>) target_semaphore(%dma_start3A_213 : memref<!tpu.dma_semaphore, #tpu.memory_space<semaphore_mem>>)
    %slice3A_220 = vector.extract_strided_slice %get3A_195 {offsets = [1], sizes = [1], strides = [1]} : vector<16xi32> to vector<1xi32>
    %squeeze3A_221 = vector.extract %slice3A_220[0] : i32 from vector<1xi32>
    %shift_right_arithmetic3A_222 = arith.constant 7 : i32
    %shift_right_arithmetic3A_223 = arith.shrsi %squeeze3A_221, %shift_right_arithmetic3A_222 : i32
    %shift_left3A_224 = arith.constant 7 : i32
    %shift_left3A_225 = arith.shli %shift_right_arithmetic3A_223, %shift_left3A_224 : i32
    %multiple_of3A_226 = tpu.assume_multiple %shift_left3A_225, 128 : i32
    %dma_start3A_227 = arith.constant 4 : i32
    %dma_start3A_228 = arith.constant 1 : i32
    %dma_start3A_229 = arith.constant 4 : i32
    %dma_start3A_230 = arith.constant 0 : i32
    %dma_start3A_231 = arith.constant 0 : i32
    %dma_start3A_232 = tpu.memref_slice %arg6[%dma_start3A_227, %dma_start3A_228, %dma_start3A_230, %dma_start3A_231] : memref<7x2x64x128xf32, #tpu.memory_space<vmem>> -> memref<1x1x64x128xf32, #tpu.memory_space<vmem>>
    %dma_start3A_233 = tpu.memref_squeeze %dma_start3A_232 : memref<1x1x64x128xf32, #tpu.memory_space<vmem>> -> memref<64x128xf32, #tpu.memory_space<vmem>>
    %dma_start3A_234 = arith.constant 0 : i32
    %dma_start3A_235 = tpu.memref_slice %arg3[%dma_start3A_234, %multiple_of3A_226] : memref<64x1000001xf32, #tpu.memory_space<hbm>> -> memref<64x128xf32, #tpu.memory_space<hbm>>
    %dma_start3A_236 = tpu.memref_slice %arg8[%dma_start3A_229] : memref<7x!tpu.dma_semaphore, #tpu.memory_space<semaphore_mem>> -> memref<1x!tpu.dma_semaphore, #tpu.memory_space<semaphore_mem>>
    %dma_start3A_237 = tpu.memref_squeeze %dma_start3A_236 : memref<1x!tpu.dma_semaphore, #tpu.memory_space<semaphore_mem>> -> memref<!tpu.dma_semaphore, #tpu.memory_space<semaphore_mem>>
    %dma_start3A_238 = arith.constant 0 : i32
    %dma_start3A_239 = arith.constant 0 : i32
    %dma_start3A_240 = tpu.memref_slice %arg6[%dma_start3A_227, %dma_start3A_228, %dma_start3A_238, %dma_start3A_239] : memref<7x2x64x128xf32, #tpu.memory_space<vmem>> -> memref<1x1x64x128xf32, #tpu.memory_space<vmem>>
    %dma_start3A_241 = tpu.memref_squeeze %dma_start3A_240 : memref<1x1x64x128xf32, #tpu.memory_space<vmem>> -> memref<64x128xf32, #tpu.memory_space<vmem>>
    %dma_start3A_242 = arith.constant 0 : i32
    %dma_start3A_243 = tpu.memref_slice %arg3[%dma_start3A_242, %multiple_of3A_226] : memref<64x1000001xf32, #tpu.memory_space<hbm>> -> memref<64x128xf32, #tpu.memory_space<hbm>>
    tpu.enqueue_dma source(%dma_start3A_243 : memref<64x128xf32, #tpu.memory_space<hbm>>) target(%dma_start3A_241 : memref<64x128xf32, #tpu.memory_space<vmem>>) target_semaphore(%dma_start3A_237 : memref<!tpu.dma_semaphore, #tpu.memory_space<semaphore_mem>>)
    %get3A_244 = arith.constant 10 : index
    %get3A_245 = tpu.vector_load %arg5[%get3A_244] {strides = array<i32>} : memref<528xi32, #tpu.memory_space<vmem>>, vector<16xi32>,
    %slice3A_246 = vector.extract_strided_slice %get3A_245 {offsets = [0], sizes = [1], strides = [1]} : vector<16xi32> to vector<1xi32>
    %squeeze3A_247 = vector.extract %slice3A_246[0] : i32 from vector<1xi32>
    %shift_right_arithmetic3A_248 = arith.constant 7 : i32
    %shift_right_arithmetic3A_249 = arith.shrsi %squeeze3A_247, %shift_right_arithmetic3A_248 : i32
    %shift_left3A_250 = arith.constant 7 : i32
    %shift_left3A_251 = arith.shli %shift_right_arithmetic3A_249, %shift_left3A_250 : i32
    %multiple_of3A_252 = tpu.assume_multiple %shift_left3A_251, 128 : i32
    %dma_start3A_253 = arith.constant 5 : i32
    %dma_start3A_254 = arith.constant 0 : i32
    %dma_start3A_255 = arith.constant 5 : i32
    %dma_start3A_256 = arith.constant 0 : i32
    %dma_start3A_257 = arith.constant 0 : i32
    %dma_start3A_258 = tpu.memref_slice %arg6[%dma_start3A_253, %dma_start3A_254, %dma_start3A_256, %dma_start3A_257] : memref<7x2x64x128xf32, #tpu.memory_space<vmem>> -> memref<1x1x64x128xf32, #tpu.memory_space<vmem>>
    %dma_start3A_259 = tpu.memref_squeeze %dma_start3A_258 : memref<1x1x64x128xf32, #tpu.memory_space<vmem>> -> memref<64x128xf32, #tpu.memory_space<vmem>>
    %dma_start3A_260 = arith.constant 0 : i32
    %dma_start3A_261 = tpu.memref_slice %arg3[%dma_start3A_260, %multiple_of3A_252] : memref<64x1000001xf32, #tpu.memory_space<hbm>> -> memref<64x128xf32, #tpu.memory_space<hbm>>
    %dma_start3A_262 = tpu.memref_slice %arg8[%dma_start3A_255] : memref<7x!tpu.dma_semaphore, #tpu.memory_space<semaphore_mem>> -> memref<1x!tpu.dma_semaphore, #tpu.memory_space<semaphore_mem>>
    %dma_start3A_263 = tpu.memref_squeeze %dma_start3A_262 : memref<1x!tpu.dma_semaphore, #tpu.memory_space<semaphore_mem>> -> memref<!tpu.dma_semaphore, #tpu.memory_space<semaphore_mem>>
    %dma_start3A_264 = arith.constant 0 : i32
    %dma_start3A_265 = arith.constant 0 : i32
    %dma_start3A_266 = tpu.memref_slice %arg6[%dma_start3A_253, %dma_start3A_254, %dma_start3A_264, %dma_start3A_265] : memref<7x2x64x128xf32, #tpu.memory_space<vmem>> -> memref<1x1x64x128xf32, #tpu.memory_space<vmem>>
    %dma_start3A_267 = tpu.memref_squeeze %dma_start3A_266 : memref<1x1x64x128xf32, #tpu.memory_space<vmem>> -> memref<64x128xf32, #tpu.memory_space<vmem>>
    %dma_start3A_268 = arith.constant 0 : i32
    %dma_start3A_269 = tpu.memref_slice %arg3[%dma_start3A_268, %multiple_of3A_252] : memref<64x1000001xf32, #tpu.memory_space<hbm>> -> memref<64x128xf32, #tpu.memory_space<hbm>>
    tpu.enqueue_dma source(%dma_start3A_269 : memref<64x128xf32, #tpu.memory_space<hbm>>) target(%dma_start3A_267 : memref<64x128xf32, #tpu.memory_space<vmem>>) target_semaphore(%dma_start3A_263 : memref<!tpu.dma_semaphore, #tpu.memory_space<semaphore_mem>>)
    %slice3A_270 = vector.extract_strided_slice %get3A_245 {offsets = [1], sizes = [1], strides = [1]} : vector<16xi32> to vector<1xi32>
    %squeeze3A_271 = vector.extract %slice3A_270[0] : i32 from vector<1xi32>
    %shift_right_arithmetic3A_272 = arith.constant 7 : i32
    %shift_right_arithmetic3A_273 = arith.shrsi %squeeze3A_271, %shift_right_arithmetic3A_272 : i32
    %shift_left3A_274 = arith.constant 7 : i32
    %shift_left3A_275 = arith.shli %shift_right_arithmetic3A_273, %shift_left3A_274 : i32
    %multiple_of3A_276 = tpu.assume_multiple %shift_left3A_275, 128 : i32
    %dma_start3A_277 = arith.constant 5 : i32
    %dma_start3A_278 = arith.constant 1 : i32
    %dma_start3A_279 = arith.constant 5 : i32
    %dma_start3A_280 = arith.constant 0 : i32
    %dma_start3A_281 = arith.constant 0 : i32
    %dma_start3A_282 = tpu.memref_slice %arg6[%dma_start3A_277, %dma_start3A_278, %dma_start3A_280, %dma_start3A_281] : memref<7x2x64x128xf32, #tpu.memory_space<vmem>> -> memref<1x1x64x128xf32, #tpu.memory_space<vmem>>
    %dma_start3A_283 = tpu.memref_squeeze %dma_start3A_282 : memref<1x1x64x128xf32, #tpu.memory_space<vmem>> -> memref<64x128xf32, #tpu.memory_space<vmem>>
    %dma_start3A_284 = arith.constant 0 : i32
    %dma_start3A_285 = tpu.memref_slice %arg3[%dma_start3A_284, %multiple_of3A_276] : memref<64x1000001xf32, #tpu.memory_space<hbm>> -> memref<64x128xf32, #tpu.memory_space<hbm>>
    %dma_start3A_286 = tpu.memref_slice %arg8[%dma_start3A_279] : memref<7x!tpu.dma_semaphore, #tpu.memory_space<semaphore_mem>> -> memref<1x!tpu.dma_semaphore, #tpu.memory_space<semaphore_mem>>
    %dma_start3A_287 = tpu.memref_squeeze %dma_start3A_286 : memref<1x!tpu.dma_semaphore, #tpu.memory_space<semaphore_mem>> -> memref<!tpu.dma_semaphore, #tpu.memory_space<semaphore_mem>>
    %dma_start3A_288 = arith.constant 0 : i32
    %dma_start3A_289 = arith.constant 0 : i32
    %dma_start3A_290 = tpu.memref_slice %arg6[%dma_start3A_277, %dma_start3A_278, %dma_start3A_288, %dma_start3A_289] : memref<7x2x64x128xf32, #tpu.memory_space<vmem>> -> memref<1x1x64x128xf32, #tpu.memory_space<vmem>>
    %dma_start3A_291 = tpu.memref_squeeze %dma_start3A_290 : memref<1x1x64x128xf32, #tpu.memory_space<vmem>> -> memref<64x128xf32, #tpu.memory_space<vmem>>
    %dma_start3A_292 = arith.constant 0 : i32
    %dma_start3A_293 = tpu.memref_slice %arg3[%dma_start3A_292, %multiple_of3A_276] : memref<64x1000001xf32, #tpu.memory_space<hbm>> -> memref<64x128xf32, #tpu.memory_space<hbm>>
    tpu.enqueue_dma source(%dma_start3A_293 : memref<64x128xf32, #tpu.memory_space<hbm>>) target(%dma_start3A_291 : memref<64x128xf32, #tpu.memory_space<vmem>>) target_semaphore(%dma_start3A_287 : memref<!tpu.dma_semaphore, #tpu.memory_space<semaphore_mem>>)
    %get3A_294 = arith.constant 12 : index
    %get3A_295 = tpu.vector_load %arg5[%get3A_294] {strides = array<i32>} : memref<528xi32, #tpu.memory_space<vmem>>, vector<16xi32>,
    %slice3A_296 = vector.extract_strided_slice %get3A_295 {offsets = [0], sizes = [1], strides = [1]} : vector<16xi32> to vector<1xi32>
    %squeeze3A_297 = vector.extract %slice3A_296[0] : i32 from vector<1xi32>
    %shift_right_arithmetic3A_298 = arith.constant 7 : i32
    %shift_right_arithmetic3A_299 = arith.shrsi %squeeze3A_297, %shift_right_arithmetic3A_298 : i32
    %shift_left3A_300 = arith.constant 7 : i32
    %shift_left3A_301 = arith.shli %shift_right_arithmetic3A_299, %shift_left3A_300 : i32
    %multiple_of3A_302 = tpu.assume_multiple %shift_left3A_301, 128 : i32
    %dma_start3A_303 = arith.constant 6 : i32
    %dma_start3A_304 = arith.constant 0 : i32
    %dma_start3A_305 = arith.constant 6 : i32
    %dma_start3A_306 = arith.constant 0 : i32
    %dma_start3A_307 = arith.constant 0 : i32
    %dma_start3A_308 = tpu.memref_slice %arg6[%dma_start3A_303, %dma_start3A_304, %dma_start3A_306, %dma_start3A_307] : memref<7x2x64x128xf32, #tpu.memory_space<vmem>> -> memref<1x1x64x128xf32, #tpu.memory_space<vmem>>
    %dma_start3A_309 = tpu.memref_squeeze %dma_start3A_308 : memref<1x1x64x128xf32, #tpu.memory_space<vmem>> -> memref<64x128xf32, #tpu.memory_space<vmem>>
    %dma_start3A_310 = arith.constant 0 : i32
    %dma_start3A_311 = tpu.memref_slice %arg3[%dma_start3A_310, %multiple_of3A_302] : memref<64x1000001xf32, #tpu.memory_space<hbm>> -> memref<64x128xf32, #tpu.memory_space<hbm>>
    %dma_start3A_312 = tpu.memref_slice %arg8[%dma_start3A_305] : memref<7x!tpu.dma_semaphore, #tpu.memory_space<semaphore_mem>> -> memref<1x!tpu.dma_semaphore, #tpu.memory_space<semaphore_mem>>
    %dma_start3A_313 = tpu.memref_squeeze %dma_start3A_312 : memref<1x!tpu.dma_semaphore, #tpu.memory_space<semaphore_mem>> -> memref<!tpu.dma_semaphore, #tpu.memory_space<semaphore_mem>>
    %dma_start3A_314 = arith.constant 0 : i32
    %dma_start3A_315 = arith.constant 0 : i32
    %dma_start3A_316 = tpu.memref_slice %arg6[%dma_start3A_303, %dma_start3A_304, %dma_start3A_314, %dma_start3A_315] : memref<7x2x64x128xf32, #tpu.memory_space<vmem>> -> memref<1x1x64x128xf32, #tpu.memory_space<vmem>>
    %dma_start3A_317 = tpu.memref_squeeze %dma_start3A_316 : memref<1x1x64x128xf32, #tpu.memory_space<vmem>> -> memref<64x128xf32, #tpu.memory_space<vmem>>
    %dma_start3A_318 = arith.constant 0 : i32
    %dma_start3A_319 = tpu.memref_slice %arg3[%dma_start3A_318, %multiple_of3A_302] : memref<64x1000001xf32, #tpu.memory_space<hbm>> -> memref<64x128xf32, #tpu.memory_space<hbm>>
    tpu.enqueue_dma source(%dma_start3A_319 : memref<64x128xf32, #tpu.memory_space<hbm>>) target(%dma_start3A_317 : memref<64x128xf32, #tpu.memory_space<vmem>>) target_semaphore(%dma_start3A_313 : memref<!tpu.dma_semaphore, #tpu.memory_space<semaphore_mem>>)
    %slice3A_320 = vector.extract_strided_slice %get3A_295 {offsets = [1], sizes = [1], strides = [1]} : vector<16xi32> to vector<1xi32>
    %squeeze3A_321 = vector.extract %slice3A_320[0] : i32 from vector<1xi32>
    %shift_right_arithmetic3A_322 = arith.constant 7 : i32
    %shift_right_arithmetic3A_323 = arith.shrsi %squeeze3A_321, %shift_right_arithmetic3A_322 : i32
    %shift_left3A_324 = arith.constant 7 : i32
    %shift_left3A_325 = arith.shli %shift_right_arithmetic3A_323, %shift_left3A_324 : i32
    %multiple_of3A_326 = tpu.assume_multiple %shift_left3A_325, 128 : i32
    %dma_start3A_327 = arith.constant 6 : i32
    %dma_start3A_328 = arith.constant 1 : i32
    %dma_start3A_329 = arith.constant 6 : i32
    %dma_start3A_330 = arith.constant 0 : i32
    %dma_start3A_331 = arith.constant 0 : i32
    %dma_start3A_332 = tpu.memref_slice %arg6[%dma_start3A_327, %dma_start3A_328, %dma_start3A_330, %dma_start3A_331] : memref<7x2x64x128xf32, #tpu.memory_space<vmem>> -> memref<1x1x64x128xf32, #tpu.memory_space<vmem>>
    %dma_start3A_333 = tpu.memref_squeeze %dma_start3A_332 : memref<1x1x64x128xf32, #tpu.memory_space<vmem>> -> memref<64x128xf32, #tpu.memory_space<vmem>>
    %dma_start3A_334 = arith.constant 0 : i32
    %dma_start3A_335 = tpu.memref_slice %arg3[%dma_start3A_334, %multiple_of3A_326] : memref<64x1000001xf32, #tpu.memory_space<hbm>> -> memref<64x128xf32, #tpu.memory_space<hbm>>
    %dma_start3A_336 = tpu.memref_slice %arg8[%dma_start3A_329] : memref<7x!tpu.dma_semaphore, #tpu.memory_space<semaphore_mem>> -> memref<1x!tpu.dma_semaphore, #tpu.memory_space<semaphore_mem>>
    %dma_start3A_337 = tpu.memref_squeeze %dma_start3A_336 : memref<1x!tpu.dma_semaphore, #tpu.memory_space<semaphore_mem>> -> memref<!tpu.dma_semaphore, #tpu.memory_space<semaphore_mem>>
    %dma_start3A_338 = arith.constant 0 : i32
    %dma_start3A_339 = arith.constant 0 : i32
    %dma_start3A_340 = tpu.memref_slice %arg6[%dma_start3A_327, %dma_start3A_328, %dma_start3A_338, %dma_start3A_339] : memref<7x2x64x128xf32, #tpu.memory_space<vmem>> -> memref<1x1x64x128xf32, #tpu.memory_space<vmem>>
    %dma_start3A_341 = tpu.memref_squeeze %dma_start3A_340 : memref<1x1x64x128xf32, #tpu.memory_space<vmem>> -> memref<64x128xf32, #tpu.memory_space<vmem>>
    %dma_start3A_342 = arith.constant 0 : i32
    %dma_start3A_343 = tpu.memref_slice %arg3[%dma_start3A_342, %multiple_of3A_326] : memref<64x1000001xf32, #tpu.memory_space<hbm>> -> memref<64x128xf32, #tpu.memory_space<hbm>>
    tpu.enqueue_dma source(%dma_start3A_343 : memref<64x128xf32, #tpu.memory_space<hbm>>) target(%dma_start3A_341 : memref<64x128xf32, #tpu.memory_space<vmem>>) target_semaphore(%dma_start3A_337 : memref<!tpu.dma_semaphore, #tpu.memory_space<semaphore_mem>>)
    %scan3A = arith.constant 0 : i32
    %scan3A_344 = arith.constant 37 : i32
    %scan3A_345 = arith.addi %scan3A, %scan3A_344 : i32
    %scan3A_346 = arith.constant 1 : i32
    scf.for %scan3A_348 = %scan3A to %scan3A_345 step %scan3A_346  : i32 {
      %mul3A_349 = arith.constant 7 : i32
      %mul3A_350 = arith.muli %scan3A_348, %mul3A_349 : i32
      %add3A_351 = arith.constant 0 : i32
      %add3A_352 = arith.addi %mul3A_350, %add3A_351 : i32
      %lt3A = arith.constant 256 : i32
      %lt3A_353 = arith.cmpi slt, %add3A_352, %lt3A : i32
      %convert_element_type3A = arith.extui %lt3A_353 : i1 to i32
      %cond3A = arith.constant 0 : i32
      %cond3A_354 = arith.cmpi ne, %convert_element_type3A, %cond3A : i32
      scf.if %cond3A_354 {
        %mul3A_409 = arith.constant 2 : i32
        %mul3A_410 = arith.muli %add3A_352, %mul3A_409 : i32
        %get3A_411 = arith.index_cast %mul3A_410 : i32 to index
        %get3A_412 = tpu.vector_load %arg5[%get3A_411] {strides = array<i32>} : memref<528xi32, #tpu.memory_space<vmem>>, vector<16xi32>,
        %slice3A_413 = vector.extract_strided_slice %get3A_412 {offsets = [0], sizes = [1], strides = [1]} : vector<16xi32> to vector<1xi32>
        %squeeze3A_414 = vector.extract %slice3A_413[0] : i32 from vector<1xi32>
        %dma_wait3A = arith.constant 0 : i32
        %dma_wait3A_415 = arith.constant 0 : i32
        %dma_wait3A_416 = arith.constant 0 : i32
        %dma_wait3A_417 = arith.constant 0 : i32
        %dma_wait3A_418 = arith.constant 0 : i32
        %dma_wait3A_419 = tpu.memref_slice %arg6[%dma_wait3A, %dma_wait3A_415, %dma_wait3A_417, %dma_wait3A_418] : memref<7x2x64x128xf32, #tpu.memory_space<vmem>> -> memref<1x1x64x128xf32, #tpu.memory_space<vmem>>
        %dma_wait3A_420 = tpu.memref_squeeze %dma_wait3A_419 : memref<1x1x64x128xf32, #tpu.memory_space<vmem>> -> memref<64x128xf32, #tpu.memory_space<vmem>>
        %dma_wait3A_421 = arith.constant 0 : i32
        %dma_wait3A_422 = arith.constant 0 : i32
        %dma_wait3A_423 = tpu.memref_slice %arg3[%dma_wait3A_421, %dma_wait3A_422] : memref<64x1000001xf32, #tpu.memory_space<hbm>> -> memref<64x128xf32, #tpu.memory_space<hbm>>
        %dma_wait3A_424 = tpu.memref_slice %arg8[%dma_wait3A_416] : memref<7x!tpu.dma_semaphore, #tpu.memory_space<semaphore_mem>> -> memref<1x!tpu.dma_semaphore, #tpu.memory_space<semaphore_mem>>
        %dma_wait3A_425 = tpu.memref_squeeze %dma_wait3A_424 : memref<1x!tpu.dma_semaphore, #tpu.memory_space<semaphore_mem>> -> memref<!tpu.dma_semaphore, #tpu.memory_space<semaphore_mem>>
        %dma_wait3A_426 = arith.constant 0 : i32
        %dma_wait3A_427 = arith.constant 0 : i32
        %dma_wait3A_428 = tpu.memref_slice %arg6[%dma_wait3A, %dma_wait3A_415, %dma_wait3A_426, %dma_wait3A_427] : memref<7x2x64x128xf32, #tpu.memory_space<vmem>> -> memref<1x1x64x128xf32, #tpu.memory_space<vmem>>
        %dma_wait3A_429 = tpu.memref_squeeze %dma_wait3A_428 : memref<1x1x64x128xf32, #tpu.memory_space<vmem>> -> memref<64x128xf32, #tpu.memory_space<vmem>>
        %dma_wait3A_430 = arith.constant 0 : i32
        %dma_wait3A_431 = arith.constant 0 : i32
        %dma_wait3A_432 = tpu.memref_slice %arg3[%dma_wait3A_430, %dma_wait3A_431] : memref<64x1000001xf32, #tpu.memory_space<hbm>> -> memref<64x128xf32, #tpu.memory_space<hbm>>
        tpu.wait_dma2 semaphore(%dma_wait3A_425 : memref<!tpu.dma_semaphore, #tpu.memory_space<semaphore_mem>>) src(%dma_wait3A_432 : memref<64x128xf32, #tpu.memory_space<hbm>>) dst(%dma_wait3A_429 : memref<64x128xf32, #tpu.memory_space<vmem>>)
        %and3A = arith.constant 127 : i32
        %and3A_433 = arith.andi %squeeze3A_414, %and3A : i32
        %broadcast_in_dim3A = vector.broadcast %and3A_433 : i32 to vector<16xi32>
        %rem3A = arith.constant 64 : i32
        %rem3A_434 = arith.remsi %add3A_352, %rem3A : i32
        %mul3A_435 = arith.constant 2 : i32
        %mul3A_436 = arith.muli %rem3A_434, %mul3A_435 : i32
        %add3A_437 = arith.constant 0 : i32
        %add3A_438 = arith.addi %mul3A_436, %add3A_437 : i32
        %broadcast_in_dim3A_439 = vector.broadcast %add3A_438 : i32 to vector<16xi32>
        %add3A_440 = arith.constant 0 : i32
        %add3A_441 = vector.broadcast %add3A_440 : i32 to vector<16xi32>
        %add3A_442 = arith.addi %iota3A, %add3A_441 : vector<16xi32>
        %gather3A = arith.constant 0 : i32
        %gather3A_443 = arith.constant 0 : i32
        %gather3A_444 = arith.constant 0 : i32
        %gather3A_445 = arith.constant 0 : i32
        %gather3A_446 = tpu.memref_slice %arg6[%gather3A, %gather3A_443, %gather3A_444, %gather3A_445] : memref<7x2x64x128xf32, #tpu.memory_space<vmem>> -> memref<1x1x64x128xf32, #tpu.memory_space<vmem>>
        %gather3A_447 = tpu.memref_squeeze %gather3A_446 : memref<1x1x64x128xf32, #tpu.memory_space<vmem>> -> memref<64x128xf32, #tpu.memory_space<vmem>>
        %gather3A_448 = tpu.vector_load_idx %gather3A_447[%add3A_442, %broadcast_in_dim3A] : memref<64x128xf32, #tpu.memory_space<vmem>>[vector<16xi32>, vector<16xi32>], vector<16xf32>,
        tpu.vector_store_idx %arg7[%add3A_442, %broadcast_in_dim3A_439], %gather3A_448 : memref<64x128xf32, #tpu.memory_space<vmem>>[vector<16xi32>, vector<16xi32>], vector<16xf32>,
        %add3A_449 = arith.constant 16 : i32
        %add3A_450 = vector.broadcast %add3A_449 : i32 to vector<16xi32>
        %add3A_451 = arith.addi %iota3A, %add3A_450 : vector<16xi32>
        %gather3A_452 = arith.constant 0 : i32
        %gather3A_453 = arith.constant 0 : i32
        %gather3A_454 = arith.constant 0 : i32
        %gather3A_455 = arith.constant 0 : i32
        %gather3A_456 = tpu.memref_slice %arg6[%gather3A_452, %gather3A_453, %gather3A_454, %gather3A_455] : memref<7x2x64x128xf32, #tpu.memory_space<vmem>> -> memref<1x1x64x128xf32, #tpu.memory_space<vmem>>
        %gather3A_457 = tpu.memref_squeeze %gather3A_456 : memref<1x1x64x128xf32, #tpu.memory_space<vmem>> -> memref<64x128xf32, #tpu.memory_space<vmem>>
        %gather3A_458 = tpu.vector_load_idx %gather3A_457[%add3A_451, %broadcast_in_dim3A] : memref<64x128xf32, #tpu.memory_space<vmem>>[vector<16xi32>, vector<16xi32>], vector<16xf32>,
        tpu.vector_store_idx %arg7[%add3A_451, %broadcast_in_dim3A_439], %gather3A_458 : memref<64x128xf32, #tpu.memory_space<vmem>>[vector<16xi32>, vector<16xi32>], vector<16xf32>,
        %add3A_459 = arith.constant 32 : i32
        %add3A_460 = vector.broadcast %add3A_459 : i32 to vector<16xi32>
        %add3A_461 = arith.addi %iota3A, %add3A_460 : vector<16xi32>
        %gather3A_462 = arith.constant 0 : i32
        %gather3A_463 = arith.constant 0 : i32
        %gather3A_464 = arith.constant 0 : i32
        %gather3A_465 = arith.constant 0 : i32
        %gather3A_466 = tpu.memref_slice %arg6[%gather3A_462, %gather3A_463, %gather3A_464, %gather3A_465] : memref<7x2x64x128xf32, #tpu.memory_space<vmem>> -> memref<1x1x64x128xf32, #tpu.memory_space<vmem>>
        %gather3A_467 = tpu.memref_squeeze %gather3A_466 : memref<1x1x64x128xf32, #tpu.memory_space<vmem>> -> memref<64x128xf32, #tpu.memory_space<vmem>>
        %gather3A_468 = tpu.vector_load_idx %gather3A_467[%add3A_461, %broadcast_in_dim3A] : memref<64x128xf32, #tpu.memory_space<vmem>>[vector<16xi32>, vector<16xi32>], vector<16xf32>,
        tpu.vector_store_idx %arg7[%add3A_461, %broadcast_in_dim3A_439], %gather3A_468 : memref<64x128xf32, #tpu.memory_space<vmem>>[vector<16xi32>, vector<16xi32>], vector<16xf32>,
        %add3A_469 = arith.constant 48 : i32
        %add3A_470 = vector.broadcast %add3A_469 : i32 to vector<16xi32>
        %add3A_471 = arith.addi %iota3A, %add3A_470 : vector<16xi32>
        %gather3A_472 = arith.constant 0 : i32
        %gather3A_473 = arith.constant 0 : i32
        %gather3A_474 = arith.constant 0 : i32
        %gather3A_475 = arith.constant 0 : i32
        %gather3A_476 = tpu.memref_slice %arg6[%gather3A_472, %gather3A_473, %gather3A_474, %gather3A_475] : memref<7x2x64x128xf32, #tpu.memory_space<vmem>> -> memref<1x1x64x128xf32, #tpu.memory_space<vmem>>
        %gather3A_477 = tpu.memref_squeeze %gather3A_476 : memref<1x1x64x128xf32, #tpu.memory_space<vmem>> -> memref<64x128xf32, #tpu.memory_space<vmem>>
        %gather3A_478 = tpu.vector_load_idx %gather3A_477[%add3A_471, %broadcast_in_dim3A] : memref<64x128xf32, #tpu.memory_space<vmem>>[vector<16xi32>, vector<16xi32>], vector<16xf32>,
        tpu.vector_store_idx %arg7[%add3A_471, %broadcast_in_dim3A_439], %gather3A_478 : memref<64x128xf32, #tpu.memory_space<vmem>>[vector<16xi32>, vector<16xi32>], vector<16xf32>,
        %slice3A_479 = vector.extract_strided_slice %get3A_412 {offsets = [1], sizes = [1], strides = [1]} : vector<16xi32> to vector<1xi32>
        %squeeze3A_480 = vector.extract %slice3A_479[0] : i32 from vector<1xi32>
        %dma_wait3A_481 = arith.constant 0 : i32
        %dma_wait3A_482 = arith.constant 1 : i32
        %dma_wait3A_483 = arith.constant 0 : i32
        %dma_wait3A_484 = arith.constant 0 : i32
        %dma_wait3A_485 = arith.constant 0 : i32
        %dma_wait3A_486 = tpu.memref_slice %arg6[%dma_wait3A_481, %dma_wait3A_482, %dma_wait3A_484, %dma_wait3A_485] : memref<7x2x64x128xf32, #tpu.memory_space<vmem>> -> memref<1x1x64x128xf32, #tpu.memory_space<vmem>>
        %dma_wait3A_487 = tpu.memref_squeeze %dma_wait3A_486 : memref<1x1x64x128xf32, #tpu.memory_space<vmem>> -> memref<64x128xf32, #tpu.memory_space<vmem>>
        %dma_wait3A_488 = arith.constant 0 : i32
        %dma_wait3A_489 = arith.constant 0 : i32
        %dma_wait3A_490 = tpu.memref_slice %arg3[%dma_wait3A_488, %dma_wait3A_489] : memref<64x1000001xf32, #tpu.memory_space<hbm>> -> memref<64x128xf32, #tpu.memory_space<hbm>>
        %dma_wait3A_491 = tpu.memref_slice %arg8[%dma_wait3A_483] : memref<7x!tpu.dma_semaphore, #tpu.memory_space<semaphore_mem>> -> memref<1x!tpu.dma_semaphore, #tpu.memory_space<semaphore_mem>>
        %dma_wait3A_492 = tpu.memref_squeeze %dma_wait3A_491 : memref<1x!tpu.dma_semaphore, #tpu.memory_space<semaphore_mem>> -> memref<!tpu.dma_semaphore, #tpu.memory_space<semaphore_mem>>
        %dma_wait3A_493 = arith.constant 0 : i32
        %dma_wait3A_494 = arith.constant 0 : i32
        %dma_wait3A_495 = tpu.memref_slice %arg6[%dma_wait3A_481, %dma_wait3A_482, %dma_wait3A_493, %dma_wait3A_494] : memref<7x2x64x128xf32, #tpu.memory_space<vmem>> -> memref<1x1x64x128xf32, #tpu.memory_space<vmem>>
        %dma_wait3A_496 = tpu.memref_squeeze %dma_wait3A_495 : memref<1x1x64x128xf32, #tpu.memory_space<vmem>> -> memref<64x128xf32, #tpu.memory_space<vmem>>
        %dma_wait3A_497 = arith.constant 0 : i32
        %dma_wait3A_498 = arith.constant 0 : i32
        %dma_wait3A_499 = tpu.memref_slice %arg3[%dma_wait3A_497, %dma_wait3A_498] : memref<64x1000001xf32, #tpu.memory_space<hbm>> -> memref<64x128xf32, #tpu.memory_space<hbm>>
        tpu.wait_dma2 semaphore(%dma_wait3A_492 : memref<!tpu.dma_semaphore, #tpu.memory_space<semaphore_mem>>) src(%dma_wait3A_499 : memref<64x128xf32, #tpu.memory_space<hbm>>) dst(%dma_wait3A_496 : memref<64x128xf32, #tpu.memory_space<vmem>>)
        %and3A_500 = arith.constant 127 : i32
        %and3A_501 = arith.andi %squeeze3A_480, %and3A_500 : i32
        %broadcast_in_dim3A_502 = vector.broadcast %and3A_501 : i32 to vector<16xi32>
        %rem3A_503 = arith.constant 64 : i32
        %rem3A_504 = arith.remsi %add3A_352, %rem3A_503 : i32
        %mul3A_505 = arith.constant 2 : i32
        %mul3A_506 = arith.muli %rem3A_504, %mul3A_505 : i32
        %add3A_507 = arith.constant 1 : i32
        %add3A_508 = arith.addi %mul3A_506, %add3A_507 : i32
        %broadcast_in_dim3A_509 = vector.broadcast %add3A_508 : i32 to vector<16xi32>
        %add3A_510 = arith.constant 0 : i32
        %add3A_511 = vector.broadcast %add3A_510 : i32 to vector<16xi32>
        %add3A_512 = arith.addi %iota3A, %add3A_511 : vector<16xi32>
        %gather3A_513 = arith.constant 0 : i32
        %gather3A_514 = arith.constant 1 : i32
        %gather3A_515 = arith.constant 0 : i32
        %gather3A_516 = arith.constant 0 : i32
        %gather3A_517 = tpu.memref_slice %arg6[%gather3A_513, %gather3A_514, %gather3A_515, %gather3A_516] : memref<7x2x64x128xf32, #tpu.memory_space<vmem>> -> memref<1x1x64x128xf32, #tpu.memory_space<vmem>>
        %gather3A_518 = tpu.memref_squeeze %gather3A_517 : memref<1x1x64x128xf32, #tpu.memory_space<vmem>> -> memref<64x128xf32, #tpu.memory_space<vmem>>
        %gather3A_519 = tpu.vector_load_idx %gather3A_518[%add3A_512, %broadcast_in_dim3A_502] : memref<64x128xf32, #tpu.memory_space<vmem>>[vector<16xi32>, vector<16xi32>], vector<16xf32>,
        tpu.vector_store_idx %arg7[%add3A_512, %broadcast_in_dim3A_509], %gather3A_519 : memref<64x128xf32, #tpu.memory_space<vmem>>[vector<16xi32>, vector<16xi32>], vector<16xf32>,
        %add3A_520 = arith.constant 16 : i32
        %add3A_521 = vector.broadcast %add3A_520 : i32 to vector<16xi32>
        %add3A_522 = arith.addi %iota3A, %add3A_521 : vector<16xi32>
        %gather3A_523 = arith.constant 0 : i32
        %gather3A_524 = arith.constant 1 : i32
        %gather3A_525 = arith.constant 0 : i32
        %gather3A_526 = arith.constant 0 : i32
        %gather3A_527 = tpu.memref_slice %arg6[%gather3A_523, %gather3A_524, %gather3A_525, %gather3A_526] : memref<7x2x64x128xf32, #tpu.memory_space<vmem>> -> memref<1x1x64x128xf32, #tpu.memory_space<vmem>>
        %gather3A_528 = tpu.memref_squeeze %gather3A_527 : memref<1x1x64x128xf32, #tpu.memory_space<vmem>> -> memref<64x128xf32, #tpu.memory_space<vmem>>
        %gather3A_529 = tpu.vector_load_idx %gather3A_528[%add3A_522, %broadcast_in_dim3A_502] : memref<64x128xf32, #tpu.memory_space<vmem>>[vector<16xi32>, vector<16xi32>], vector<16xf32>,
        tpu.vector_store_idx %arg7[%add3A_522, %broadcast_in_dim3A_509], %gather3A_529 : memref<64x128xf32, #tpu.memory_space<vmem>>[vector<16xi32>, vector<16xi32>], vector<16xf32>,
        %add3A_530 = arith.constant 32 : i32
        %add3A_531 = vector.broadcast %add3A_530 : i32 to vector<16xi32>
        %add3A_532 = arith.addi %iota3A, %add3A_531 : vector<16xi32>
        %gather3A_533 = arith.constant 0 : i32
        %gather3A_534 = arith.constant 1 : i32
        %gather3A_535 = arith.constant 0 : i32
        %gather3A_536 = arith.constant 0 : i32
        %gather3A_537 = tpu.memref_slice %arg6[%gather3A_533, %gather3A_534, %gather3A_535, %gather3A_536] : memref<7x2x64x128xf32, #tpu.memory_space<vmem>> -> memref<1x1x64x128xf32, #tpu.memory_space<vmem>>
        %gather3A_538 = tpu.memref_squeeze %gather3A_537 : memref<1x1x64x128xf32, #tpu.memory_space<vmem>> -> memref<64x128xf32, #tpu.memory_space<vmem>>
        %gather3A_539 = tpu.vector_load_idx %gather3A_538[%add3A_532, %broadcast_in_dim3A_502] : memref<64x128xf32, #tpu.memory_space<vmem>>[vector<16xi32>, vector<16xi32>], vector<16xf32>,
        tpu.vector_store_idx %arg7[%add3A_532, %broadcast_in_dim3A_509], %gather3A_539 : memref<64x128xf32, #tpu.memory_space<vmem>>[vector<16xi32>, vector<16xi32>], vector<16xf32>,
        %add3A_540 = arith.constant 48 : i32
        %add3A_541 = vector.broadcast %add3A_540 : i32 to vector<16xi32>
        %add3A_542 = arith.addi %iota3A, %add3A_541 : vector<16xi32>
        %gather3A_543 = arith.constant 0 : i32
        %gather3A_544 = arith.constant 1 : i32
        %gather3A_545 = arith.constant 0 : i32
        %gather3A_546 = arith.constant 0 : i32
        %gather3A_547 = tpu.memref_slice %arg6[%gather3A_543, %gather3A_544, %gather3A_545, %gather3A_546] : memref<7x2x64x128xf32, #tpu.memory_space<vmem>> -> memref<1x1x64x128xf32, #tpu.memory_space<vmem>>
        %gather3A_548 = tpu.memref_squeeze %gather3A_547 : memref<1x1x64x128xf32, #tpu.memory_space<vmem>> -> memref<64x128xf32, #tpu.memory_space<vmem>>
        %gather3A_549 = tpu.vector_load_idx %gather3A_548[%add3A_542, %broadcast_in_dim3A_502] : memref<64x128xf32, #tpu.memory_space<vmem>>[vector<16xi32>, vector<16xi32>], vector<16xf32>,
        tpu.vector_store_idx %arg7[%add3A_542, %broadcast_in_dim3A_509], %gather3A_549 : memref<64x128xf32, #tpu.memory_space<vmem>>[vector<16xi32>, vector<16xi32>], vector<16xf32>,
        %add3A_550 = arith.constant 7 : i32
        %add3A_551 = arith.addi %add3A_352, %add3A_550 : i32
        %lt3A_552 = arith.constant 256 : i32
        %lt3A_553 = arith.cmpi slt, %add3A_551, %lt3A_552 : i32
        %convert_element_type3A_554 = arith.extui %lt3A_553 : i1 to i32
        %cond3A_555 = arith.constant 0 : i32
        %cond3A_556 = arith.cmpi ne, %convert_element_type3A_554, %cond3A_555 : i32
        scf.if %cond3A_556 {
          %add3A_565 = arith.constant 7 : i32
          %add3A_566 = arith.addi %add3A_352, %add3A_565 : i32
          %mul3A_567 = arith.constant 2 : i32
          %mul3A_568 = arith.muli %add3A_566, %mul3A_567 : i32
          %get3A_569 = arith.index_cast %mul3A_568 : i32 to index
          %get3A_570 = tpu.vector_load %arg5[%get3A_569] {strides = array<i32>} : memref<528xi32, #tpu.memory_space<vmem>>, vector<16xi32>,
          %slice3A_571 = vector.extract_strided_slice %get3A_570 {offsets = [0], sizes = [1], strides = [1]} : vector<16xi32> to vector<1xi32>
          %squeeze3A_572 = vector.extract %slice3A_571[0] : i32 from vector<1xi32>
          %shift_right_arithmetic3A_573 = arith.constant 7 : i32
          %shift_right_arithmetic3A_574 = arith.shrsi %squeeze3A_572, %shift_right_arithmetic3A_573 : i32
          %shift_left3A_575 = arith.constant 7 : i32
          %shift_left3A_576 = arith.shli %shift_right_arithmetic3A_574, %shift_left3A_575 : i32
          %multiple_of3A_577 = tpu.assume_multiple %shift_left3A_576, 128 : i32
          %dma_start3A_578 = arith.constant 0 : i32
          %dma_start3A_579 = arith.constant 0 : i32
          %dma_start3A_580 = arith.constant 0 : i32
          %dma_start3A_581 = arith.constant 0 : i32
          %dma_start3A_582 = arith.constant 0 : i32
          %dma_start3A_583 = tpu.memref_slice %arg6[%dma_start3A_578, %dma_start3A_579, %dma_start3A_581, %dma_start3A_582] : memref<7x2x64x128xf32, #tpu.memory_space<vmem>> -> memref<1x1x64x128xf32, #tpu.memory_space<vmem>>
          %dma_start3A_584 = tpu.memref_squeeze %dma_start3A_583 : memref<1x1x64x128xf32, #tpu.memory_space<vmem>> -> memref<64x128xf32, #tpu.memory_space<vmem>>
          %dma_start3A_585 = arith.constant 0 : i32
          %dma_start3A_586 = tpu.memref_slice %arg3[%dma_start3A_585, %multiple_of3A_577] : memref<64x1000001xf32, #tpu.memory_space<hbm>> -> memref<64x128xf32, #tpu.memory_space<hbm>>
          %dma_start3A_587 = tpu.memref_slice %arg8[%dma_start3A_580] : memref<7x!tpu.dma_semaphore, #tpu.memory_space<semaphore_mem>> -> memref<1x!tpu.dma_semaphore, #tpu.memory_space<semaphore_mem>>
          %dma_start3A_588 = tpu.memref_squeeze %dma_start3A_587 : memref<1x!tpu.dma_semaphore, #tpu.memory_space<semaphore_mem>> -> memref<!tpu.dma_semaphore, #tpu.memory_space<semaphore_mem>>
          %dma_start3A_589 = arith.constant 0 : i32
          %dma_start3A_590 = arith.constant 0 : i32
          %dma_start3A_591 = tpu.memref_slice %arg6[%dma_start3A_578, %dma_start3A_579, %dma_start3A_589, %dma_start3A_590] : memref<7x2x64x128xf32, #tpu.memory_space<vmem>> -> memref<1x1x64x128xf32, #tpu.memory_space<vmem>>
          %dma_start3A_592 = tpu.memref_squeeze %dma_start3A_591 : memref<1x1x64x128xf32, #tpu.memory_space<vmem>> -> memref<64x128xf32, #tpu.memory_space<vmem>>
          %dma_start3A_593 = arith.constant 0 : i32
          %dma_start3A_594 = tpu.memref_slice %arg3[%dma_start3A_593, %multiple_of3A_577] : memref<64x1000001xf32, #tpu.memory_space<hbm>> -> memref<64x128xf32, #tpu.memory_space<hbm>>
          tpu.enqueue_dma source(%dma_start3A_594 : memref<64x128xf32, #tpu.memory_space<hbm>>) target(%dma_start3A_592 : memref<64x128xf32, #tpu.memory_space<vmem>>) target_semaphore(%dma_start3A_588 : memref<!tpu.dma_semaphore, #tpu.memory_space<semaphore_mem>>)
          %slice3A_595 = vector.extract_strided_slice %get3A_570 {offsets = [1], sizes = [1], strides = [1]} : vector<16xi32> to vector<1xi32>
          %squeeze3A_596 = vector.extract %slice3A_595[0] : i32 from vector<1xi32>
          %shift_right_arithmetic3A_597 = arith.constant 7 : i32
          %shift_right_arithmetic3A_598 = arith.shrsi %squeeze3A_596, %shift_right_arithmetic3A_597 : i32
          %shift_left3A_599 = arith.constant 7 : i32
          %shift_left3A_600 = arith.shli %shift_right_arithmetic3A_598, %shift_left3A_599 : i32
          %multiple_of3A_601 = tpu.assume_multiple %shift_left3A_600, 128 : i32
          %dma_start3A_602 = arith.constant 0 : i32
          %dma_start3A_603 = arith.constant 1 : i32
          %dma_start3A_604 = arith.constant 0 : i32
          %dma_start3A_605 = arith.constant 0 : i32
          %dma_start3A_606 = arith.constant 0 : i32
          %dma_start3A_607 = tpu.memref_slice %arg6[%dma_start3A_602, %dma_start3A_603, %dma_start3A_605, %dma_start3A_606] : memref<7x2x64x128xf32, #tpu.memory_space<vmem>> -> memref<1x1x64x128xf32, #tpu.memory_space<vmem>>
          %dma_start3A_608 = tpu.memref_squeeze %dma_start3A_607 : memref<1x1x64x128xf32, #tpu.memory_space<vmem>> -> memref<64x128xf32, #tpu.memory_space<vmem>>
          %dma_start3A_609 = arith.constant 0 : i32
          %dma_start3A_610 = tpu.memref_slice %arg3[%dma_start3A_609, %multiple_of3A_601] : memref<64x1000001xf32, #tpu.memory_space<hbm>> -> memref<64x128xf32, #tpu.memory_space<hbm>>
          %dma_start3A_611 = tpu.memref_slice %arg8[%dma_start3A_604] : memref<7x!tpu.dma_semaphore, #tpu.memory_space<semaphore_mem>> -> memref<1x!tpu.dma_semaphore, #tpu.memory_space<semaphore_mem>>
          %dma_start3A_612 = tpu.memref_squeeze %dma_start3A_611 : memref<1x!tpu.dma_semaphore, #tpu.memory_space<semaphore_mem>> -> memref<!tpu.dma_semaphore, #tpu.memory_space<semaphore_mem>>
          %dma_start3A_613 = arith.constant 0 : i32
          %dma_start3A_614 = arith.constant 0 : i32
          %dma_start3A_615 = tpu.memref_slice %arg6[%dma_start3A_602, %dma_start3A_603, %dma_start3A_613, %dma_start3A_614] : memref<7x2x64x128xf32, #tpu.memory_space<vmem>> -> memref<1x1x64x128xf32, #tpu.memory_space<vmem>>
          %dma_start3A_616 = tpu.memref_squeeze %dma_start3A_615 : memref<1x1x64x128xf32, #tpu.memory_space<vmem>> -> memref<64x128xf32, #tpu.memory_space<vmem>>
          %dma_start3A_617 = arith.constant 0 : i32
          %dma_start3A_618 = tpu.memref_slice %arg3[%dma_start3A_617, %multiple_of3A_601] : memref<64x1000001xf32, #tpu.memory_space<hbm>> -> memref<64x128xf32, #tpu.memory_space<hbm>>
          tpu.enqueue_dma source(%dma_start3A_618 : memref<64x128xf32, #tpu.memory_space<hbm>>) target(%dma_start3A_616 : memref<64x128xf32, #tpu.memory_space<vmem>>) target_semaphore(%dma_start3A_612 : memref<!tpu.dma_semaphore, #tpu.memory_space<semaphore_mem>>)
        } else {
        }
        %add3A_557 = arith.constant 1 : i32
        %add3A_558 = arith.addi %add3A_352, %add3A_557 : i32
        %rem3A_559 = arith.constant 64 : i32
        %rem3A_560 = arith.remsi %add3A_558, %rem3A_559 : i32
        %eq3A = arith.constant 0 : i32
        %eq3A_561 = arith.cmpi eq, %rem3A_560, %eq3A : i32
        %convert_element_type3A_562 = arith.extui %eq3A_561 : i1 to i32
        %cond3A_563 = arith.constant 0 : i32
        %cond3A_564 = arith.cmpi ne, %convert_element_type3A_562, %cond3A_563 : i32
        scf.if %cond3A_564 {
          %mul3A_565 = arith.constant 512 : i32
          %mul3A_566 = arith.muli %add3A, %mul3A_565 : i32
          %add3A_567 = arith.constant 1 : i32
          %add3A_568 = arith.addi %add3A_352, %add3A_567 : i32
          %mul3A_569 = arith.constant 2 : i32
          %mul3A_570 = arith.muli %add3A_568, %mul3A_569 : i32
          %add3A_571 = arith.addi %mul3A_566, %mul3A_570 : i32
          %sub3A = arith.constant 128 : i32
          %sub3A_572 = arith.subi %add3A_571, %sub3A : i32
          %multiple_of3A_573 = tpu.assume_multiple %sub3A_572, 128 : i32
          "tpu.region"() ({
            %run_scoped3A = tpu.sem_alloc : memref<!tpu.dma_semaphore, #tpu.memory_space<semaphore_mem>>
            %dma_start3A_574 = arith.constant 0 : i32
            %dma_start3A_575 = tpu.memref_slice %arg4[%dma_start3A_574, %multiple_of3A_573] : memref<64x16384xf32, #tpu.memory_space<hbm>> -> memref<64x128xf32, #tpu.memory_space<hbm>>
            %dma_start3A_576 = arith.constant 0 : i32
            %dma_start3A_577 = tpu.memref_slice %arg4[%dma_start3A_576, %multiple_of3A_573] : memref<64x16384xf32, #tpu.memory_space<hbm>> -> memref<64x128xf32, #tpu.memory_space<hbm>>
            tpu.enqueue_dma source(%arg7 : memref<64x128xf32, #tpu.memory_space<vmem>>) target(%dma_start3A_577 : memref<64x128xf32, #tpu.memory_space<hbm>>) target_semaphore(%run_scoped3A : memref<!tpu.dma_semaphore, #tpu.memory_space<semaphore_mem>>)
            %dma_wait3A_578 = arith.constant 0 : i32
            %dma_wait3A_579 = tpu.memref_slice %arg4[%dma_wait3A_578, %multiple_of3A_573] : memref<64x16384xf32, #tpu.memory_space<hbm>> -> memref<64x128xf32, #tpu.memory_space<hbm>>
            %dma_wait3A_580 = arith.constant 0 : i32
            %dma_wait3A_581 = tpu.memref_slice %arg4[%dma_wait3A_580, %multiple_of3A_573] : memref<64x16384xf32, #tpu.memory_space<hbm>> -> memref<64x128xf32, #tpu.memory_space<hbm>>
            tpu.wait_dma2 semaphore(%run_scoped3A : memref<!tpu.dma_semaphore, #tpu.memory_space<semaphore_mem>>) src(%arg7 : memref<64x128xf32, #tpu.memory_space<vmem>>) dst(%dma_wait3A_581 : memref<64x128xf32, #tpu.memory_space<hbm>>)
            tpu.yield
          }) : () -> ()
        } else {
        }
      } else {
      }
      %mul3A_355 = arith.constant 7 : i32
      %mul3A_356 = arith.muli %scan3A_348, %mul3A_355 : i32
      %add3A_357 = arith.constant 1 : i32
      %add3A_358 = arith.addi %mul3A_356, %add3A_357 : i32
      %lt3A_359 = arith.constant 256 : i32
      %lt3A_360 = arith.cmpi slt, %add3A_358, %lt3A_359 : i32
      %convert_element_type3A_361 = arith.extui %lt3A_360 : i1 to i32
      %cond3A_362 = arith.constant 0 : i32
      %cond3A_363 = arith.cmpi ne, %convert_element_type3A_361, %cond3A_362 : i32
      scf.if %cond3A_363 {
        %mul3A_409 = arith.constant 2 : i32
        %mul3A_410 = arith.muli %add3A_358, %mul3A_409 : i32
        %get3A_411 = arith.index_cast %mul3A_410 : i32 to index
        %get3A_412 = tpu.vector_load %arg5[%get3A_411] {strides = array<i32>} : memref<528xi32, #tpu.memory_space<vmem>>, vector<16xi32>,
        %slice3A_413 = vector.extract_strided_slice %get3A_412 {offsets = [0], sizes = [1], strides = [1]} : vector<16xi32> to vector<1xi32>
        %squeeze3A_414 = vector.extract %slice3A_413[0] : i32 from vector<1xi32>
        %dma_wait3A = arith.constant 1 : i32
        %dma_wait3A_415 = arith.constant 0 : i32
        %dma_wait3A_416 = arith.constant 1 : i32
        %dma_wait3A_417 = arith.constant 0 : i32
        %dma_wait3A_418 = arith.constant 0 : i32
        %dma_wait3A_419 = tpu.memref_slice %arg6[%dma_wait3A, %dma_wait3A_415, %dma_wait3A_417, %dma_wait3A_418] : memref<7x2x64x128xf32, #tpu.memory_space<vmem>> -> memref<1x1x64x128xf32, #tpu.memory_space<vmem>>
        %dma_wait3A_420 = tpu.memref_squeeze %dma_wait3A_419 : memref<1x1x64x128xf32, #tpu.memory_space<vmem>> -> memref<64x128xf32, #tpu.memory_space<vmem>>
        %dma_wait3A_421 = arith.constant 0 : i32
        %dma_wait3A_422 = arith.constant 0 : i32
        %dma_wait3A_423 = tpu.memref_slice %arg3[%dma_wait3A_421, %dma_wait3A_422] : memref<64x1000001xf32, #tpu.memory_space<hbm>> -> memref<64x128xf32, #tpu.memory_space<hbm>>
        %dma_wait3A_424 = tpu.memref_slice %arg8[%dma_wait3A_416] : memref<7x!tpu.dma_semaphore, #tpu.memory_space<semaphore_mem>> -> memref<1x!tpu.dma_semaphore, #tpu.memory_space<semaphore_mem>>
        %dma_wait3A_425 = tpu.memref_squeeze %dma_wait3A_424 : memref<1x!tpu.dma_semaphore, #tpu.memory_space<semaphore_mem>> -> memref<!tpu.dma_semaphore, #tpu.memory_space<semaphore_mem>>
        %dma_wait3A_426 = arith.constant 0 : i32
        %dma_wait3A_427 = arith.constant 0 : i32
        %dma_wait3A_428 = tpu.memref_slice %arg6[%dma_wait3A, %dma_wait3A_415, %dma_wait3A_426, %dma_wait3A_427] : memref<7x2x64x128xf32, #tpu.memory_space<vmem>> -> memref<1x1x64x128xf32, #tpu.memory_space<vmem>>
        %dma_wait3A_429 = tpu.memref_squeeze %dma_wait3A_428 : memref<1x1x64x128xf32, #tpu.memory_space<vmem>> -> memref<64x128xf32, #tpu.memory_space<vmem>>
        %dma_wait3A_430 = arith.constant 0 : i32
        %dma_wait3A_431 = arith.constant 0 : i32
        %dma_wait3A_432 = tpu.memref_slice %arg3[%dma_wait3A_430, %dma_wait3A_431] : memref<64x1000001xf32, #tpu.memory_space<hbm>> -> memref<64x128xf32, #tpu.memory_space<hbm>>
        tpu.wait_dma2 semaphore(%dma_wait3A_425 : memref<!tpu.dma_semaphore, #tpu.memory_space<semaphore_mem>>) src(%dma_wait3A_432 : memref<64x128xf32, #tpu.memory_space<hbm>>) dst(%dma_wait3A_429 : memref<64x128xf32, #tpu.memory_space<vmem>>)
        %and3A = arith.constant 127 : i32
        %and3A_433 = arith.andi %squeeze3A_414, %and3A : i32
        %broadcast_in_dim3A = vector.broadcast %and3A_433 : i32 to vector<16xi32>
        %rem3A = arith.constant 64 : i32
        %rem3A_434 = arith.remsi %add3A_358, %rem3A : i32
        %mul3A_435 = arith.constant 2 : i32
        %mul3A_436 = arith.muli %rem3A_434, %mul3A_435 : i32
        %add3A_437 = arith.constant 0 : i32
        %add3A_438 = arith.addi %mul3A_436, %add3A_437 : i32
        %broadcast_in_dim3A_439 = vector.broadcast %add3A_438 : i32 to vector<16xi32>
        %add3A_440 = arith.constant 0 : i32
        %add3A_441 = vector.broadcast %add3A_440 : i32 to vector<16xi32>
        %add3A_442 = arith.addi %iota3A, %add3A_441 : vector<16xi32>
        %gather3A = arith.constant 1 : i32
        %gather3A_443 = arith.constant 0 : i32
        %gather3A_444 = arith.constant 0 : i32
        %gather3A_445 = arith.constant 0 : i32
        %gather3A_446 = tpu.memref_slice %arg6[%gather3A, %gather3A_443, %gather3A_444, %gather3A_445] : memref<7x2x64x128xf32, #tpu.memory_space<vmem>> -> memref<1x1x64x128xf32, #tpu.memory_space<vmem>>
        %gather3A_447 = tpu.memref_squeeze %gather3A_446 : memref<1x1x64x128xf32, #tpu.memory_space<vmem>> -> memref<64x128xf32, #tpu.memory_space<vmem>>
        %gather3A_448 = tpu.vector_load_idx %gather3A_447[%add3A_442, %broadcast_in_dim3A] : memref<64x128xf32, #tpu.memory_space<vmem>>[vector<16xi32>, vector<16xi32>], vector<16xf32>,
        tpu.vector_store_idx %arg7[%add3A_442, %broadcast_in_dim3A_439], %gather3A_448 : memref<64x128xf32, #tpu.memory_space<vmem>>[vector<16xi32>, vector<16xi32>], vector<16xf32>,
        %add3A_449 = arith.constant 16 : i32
        %add3A_450 = vector.broadcast %add3A_449 : i32 to vector<16xi32>
        %add3A_451 = arith.addi %iota3A, %add3A_450 : vector<16xi32>
        %gather3A_452 = arith.constant 1 : i32
        %gather3A_453 = arith.constant 0 : i32
        %gather3A_454 = arith.constant 0 : i32
        %gather3A_455 = arith.constant 0 : i32
        %gather3A_456 = tpu.memref_slice %arg6[%gather3A_452, %gather3A_453, %gather3A_454, %gather3A_455] : memref<7x2x64x128xf32, #tpu.memory_space<vmem>> -> memref<1x1x64x128xf32, #tpu.memory_space<vmem>>
        %gather3A_457 = tpu.memref_squeeze %gather3A_456 : memref<1x1x64x128xf32, #tpu.memory_space<vmem>> -> memref<64x128xf32, #tpu.memory_space<vmem>>
        %gather3A_458 = tpu.vector_load_idx %gather3A_457[%add3A_451, %broadcast_in_dim3A] : memref<64x128xf32, #tpu.memory_space<vmem>>[vector<16xi32>, vector<16xi32>], vector<16xf32>,
        tpu.vector_store_idx %arg7[%add3A_451, %broadcast_in_dim3A_439], %gather3A_458 : memref<64x128xf32, #tpu.memory_space<vmem>>[vector<16xi32>, vector<16xi32>], vector<16xf32>,
        %add3A_459 = arith.constant 32 : i32
        %add3A_460 = vector.broadcast %add3A_459 : i32 to vector<16xi32>
        %add3A_461 = arith.addi %iota3A, %add3A_460 : vector<16xi32>
        %gather3A_462 = arith.constant 1 : i32
        %gather3A_463 = arith.constant 0 : i32
        %gather3A_464 = arith.constant 0 : i32
        %gather3A_465 = arith.constant 0 : i32
        %gather3A_466 = tpu.memref_slice %arg6[%gather3A_462, %gather3A_463, %gather3A_464, %gather3A_465] : memref<7x2x64x128xf32, #tpu.memory_space<vmem>> -> memref<1x1x64x128xf32, #tpu.memory_space<vmem>>
        %gather3A_467 = tpu.memref_squeeze %gather3A_466 : memref<1x1x64x128xf32, #tpu.memory_space<vmem>> -> memref<64x128xf32, #tpu.memory_space<vmem>>
        %gather3A_468 = tpu.vector_load_idx %gather3A_467[%add3A_461, %broadcast_in_dim3A] : memref<64x128xf32, #tpu.memory_space<vmem>>[vector<16xi32>, vector<16xi32>], vector<16xf32>,
        tpu.vector_store_idx %arg7[%add3A_461, %broadcast_in_dim3A_439], %gather3A_468 : memref<64x128xf32, #tpu.memory_space<vmem>>[vector<16xi32>, vector<16xi32>], vector<16xf32>,
        %add3A_469 = arith.constant 48 : i32
        %add3A_470 = vector.broadcast %add3A_469 : i32 to vector<16xi32>
        %add3A_471 = arith.addi %iota3A, %add3A_470 : vector<16xi32>
        %gather3A_472 = arith.constant 1 : i32
        %gather3A_473 = arith.constant 0 : i32
        %gather3A_474 = arith.constant 0 : i32
        %gather3A_475 = arith.constant 0 : i32
        %gather3A_476 = tpu.memref_slice %arg6[%gather3A_472, %gather3A_473, %gather3A_474, %gather3A_475] : memref<7x2x64x128xf32, #tpu.memory_space<vmem>> -> memref<1x1x64x128xf32, #tpu.memory_space<vmem>>
        %gather3A_477 = tpu.memref_squeeze %gather3A_476 : memref<1x1x64x128xf32, #tpu.memory_space<vmem>> -> memref<64x128xf32, #tpu.memory_space<vmem>>
        %gather3A_478 = tpu.vector_load_idx %gather3A_477[%add3A_471, %broadcast_in_dim3A] : memref<64x128xf32, #tpu.memory_space<vmem>>[vector<16xi32>, vector<16xi32>], vector<16xf32>,
        tpu.vector_store_idx %arg7[%add3A_471, %broadcast_in_dim3A_439], %gather3A_478 : memref<64x128xf32, #tpu.memory_space<vmem>>[vector<16xi32>, vector<16xi32>], vector<16xf32>,
        %slice3A_479 = vector.extract_strided_slice %get3A_412 {offsets = [1], sizes = [1], strides = [1]} : vector<16xi32> to vector<1xi32>
        %squeeze3A_480 = vector.extract %slice3A_479[0] : i32 from vector<1xi32>
        %dma_wait3A_481 = arith.constant 1 : i32
        %dma_wait3A_482 = arith.constant 1 : i32
        %dma_wait3A_483 = arith.constant 1 : i32
        %dma_wait3A_484 = arith.constant 0 : i32
        %dma_wait3A_485 = arith.constant 0 : i32
        %dma_wait3A_486 = tpu.memref_slice %arg6[%dma_wait3A_481, %dma_wait3A_482, %dma_wait3A_484, %dma_wait3A_485] : memref<7x2x64x128xf32, #tpu.memory_space<vmem>> -> memref<1x1x64x128xf32, #tpu.memory_space<vmem>>
        %dma_wait3A_487 = tpu.memref_squeeze %dma_wait3A_486 : memref<1x1x64x128xf32, #tpu.memory_space<vmem>> -> memref<64x128xf32, #tpu.memory_space<vmem>>
        %dma_wait3A_488 = arith.constant 0 : i32
        %dma_wait3A_489 = arith.constant 0 : i32
        %dma_wait3A_490 = tpu.memref_slice %arg3[%dma_wait3A_488, %dma_wait3A_489] : memref<64x1000001xf32, #tpu.memory_space<hbm>> -> memref<64x128xf32, #tpu.memory_space<hbm>>
        %dma_wait3A_491 = tpu.memref_slice %arg8[%dma_wait3A_483] : memref<7x!tpu.dma_semaphore, #tpu.memory_space<semaphore_mem>> -> memref<1x!tpu.dma_semaphore, #tpu.memory_space<semaphore_mem>>
        %dma_wait3A_492 = tpu.memref_squeeze %dma_wait3A_491 : memref<1x!tpu.dma_semaphore, #tpu.memory_space<semaphore_mem>> -> memref<!tpu.dma_semaphore, #tpu.memory_space<semaphore_mem>>
        %dma_wait3A_493 = arith.constant 0 : i32
        %dma_wait3A_494 = arith.constant 0 : i32
        %dma_wait3A_495 = tpu.memref_slice %arg6[%dma_wait3A_481, %dma_wait3A_482, %dma_wait3A_493, %dma_wait3A_494] : memref<7x2x64x128xf32, #tpu.memory_space<vmem>> -> memref<1x1x64x128xf32, #tpu.memory_space<vmem>>
        %dma_wait3A_496 = tpu.memref_squeeze %dma_wait3A_495 : memref<1x1x64x128xf32, #tpu.memory_space<vmem>> -> memref<64x128xf32, #tpu.memory_space<vmem>>
        %dma_wait3A_497 = arith.constant 0 : i32
        %dma_wait3A_498 = arith.constant 0 : i32
        %dma_wait3A_499 = tpu.memref_slice %arg3[%dma_wait3A_497, %dma_wait3A_498] : memref<64x1000001xf32, #tpu.memory_space<hbm>> -> memref<64x128xf32, #tpu.memory_space<hbm>>
        tpu.wait_dma2 semaphore(%dma_wait3A_492 : memref<!tpu.dma_semaphore, #tpu.memory_space<semaphore_mem>>) src(%dma_wait3A_499 : memref<64x128xf32, #tpu.memory_space<hbm>>) dst(%dma_wait3A_496 : memref<64x128xf32, #tpu.memory_space<vmem>>)
        %and3A_500 = arith.constant 127 : i32
        %and3A_501 = arith.andi %squeeze3A_480, %and3A_500 : i32
        %broadcast_in_dim3A_502 = vector.broadcast %and3A_501 : i32 to vector<16xi32>
        %rem3A_503 = arith.constant 64 : i32
        %rem3A_504 = arith.remsi %add3A_358, %rem3A_503 : i32
        %mul3A_505 = arith.constant 2 : i32
        %mul3A_506 = arith.muli %rem3A_504, %mul3A_505 : i32
        %add3A_507 = arith.constant 1 : i32
        %add3A_508 = arith.addi %mul3A_506, %add3A_507 : i32
        %broadcast_in_dim3A_509 = vector.broadcast %add3A_508 : i32 to vector<16xi32>
        %add3A_510 = arith.constant 0 : i32
        %add3A_511 = vector.broadcast %add3A_510 : i32 to vector<16xi32>
        %add3A_512 = arith.addi %iota3A, %add3A_511 : vector<16xi32>
        %gather3A_513 = arith.constant 1 : i32
        %gather3A_514 = arith.constant 1 : i32
        %gather3A_515 = arith.constant 0 : i32
        %gather3A_516 = arith.constant 0 : i32
        %gather3A_517 = tpu.memref_slice %arg6[%gather3A_513, %gather3A_514, %gather3A_515, %gather3A_516] : memref<7x2x64x128xf32, #tpu.memory_space<vmem>> -> memref<1x1x64x128xf32, #tpu.memory_space<vmem>>
        %gather3A_518 = tpu.memref_squeeze %gather3A_517 : memref<1x1x64x128xf32, #tpu.memory_space<vmem>> -> memref<64x128xf32, #tpu.memory_space<vmem>>
        %gather3A_519 = tpu.vector_load_idx %gather3A_518[%add3A_512, %broadcast_in_dim3A_502] : memref<64x128xf32, #tpu.memory_space<vmem>>[vector<16xi32>, vector<16xi32>], vector<16xf32>,
        tpu.vector_store_idx %arg7[%add3A_512, %broadcast_in_dim3A_509], %gather3A_519 : memref<64x128xf32, #tpu.memory_space<vmem>>[vector<16xi32>, vector<16xi32>], vector<16xf32>,
        %add3A_520 = arith.constant 16 : i32
        %add3A_521 = vector.broadcast %add3A_520 : i32 to vector<16xi32>
        %add3A_522 = arith.addi %iota3A, %add3A_521 : vector<16xi32>
        %gather3A_523 = arith.constant 1 : i32
        %gather3A_524 = arith.constant 1 : i32
        %gather3A_525 = arith.constant 0 : i32
        %gather3A_526 = arith.constant 0 : i32
        %gather3A_527 = tpu.memref_slice %arg6[%gather3A_523, %gather3A_524, %gather3A_525, %gather3A_526] : memref<7x2x64x128xf32, #tpu.memory_space<vmem>> -> memref<1x1x64x128xf32, #tpu.memory_space<vmem>>
        %gather3A_528 = tpu.memref_squeeze %gather3A_527 : memref<1x1x64x128xf32, #tpu.memory_space<vmem>> -> memref<64x128xf32, #tpu.memory_space<vmem>>
        %gather3A_529 = tpu.vector_load_idx %gather3A_528[%add3A_522, %broadcast_in_dim3A_502] : memref<64x128xf32, #tpu.memory_space<vmem>>[vector<16xi32>, vector<16xi32>], vector<16xf32>,
        tpu.vector_store_idx %arg7[%add3A_522, %broadcast_in_dim3A_509], %gather3A_529 : memref<64x128xf32, #tpu.memory_space<vmem>>[vector<16xi32>, vector<16xi32>], vector<16xf32>,
        %add3A_530 = arith.constant 32 : i32
        %add3A_531 = vector.broadcast %add3A_530 : i32 to vector<16xi32>
        %add3A_532 = arith.addi %iota3A, %add3A_531 : vector<16xi32>
        %gather3A_533 = arith.constant 1 : i32
        %gather3A_534 = arith.constant 1 : i32
        %gather3A_535 = arith.constant 0 : i32
        %gather3A_536 = arith.constant 0 : i32
        %gather3A_537 = tpu.memref_slice %arg6[%gather3A_533, %gather3A_534, %gather3A_535, %gather3A_536] : memref<7x2x64x128xf32, #tpu.memory_space<vmem>> -> memref<1x1x64x128xf32, #tpu.memory_space<vmem>>
        %gather3A_538 = tpu.memref_squeeze %gather3A_537 : memref<1x1x64x128xf32, #tpu.memory_space<vmem>> -> memref<64x128xf32, #tpu.memory_space<vmem>>
        %gather3A_539 = tpu.vector_load_idx %gather3A_538[%add3A_532, %broadcast_in_dim3A_502] : memref<64x128xf32, #tpu.memory_space<vmem>>[vector<16xi32>, vector<16xi32>], vector<16xf32>,
        tpu.vector_store_idx %arg7[%add3A_532, %broadcast_in_dim3A_509], %gather3A_539 : memref<64x128xf32, #tpu.memory_space<vmem>>[vector<16xi32>, vector<16xi32>], vector<16xf32>,
        %add3A_540 = arith.constant 48 : i32
        %add3A_541 = vector.broadcast %add3A_540 : i32 to vector<16xi32>
        %add3A_542 = arith.addi %iota3A, %add3A_541 : vector<16xi32>
        %gather3A_543 = arith.constant 1 : i32
        %gather3A_544 = arith.constant 1 : i32
        %gather3A_545 = arith.constant 0 : i32
        %gather3A_546 = arith.constant 0 : i32
        %gather3A_547 = tpu.memref_slice %arg6[%gather3A_543, %gather3A_544, %gather3A_545, %gather3A_546] : memref<7x2x64x128xf32, #tpu.memory_space<vmem>> -> memref<1x1x64x128xf32, #tpu.memory_space<vmem>>
        %gather3A_548 = tpu.memref_squeeze %gather3A_547 : memref<1x1x64x128xf32, #tpu.memory_space<vmem>> -> memref<64x128xf32, #tpu.memory_space<vmem>>
        %gather3A_549 = tpu.vector_load_idx %gather3A_548[%add3A_542, %broadcast_in_dim3A_502] : memref<64x128xf32, #tpu.memory_space<vmem>>[vector<16xi32>, vector<16xi32>], vector<16xf32>,
        tpu.vector_store_idx %arg7[%add3A_542, %broadcast_in_dim3A_509], %gather3A_549 : memref<64x128xf32, #tpu.memory_space<vmem>>[vector<16xi32>, vector<16xi32>], vector<16xf32>,
        %add3A_550 = arith.constant 7 : i32
        %add3A_551 = arith.addi %add3A_358, %add3A_550 : i32
        %lt3A_552 = arith.constant 256 : i32
        %lt3A_553 = arith.cmpi slt, %add3A_551, %lt3A_552 : i32
        %convert_element_type3A_554 = arith.extui %lt3A_553 : i1 to i32
        %cond3A_555 = arith.constant 0 : i32
        %cond3A_556 = arith.cmpi ne, %convert_element_type3A_554, %cond3A_555 : i32
        scf.if %cond3A_556 {
          %add3A_565 = arith.constant 7 : i32
          %add3A_566 = arith.addi %add3A_358, %add3A_565 : i32
          %mul3A_567 = arith.constant 2 : i32
          %mul3A_568 = arith.muli %add3A_566, %mul3A_567 : i32
          %get3A_569 = arith.index_cast %mul3A_568 : i32 to index
          %get3A_570 = tpu.vector_load %arg5[%get3A_569] {strides = array<i32>} : memref<528xi32, #tpu.memory_space<vmem>>, vector<16xi32>,
          %slice3A_571 = vector.extract_strided_slice %get3A_570 {offsets = [0], sizes = [1], strides = [1]} : vector<16xi32> to vector<1xi32>
          %squeeze3A_572 = vector.extract %slice3A_571[0] : i32 from vector<1xi32>
          %shift_right_arithmetic3A_573 = arith.constant 7 : i32
          %shift_right_arithmetic3A_574 = arith.shrsi %squeeze3A_572, %shift_right_arithmetic3A_573 : i32
          %shift_left3A_575 = arith.constant 7 : i32
          %shift_left3A_576 = arith.shli %shift_right_arithmetic3A_574, %shift_left3A_575 : i32
          %multiple_of3A_577 = tpu.assume_multiple %shift_left3A_576, 128 : i32
          %dma_start3A_578 = arith.constant 1 : i32
          %dma_start3A_579 = arith.constant 0 : i32
          %dma_start3A_580 = arith.constant 1 : i32
          %dma_start3A_581 = arith.constant 0 : i32
          %dma_start3A_582 = arith.constant 0 : i32
          %dma_start3A_583 = tpu.memref_slice %arg6[%dma_start3A_578, %dma_start3A_579, %dma_start3A_581, %dma_start3A_582] : memref<7x2x64x128xf32, #tpu.memory_space<vmem>> -> memref<1x1x64x128xf32, #tpu.memory_space<vmem>>
          %dma_start3A_584 = tpu.memref_squeeze %dma_start3A_583 : memref<1x1x64x128xf32, #tpu.memory_space<vmem>> -> memref<64x128xf32, #tpu.memory_space<vmem>>
          %dma_start3A_585 = arith.constant 0 : i32
          %dma_start3A_586 = tpu.memref_slice %arg3[%dma_start3A_585, %multiple_of3A_577] : memref<64x1000001xf32, #tpu.memory_space<hbm>> -> memref<64x128xf32, #tpu.memory_space<hbm>>
          %dma_start3A_587 = tpu.memref_slice %arg8[%dma_start3A_580] : memref<7x!tpu.dma_semaphore, #tpu.memory_space<semaphore_mem>> -> memref<1x!tpu.dma_semaphore, #tpu.memory_space<semaphore_mem>>
          %dma_start3A_588 = tpu.memref_squeeze %dma_start3A_587 : memref<1x!tpu.dma_semaphore, #tpu.memory_space<semaphore_mem>> -> memref<!tpu.dma_semaphore, #tpu.memory_space<semaphore_mem>>
          %dma_start3A_589 = arith.constant 0 : i32
          %dma_start3A_590 = arith.constant 0 : i32
          %dma_start3A_591 = tpu.memref_slice %arg6[%dma_start3A_578, %dma_start3A_579, %dma_start3A_589, %dma_start3A_590] : memref<7x2x64x128xf32, #tpu.memory_space<vmem>> -> memref<1x1x64x128xf32, #tpu.memory_space<vmem>>
          %dma_start3A_592 = tpu.memref_squeeze %dma_start3A_591 : memref<1x1x64x128xf32, #tpu.memory_space<vmem>> -> memref<64x128xf32, #tpu.memory_space<vmem>>
          %dma_start3A_593 = arith.constant 0 : i32
          %dma_start3A_594 = tpu.memref_slice %arg3[%dma_start3A_593, %multiple_of3A_577] : memref<64x1000001xf32, #tpu.memory_space<hbm>> -> memref<64x128xf32, #tpu.memory_space<hbm>>
          tpu.enqueue_dma source(%dma_start3A_594 : memref<64x128xf32, #tpu.memory_space<hbm>>) target(%dma_start3A_592 : memref<64x128xf32, #tpu.memory_space<vmem>>) target_semaphore(%dma_start3A_588 : memref<!tpu.dma_semaphore, #tpu.memory_space<semaphore_mem>>)
          %slice3A_595 = vector.extract_strided_slice %get3A_570 {offsets = [1], sizes = [1], strides = [1]} : vector<16xi32> to vector<1xi32>
          %squeeze3A_596 = vector.extract %slice3A_595[0] : i32 from vector<1xi32>
          %shift_right_arithmetic3A_597 = arith.constant 7 : i32
          %shift_right_arithmetic3A_598 = arith.shrsi %squeeze3A_596, %shift_right_arithmetic3A_597 : i32
          %shift_left3A_599 = arith.constant 7 : i32
          %shift_left3A_600 = arith.shli %shift_right_arithmetic3A_598, %shift_left3A_599 : i32
          %multiple_of3A_601 = tpu.assume_multiple %shift_left3A_600, 128 : i32
          %dma_start3A_602 = arith.constant 1 : i32
          %dma_start3A_603 = arith.constant 1 : i32
          %dma_start3A_604 = arith.constant 1 : i32
          %dma_start3A_605 = arith.constant 0 : i32
          %dma_start3A_606 = arith.constant 0 : i32
          %dma_start3A_607 = tpu.memref_slice %arg6[%dma_start3A_602, %dma_start3A_603, %dma_start3A_605, %dma_start3A_606] : memref<7x2x64x128xf32, #tpu.memory_space<vmem>> -> memref<1x1x64x128xf32, #tpu.memory_space<vmem>>
          %dma_start3A_608 = tpu.memref_squeeze %dma_start3A_607 : memref<1x1x64x128xf32, #tpu.memory_space<vmem>> -> memref<64x128xf32, #tpu.memory_space<vmem>>
          %dma_start3A_609 = arith.constant 0 : i32
          %dma_start3A_610 = tpu.memref_slice %arg3[%dma_start3A_609, %multiple_of3A_601] : memref<64x1000001xf32, #tpu.memory_space<hbm>> -> memref<64x128xf32, #tpu.memory_space<hbm>>
          %dma_start3A_611 = tpu.memref_slice %arg8[%dma_start3A_604] : memref<7x!tpu.dma_semaphore, #tpu.memory_space<semaphore_mem>> -> memref<1x!tpu.dma_semaphore, #tpu.memory_space<semaphore_mem>>
          %dma_start3A_612 = tpu.memref_squeeze %dma_start3A_611 : memref<1x!tpu.dma_semaphore, #tpu.memory_space<semaphore_mem>> -> memref<!tpu.dma_semaphore, #tpu.memory_space<semaphore_mem>>
          %dma_start3A_613 = arith.constant 0 : i32
          %dma_start3A_614 = arith.constant 0 : i32
          %dma_start3A_615 = tpu.memref_slice %arg6[%dma_start3A_602, %dma_start3A_603, %dma_start3A_613, %dma_start3A_614] : memref<7x2x64x128xf32, #tpu.memory_space<vmem>> -> memref<1x1x64x128xf32, #tpu.memory_space<vmem>>
          %dma_start3A_616 = tpu.memref_squeeze %dma_start3A_615 : memref<1x1x64x128xf32, #tpu.memory_space<vmem>> -> memref<64x128xf32, #tpu.memory_space<vmem>>
          %dma_start3A_617 = arith.constant 0 : i32
          %dma_start3A_618 = tpu.memref_slice %arg3[%dma_start3A_617, %multiple_of3A_601] : memref<64x1000001xf32, #tpu.memory_space<hbm>> -> memref<64x128xf32, #tpu.memory_space<hbm>>
          tpu.enqueue_dma source(%dma_start3A_618 : memref<64x128xf32, #tpu.memory_space<hbm>>) target(%dma_start3A_616 : memref<64x128xf32, #tpu.memory_space<vmem>>) target_semaphore(%dma_start3A_612 : memref<!tpu.dma_semaphore, #tpu.memory_space<semaphore_mem>>)
        } else {
        }
        %add3A_557 = arith.constant 1 : i32
        %add3A_558 = arith.addi %add3A_358, %add3A_557 : i32
        %rem3A_559 = arith.constant 64 : i32
        %rem3A_560 = arith.remsi %add3A_558, %rem3A_559 : i32
        %eq3A = arith.constant 0 : i32
        %eq3A_561 = arith.cmpi eq, %rem3A_560, %eq3A : i32
        %convert_element_type3A_562 = arith.extui %eq3A_561 : i1 to i32
        %cond3A_563 = arith.constant 0 : i32
        %cond3A_564 = arith.cmpi ne, %convert_element_type3A_562, %cond3A_563 : i32
        scf.if %cond3A_564 {
          %mul3A_565 = arith.constant 512 : i32
          %mul3A_566 = arith.muli %add3A, %mul3A_565 : i32
          %add3A_567 = arith.constant 1 : i32
          %add3A_568 = arith.addi %add3A_358, %add3A_567 : i32
          %mul3A_569 = arith.constant 2 : i32
          %mul3A_570 = arith.muli %add3A_568, %mul3A_569 : i32
          %add3A_571 = arith.addi %mul3A_566, %mul3A_570 : i32
          %sub3A = arith.constant 128 : i32
          %sub3A_572 = arith.subi %add3A_571, %sub3A : i32
          %multiple_of3A_573 = tpu.assume_multiple %sub3A_572, 128 : i32
          "tpu.region"() ({
            %run_scoped3A = tpu.sem_alloc : memref<!tpu.dma_semaphore, #tpu.memory_space<semaphore_mem>>
            %dma_start3A_574 = arith.constant 0 : i32
            %dma_start3A_575 = tpu.memref_slice %arg4[%dma_start3A_574, %multiple_of3A_573] : memref<64x16384xf32, #tpu.memory_space<hbm>> -> memref<64x128xf32, #tpu.memory_space<hbm>>
            %dma_start3A_576 = arith.constant 0 : i32
            %dma_start3A_577 = tpu.memref_slice %arg4[%dma_start3A_576, %multiple_of3A_573] : memref<64x16384xf32, #tpu.memory_space<hbm>> -> memref<64x128xf32, #tpu.memory_space<hbm>>
            tpu.enqueue_dma source(%arg7 : memref<64x128xf32, #tpu.memory_space<vmem>>) target(%dma_start3A_577 : memref<64x128xf32, #tpu.memory_space<hbm>>) target_semaphore(%run_scoped3A : memref<!tpu.dma_semaphore, #tpu.memory_space<semaphore_mem>>)
            %dma_wait3A_578 = arith.constant 0 : i32
            %dma_wait3A_579 = tpu.memref_slice %arg4[%dma_wait3A_578, %multiple_of3A_573] : memref<64x16384xf32, #tpu.memory_space<hbm>> -> memref<64x128xf32, #tpu.memory_space<hbm>>
            %dma_wait3A_580 = arith.constant 0 : i32
            %dma_wait3A_581 = tpu.memref_slice %arg4[%dma_wait3A_580, %multiple_of3A_573] : memref<64x16384xf32, #tpu.memory_space<hbm>> -> memref<64x128xf32, #tpu.memory_space<hbm>>
            tpu.wait_dma2 semaphore(%run_scoped3A : memref<!tpu.dma_semaphore, #tpu.memory_space<semaphore_mem>>) src(%arg7 : memref<64x128xf32, #tpu.memory_space<vmem>>) dst(%dma_wait3A_581 : memref<64x128xf32, #tpu.memory_space<hbm>>)
            tpu.yield
          }) : () -> ()
        } else {
        }
      } else {
      }
      %mul3A_364 = arith.constant 7 : i32
      %mul3A_365 = arith.muli %scan3A_348, %mul3A_364 : i32
      %add3A_366 = arith.constant 2 : i32
      %add3A_367 = arith.addi %mul3A_365, %add3A_366 : i32
      %lt3A_368 = arith.constant 256 : i32
      %lt3A_369 = arith.cmpi slt, %add3A_367, %lt3A_368 : i32
      %convert_element_type3A_370 = arith.extui %lt3A_369 : i1 to i32
      %cond3A_371 = arith.constant 0 : i32
      %cond3A_372 = arith.cmpi ne, %convert_element_type3A_370, %cond3A_371 : i32
      scf.if %cond3A_372 {
        %mul3A_409 = arith.constant 2 : i32
        %mul3A_410 = arith.muli %add3A_367, %mul3A_409 : i32
        %get3A_411 = arith.index_cast %mul3A_410 : i32 to index
        %get3A_412 = tpu.vector_load %arg5[%get3A_411] {strides = array<i32>} : memref<528xi32, #tpu.memory_space<vmem>>, vector<16xi32>,
        %slice3A_413 = vector.extract_strided_slice %get3A_412 {offsets = [0], sizes = [1], strides = [1]} : vector<16xi32> to vector<1xi32>
        %squeeze3A_414 = vector.extract %slice3A_413[0] : i32 from vector<1xi32>
        %dma_wait3A = arith.constant 2 : i32
        %dma_wait3A_415 = arith.constant 0 : i32
        %dma_wait3A_416 = arith.constant 2 : i32
        %dma_wait3A_417 = arith.constant 0 : i32
        %dma_wait3A_418 = arith.constant 0 : i32
        %dma_wait3A_419 = tpu.memref_slice %arg6[%dma_wait3A, %dma_wait3A_415, %dma_wait3A_417, %dma_wait3A_418] : memref<7x2x64x128xf32, #tpu.memory_space<vmem>> -> memref<1x1x64x128xf32, #tpu.memory_space<vmem>>
        %dma_wait3A_420 = tpu.memref_squeeze %dma_wait3A_419 : memref<1x1x64x128xf32, #tpu.memory_space<vmem>> -> memref<64x128xf32, #tpu.memory_space<vmem>>
        %dma_wait3A_421 = arith.constant 0 : i32
        %dma_wait3A_422 = arith.constant 0 : i32
        %dma_wait3A_423 = tpu.memref_slice %arg3[%dma_wait3A_421, %dma_wait3A_422] : memref<64x1000001xf32, #tpu.memory_space<hbm>> -> memref<64x128xf32, #tpu.memory_space<hbm>>
        %dma_wait3A_424 = tpu.memref_slice %arg8[%dma_wait3A_416] : memref<7x!tpu.dma_semaphore, #tpu.memory_space<semaphore_mem>> -> memref<1x!tpu.dma_semaphore, #tpu.memory_space<semaphore_mem>>
        %dma_wait3A_425 = tpu.memref_squeeze %dma_wait3A_424 : memref<1x!tpu.dma_semaphore, #tpu.memory_space<semaphore_mem>> -> memref<!tpu.dma_semaphore, #tpu.memory_space<semaphore_mem>>
        %dma_wait3A_426 = arith.constant 0 : i32
        %dma_wait3A_427 = arith.constant 0 : i32
        %dma_wait3A_428 = tpu.memref_slice %arg6[%dma_wait3A, %dma_wait3A_415, %dma_wait3A_426, %dma_wait3A_427] : memref<7x2x64x128xf32, #tpu.memory_space<vmem>> -> memref<1x1x64x128xf32, #tpu.memory_space<vmem>>
        %dma_wait3A_429 = tpu.memref_squeeze %dma_wait3A_428 : memref<1x1x64x128xf32, #tpu.memory_space<vmem>> -> memref<64x128xf32, #tpu.memory_space<vmem>>
        %dma_wait3A_430 = arith.constant 0 : i32
        %dma_wait3A_431 = arith.constant 0 : i32
        %dma_wait3A_432 = tpu.memref_slice %arg3[%dma_wait3A_430, %dma_wait3A_431] : memref<64x1000001xf32, #tpu.memory_space<hbm>> -> memref<64x128xf32, #tpu.memory_space<hbm>>
        tpu.wait_dma2 semaphore(%dma_wait3A_425 : memref<!tpu.dma_semaphore, #tpu.memory_space<semaphore_mem>>) src(%dma_wait3A_432 : memref<64x128xf32, #tpu.memory_space<hbm>>) dst(%dma_wait3A_429 : memref<64x128xf32, #tpu.memory_space<vmem>>)
        %and3A = arith.constant 127 : i32
        %and3A_433 = arith.andi %squeeze3A_414, %and3A : i32
        %broadcast_in_dim3A = vector.broadcast %and3A_433 : i32 to vector<16xi32>
        %rem3A = arith.constant 64 : i32
        %rem3A_434 = arith.remsi %add3A_367, %rem3A : i32
        %mul3A_435 = arith.constant 2 : i32
        %mul3A_436 = arith.muli %rem3A_434, %mul3A_435 : i32
        %add3A_437 = arith.constant 0 : i32
        %add3A_438 = arith.addi %mul3A_436, %add3A_437 : i32
        %broadcast_in_dim3A_439 = vector.broadcast %add3A_438 : i32 to vector<16xi32>
        %add3A_440 = arith.constant 0 : i32
        %add3A_441 = vector.broadcast %add3A_440 : i32 to vector<16xi32>
        %add3A_442 = arith.addi %iota3A, %add3A_441 : vector<16xi32>
        %gather3A = arith.constant 2 : i32
        %gather3A_443 = arith.constant 0 : i32
        %gather3A_444 = arith.constant 0 : i32
        %gather3A_445 = arith.constant 0 : i32
        %gather3A_446 = tpu.memref_slice %arg6[%gather3A, %gather3A_443, %gather3A_444, %gather3A_445] : memref<7x2x64x128xf32, #tpu.memory_space<vmem>> -> memref<1x1x64x128xf32, #tpu.memory_space<vmem>>
        %gather3A_447 = tpu.memref_squeeze %gather3A_446 : memref<1x1x64x128xf32, #tpu.memory_space<vmem>> -> memref<64x128xf32, #tpu.memory_space<vmem>>
        %gather3A_448 = tpu.vector_load_idx %gather3A_447[%add3A_442, %broadcast_in_dim3A] : memref<64x128xf32, #tpu.memory_space<vmem>>[vector<16xi32>, vector<16xi32>], vector<16xf32>,
        tpu.vector_store_idx %arg7[%add3A_442, %broadcast_in_dim3A_439], %gather3A_448 : memref<64x128xf32, #tpu.memory_space<vmem>>[vector<16xi32>, vector<16xi32>], vector<16xf32>,
        %add3A_449 = arith.constant 16 : i32
        %add3A_450 = vector.broadcast %add3A_449 : i32 to vector<16xi32>
        %add3A_451 = arith.addi %iota3A, %add3A_450 : vector<16xi32>
        %gather3A_452 = arith.constant 2 : i32
        %gather3A_453 = arith.constant 0 : i32
        %gather3A_454 = arith.constant 0 : i32
        %gather3A_455 = arith.constant 0 : i32
        %gather3A_456 = tpu.memref_slice %arg6[%gather3A_452, %gather3A_453, %gather3A_454, %gather3A_455] : memref<7x2x64x128xf32, #tpu.memory_space<vmem>> -> memref<1x1x64x128xf32, #tpu.memory_space<vmem>>
        %gather3A_457 = tpu.memref_squeeze %gather3A_456 : memref<1x1x64x128xf32, #tpu.memory_space<vmem>> -> memref<64x128xf32, #tpu.memory_space<vmem>>
        %gather3A_458 = tpu.vector_load_idx %gather3A_457[%add3A_451, %broadcast_in_dim3A] : memref<64x128xf32, #tpu.memory_space<vmem>>[vector<16xi32>, vector<16xi32>], vector<16xf32>,
        tpu.vector_store_idx %arg7[%add3A_451, %broadcast_in_dim3A_439], %gather3A_458 : memref<64x128xf32, #tpu.memory_space<vmem>>[vector<16xi32>, vector<16xi32>], vector<16xf32>,
        %add3A_459 = arith.constant 32 : i32
        %add3A_460 = vector.broadcast %add3A_459 : i32 to vector<16xi32>
        %add3A_461 = arith.addi %iota3A, %add3A_460 : vector<16xi32>
        %gather3A_462 = arith.constant 2 : i32
        %gather3A_463 = arith.constant 0 : i32
        %gather3A_464 = arith.constant 0 : i32
        %gather3A_465 = arith.constant 0 : i32
        %gather3A_466 = tpu.memref_slice %arg6[%gather3A_462, %gather3A_463, %gather3A_464, %gather3A_465] : memref<7x2x64x128xf32, #tpu.memory_space<vmem>> -> memref<1x1x64x128xf32, #tpu.memory_space<vmem>>
        %gather3A_467 = tpu.memref_squeeze %gather3A_466 : memref<1x1x64x128xf32, #tpu.memory_space<vmem>> -> memref<64x128xf32, #tpu.memory_space<vmem>>
        %gather3A_468 = tpu.vector_load_idx %gather3A_467[%add3A_461, %broadcast_in_dim3A] : memref<64x128xf32, #tpu.memory_space<vmem>>[vector<16xi32>, vector<16xi32>], vector<16xf32>,
        tpu.vector_store_idx %arg7[%add3A_461, %broadcast_in_dim3A_439], %gather3A_468 : memref<64x128xf32, #tpu.memory_space<vmem>>[vector<16xi32>, vector<16xi32>], vector<16xf32>,
        %add3A_469 = arith.constant 48 : i32
        %add3A_470 = vector.broadcast %add3A_469 : i32 to vector<16xi32>
        %add3A_471 = arith.addi %iota3A, %add3A_470 : vector<16xi32>
        %gather3A_472 = arith.constant 2 : i32
        %gather3A_473 = arith.constant 0 : i32
        %gather3A_474 = arith.constant 0 : i32
        %gather3A_475 = arith.constant 0 : i32
        %gather3A_476 = tpu.memref_slice %arg6[%gather3A_472, %gather3A_473, %gather3A_474, %gather3A_475] : memref<7x2x64x128xf32, #tpu.memory_space<vmem>> -> memref<1x1x64x128xf32, #tpu.memory_space<vmem>>
        %gather3A_477 = tpu.memref_squeeze %gather3A_476 : memref<1x1x64x128xf32, #tpu.memory_space<vmem>> -> memref<64x128xf32, #tpu.memory_space<vmem>>
        %gather3A_478 = tpu.vector_load_idx %gather3A_477[%add3A_471, %broadcast_in_dim3A] : memref<64x128xf32, #tpu.memory_space<vmem>>[vector<16xi32>, vector<16xi32>], vector<16xf32>,
        tpu.vector_store_idx %arg7[%add3A_471, %broadcast_in_dim3A_439], %gather3A_478 : memref<64x128xf32, #tpu.memory_space<vmem>>[vector<16xi32>, vector<16xi32>], vector<16xf32>,
        %slice3A_479 = vector.extract_strided_slice %get3A_412 {offsets = [1], sizes = [1], strides = [1]} : vector<16xi32> to vector<1xi32>
        %squeeze3A_480 = vector.extract %slice3A_479[0] : i32 from vector<1xi32>
        %dma_wait3A_481 = arith.constant 2 : i32
        %dma_wait3A_482 = arith.constant 1 : i32
        %dma_wait3A_483 = arith.constant 2 : i32
        %dma_wait3A_484 = arith.constant 0 : i32
        %dma_wait3A_485 = arith.constant 0 : i32
        %dma_wait3A_486 = tpu.memref_slice %arg6[%dma_wait3A_481, %dma_wait3A_482, %dma_wait3A_484, %dma_wait3A_485] : memref<7x2x64x128xf32, #tpu.memory_space<vmem>> -> memref<1x1x64x128xf32, #tpu.memory_space<vmem>>
        %dma_wait3A_487 = tpu.memref_squeeze %dma_wait3A_486 : memref<1x1x64x128xf32, #tpu.memory_space<vmem>> -> memref<64x128xf32, #tpu.memory_space<vmem>>
        %dma_wait3A_488 = arith.constant 0 : i32
        %dma_wait3A_489 = arith.constant 0 : i32
        %dma_wait3A_490 = tpu.memref_slice %arg3[%dma_wait3A_488, %dma_wait3A_489] : memref<64x1000001xf32, #tpu.memory_space<hbm>> -> memref<64x128xf32, #tpu.memory_space<hbm>>
        %dma_wait3A_491 = tpu.memref_slice %arg8[%dma_wait3A_483] : memref<7x!tpu.dma_semaphore, #tpu.memory_space<semaphore_mem>> -> memref<1x!tpu.dma_semaphore, #tpu.memory_space<semaphore_mem>>
        %dma_wait3A_492 = tpu.memref_squeeze %dma_wait3A_491 : memref<1x!tpu.dma_semaphore, #tpu.memory_space<semaphore_mem>> -> memref<!tpu.dma_semaphore, #tpu.memory_space<semaphore_mem>>
        %dma_wait3A_493 = arith.constant 0 : i32
        %dma_wait3A_494 = arith.constant 0 : i32
        %dma_wait3A_495 = tpu.memref_slice %arg6[%dma_wait3A_481, %dma_wait3A_482, %dma_wait3A_493, %dma_wait3A_494] : memref<7x2x64x128xf32, #tpu.memory_space<vmem>> -> memref<1x1x64x128xf32, #tpu.memory_space<vmem>>
        %dma_wait3A_496 = tpu.memref_squeeze %dma_wait3A_495 : memref<1x1x64x128xf32, #tpu.memory_space<vmem>> -> memref<64x128xf32, #tpu.memory_space<vmem>>
        %dma_wait3A_497 = arith.constant 0 : i32
        %dma_wait3A_498 = arith.constant 0 : i32
        %dma_wait3A_499 = tpu.memref_slice %arg3[%dma_wait3A_497, %dma_wait3A_498] : memref<64x1000001xf32, #tpu.memory_space<hbm>> -> memref<64x128xf32, #tpu.memory_space<hbm>>
        tpu.wait_dma2 semaphore(%dma_wait3A_492 : memref<!tpu.dma_semaphore, #tpu.memory_space<semaphore_mem>>) src(%dma_wait3A_499 : memref<64x128xf32, #tpu.memory_space<hbm>>) dst(%dma_wait3A_496 : memref<64x128xf32, #tpu.memory_space<vmem>>)
        %and3A_500 = arith.constant 127 : i32
        %and3A_501 = arith.andi %squeeze3A_480, %and3A_500 : i32
        %broadcast_in_dim3A_502 = vector.broadcast %and3A_501 : i32 to vector<16xi32>
        %rem3A_503 = arith.constant 64 : i32
        %rem3A_504 = arith.remsi %add3A_367, %rem3A_503 : i32
        %mul3A_505 = arith.constant 2 : i32
        %mul3A_506 = arith.muli %rem3A_504, %mul3A_505 : i32
        %add3A_507 = arith.constant 1 : i32
        %add3A_508 = arith.addi %mul3A_506, %add3A_507 : i32
        %broadcast_in_dim3A_509 = vector.broadcast %add3A_508 : i32 to vector<16xi32>
        %add3A_510 = arith.constant 0 : i32
        %add3A_511 = vector.broadcast %add3A_510 : i32 to vector<16xi32>
        %add3A_512 = arith.addi %iota3A, %add3A_511 : vector<16xi32>
        %gather3A_513 = arith.constant 2 : i32
        %gather3A_514 = arith.constant 1 : i32
        %gather3A_515 = arith.constant 0 : i32
        %gather3A_516 = arith.constant 0 : i32
        %gather3A_517 = tpu.memref_slice %arg6[%gather3A_513, %gather3A_514, %gather3A_515, %gather3A_516] : memref<7x2x64x128xf32, #tpu.memory_space<vmem>> -> memref<1x1x64x128xf32, #tpu.memory_space<vmem>>
        %gather3A_518 = tpu.memref_squeeze %gather3A_517 : memref<1x1x64x128xf32, #tpu.memory_space<vmem>> -> memref<64x128xf32, #tpu.memory_space<vmem>>
        %gather3A_519 = tpu.vector_load_idx %gather3A_518[%add3A_512, %broadcast_in_dim3A_502] : memref<64x128xf32, #tpu.memory_space<vmem>>[vector<16xi32>, vector<16xi32>], vector<16xf32>,
        tpu.vector_store_idx %arg7[%add3A_512, %broadcast_in_dim3A_509], %gather3A_519 : memref<64x128xf32, #tpu.memory_space<vmem>>[vector<16xi32>, vector<16xi32>], vector<16xf32>,
        %add3A_520 = arith.constant 16 : i32
        %add3A_521 = vector.broadcast %add3A_520 : i32 to vector<16xi32>
        %add3A_522 = arith.addi %iota3A, %add3A_521 : vector<16xi32>
        %gather3A_523 = arith.constant 2 : i32
        %gather3A_524 = arith.constant 1 : i32
        %gather3A_525 = arith.constant 0 : i32
        %gather3A_526 = arith.constant 0 : i32
        %gather3A_527 = tpu.memref_slice %arg6[%gather3A_523, %gather3A_524, %gather3A_525, %gather3A_526] : memref<7x2x64x128xf32, #tpu.memory_space<vmem>> -> memref<1x1x64x128xf32, #tpu.memory_space<vmem>>
        %gather3A_528 = tpu.memref_squeeze %gather3A_527 : memref<1x1x64x128xf32, #tpu.memory_space<vmem>> -> memref<64x128xf32, #tpu.memory_space<vmem>>
        %gather3A_529 = tpu.vector_load_idx %gather3A_528[%add3A_522, %broadcast_in_dim3A_502] : memref<64x128xf32, #tpu.memory_space<vmem>>[vector<16xi32>, vector<16xi32>], vector<16xf32>,
        tpu.vector_store_idx %arg7[%add3A_522, %broadcast_in_dim3A_509], %gather3A_529 : memref<64x128xf32, #tpu.memory_space<vmem>>[vector<16xi32>, vector<16xi32>], vector<16xf32>,
        %add3A_530 = arith.constant 32 : i32
        %add3A_531 = vector.broadcast %add3A_530 : i32 to vector<16xi32>
        %add3A_532 = arith.addi %iota3A, %add3A_531 : vector<16xi32>
        %gather3A_533 = arith.constant 2 : i32
        %gather3A_534 = arith.constant 1 : i32
        %gather3A_535 = arith.constant 0 : i32
        %gather3A_536 = arith.constant 0 : i32
        %gather3A_537 = tpu.memref_slice %arg6[%gather3A_533, %gather3A_534, %gather3A_535, %gather3A_536] : memref<7x2x64x128xf32, #tpu.memory_space<vmem>> -> memref<1x1x64x128xf32, #tpu.memory_space<vmem>>
        %gather3A_538 = tpu.memref_squeeze %gather3A_537 : memref<1x1x64x128xf32, #tpu.memory_space<vmem>> -> memref<64x128xf32, #tpu.memory_space<vmem>>
        %gather3A_539 = tpu.vector_load_idx %gather3A_538[%add3A_532, %broadcast_in_dim3A_502] : memref<64x128xf32, #tpu.memory_space<vmem>>[vector<16xi32>, vector<16xi32>], vector<16xf32>,
        tpu.vector_store_idx %arg7[%add3A_532, %broadcast_in_dim3A_509], %gather3A_539 : memref<64x128xf32, #tpu.memory_space<vmem>>[vector<16xi32>, vector<16xi32>], vector<16xf32>,
        %add3A_540 = arith.constant 48 : i32
        %add3A_541 = vector.broadcast %add3A_540 : i32 to vector<16xi32>
        %add3A_542 = arith.addi %iota3A, %add3A_541 : vector<16xi32>
        %gather3A_543 = arith.constant 2 : i32
        %gather3A_544 = arith.constant 1 : i32
        %gather3A_545 = arith.constant 0 : i32
        %gather3A_546 = arith.constant 0 : i32
        %gather3A_547 = tpu.memref_slice %arg6[%gather3A_543, %gather3A_544, %gather3A_545, %gather3A_546] : memref<7x2x64x128xf32, #tpu.memory_space<vmem>> -> memref<1x1x64x128xf32, #tpu.memory_space<vmem>>
        %gather3A_548 = tpu.memref_squeeze %gather3A_547 : memref<1x1x64x128xf32, #tpu.memory_space<vmem>> -> memref<64x128xf32, #tpu.memory_space<vmem>>
        %gather3A_549 = tpu.vector_load_idx %gather3A_548[%add3A_542, %broadcast_in_dim3A_502] : memref<64x128xf32, #tpu.memory_space<vmem>>[vector<16xi32>, vector<16xi32>], vector<16xf32>,
        tpu.vector_store_idx %arg7[%add3A_542, %broadcast_in_dim3A_509], %gather3A_549 : memref<64x128xf32, #tpu.memory_space<vmem>>[vector<16xi32>, vector<16xi32>], vector<16xf32>,
        %add3A_550 = arith.constant 7 : i32
        %add3A_551 = arith.addi %add3A_367, %add3A_550 : i32
        %lt3A_552 = arith.constant 256 : i32
        %lt3A_553 = arith.cmpi slt, %add3A_551, %lt3A_552 : i32
        %convert_element_type3A_554 = arith.extui %lt3A_553 : i1 to i32
        %cond3A_555 = arith.constant 0 : i32
        %cond3A_556 = arith.cmpi ne, %convert_element_type3A_554, %cond3A_555 : i32
        scf.if %cond3A_556 {
          %add3A_565 = arith.constant 7 : i32
          %add3A_566 = arith.addi %add3A_367, %add3A_565 : i32
          %mul3A_567 = arith.constant 2 : i32
          %mul3A_568 = arith.muli %add3A_566, %mul3A_567 : i32
          %get3A_569 = arith.index_cast %mul3A_568 : i32 to index
          %get3A_570 = tpu.vector_load %arg5[%get3A_569] {strides = array<i32>} : memref<528xi32, #tpu.memory_space<vmem>>, vector<16xi32>,
          %slice3A_571 = vector.extract_strided_slice %get3A_570 {offsets = [0], sizes = [1], strides = [1]} : vector<16xi32> to vector<1xi32>
          %squeeze3A_572 = vector.extract %slice3A_571[0] : i32 from vector<1xi32>
          %shift_right_arithmetic3A_573 = arith.constant 7 : i32
          %shift_right_arithmetic3A_574 = arith.shrsi %squeeze3A_572, %shift_right_arithmetic3A_573 : i32
          %shift_left3A_575 = arith.constant 7 : i32
          %shift_left3A_576 = arith.shli %shift_right_arithmetic3A_574, %shift_left3A_575 : i32
          %multiple_of3A_577 = tpu.assume_multiple %shift_left3A_576, 128 : i32
          %dma_start3A_578 = arith.constant 2 : i32
          %dma_start3A_579 = arith.constant 0 : i32
          %dma_start3A_580 = arith.constant 2 : i32
          %dma_start3A_581 = arith.constant 0 : i32
          %dma_start3A_582 = arith.constant 0 : i32
          %dma_start3A_583 = tpu.memref_slice %arg6[%dma_start3A_578, %dma_start3A_579, %dma_start3A_581, %dma_start3A_582] : memref<7x2x64x128xf32, #tpu.memory_space<vmem>> -> memref<1x1x64x128xf32, #tpu.memory_space<vmem>>
          %dma_start3A_584 = tpu.memref_squeeze %dma_start3A_583 : memref<1x1x64x128xf32, #tpu.memory_space<vmem>> -> memref<64x128xf32, #tpu.memory_space<vmem>>
          %dma_start3A_585 = arith.constant 0 : i32
          %dma_start3A_586 = tpu.memref_slice %arg3[%dma_start3A_585, %multiple_of3A_577] : memref<64x1000001xf32, #tpu.memory_space<hbm>> -> memref<64x128xf32, #tpu.memory_space<hbm>>
          %dma_start3A_587 = tpu.memref_slice %arg8[%dma_start3A_580] : memref<7x!tpu.dma_semaphore, #tpu.memory_space<semaphore_mem>> -> memref<1x!tpu.dma_semaphore, #tpu.memory_space<semaphore_mem>>
          %dma_start3A_588 = tpu.memref_squeeze %dma_start3A_587 : memref<1x!tpu.dma_semaphore, #tpu.memory_space<semaphore_mem>> -> memref<!tpu.dma_semaphore, #tpu.memory_space<semaphore_mem>>
          %dma_start3A_589 = arith.constant 0 : i32
          %dma_start3A_590 = arith.constant 0 : i32
          %dma_start3A_591 = tpu.memref_slice %arg6[%dma_start3A_578, %dma_start3A_579, %dma_start3A_589, %dma_start3A_590] : memref<7x2x64x128xf32, #tpu.memory_space<vmem>> -> memref<1x1x64x128xf32, #tpu.memory_space<vmem>>
          %dma_start3A_592 = tpu.memref_squeeze %dma_start3A_591 : memref<1x1x64x128xf32, #tpu.memory_space<vmem>> -> memref<64x128xf32, #tpu.memory_space<vmem>>
          %dma_start3A_593 = arith.constant 0 : i32
          %dma_start3A_594 = tpu.memref_slice %arg3[%dma_start3A_593, %multiple_of3A_577] : memref<64x1000001xf32, #tpu.memory_space<hbm>> -> memref<64x128xf32, #tpu.memory_space<hbm>>
          tpu.enqueue_dma source(%dma_start3A_594 : memref<64x128xf32, #tpu.memory_space<hbm>>) target(%dma_start3A_592 : memref<64x128xf32, #tpu.memory_space<vmem>>) target_semaphore(%dma_start3A_588 : memref<!tpu.dma_semaphore, #tpu.memory_space<semaphore_mem>>)
          %slice3A_595 = vector.extract_strided_slice %get3A_570 {offsets = [1], sizes = [1], strides = [1]} : vector<16xi32> to vector<1xi32>
          %squeeze3A_596 = vector.extract %slice3A_595[0] : i32 from vector<1xi32>
          %shift_right_arithmetic3A_597 = arith.constant 7 : i32
          %shift_right_arithmetic3A_598 = arith.shrsi %squeeze3A_596, %shift_right_arithmetic3A_597 : i32
          %shift_left3A_599 = arith.constant 7 : i32
          %shift_left3A_600 = arith.shli %shift_right_arithmetic3A_598, %shift_left3A_599 : i32
          %multiple_of3A_601 = tpu.assume_multiple %shift_left3A_600, 128 : i32
          %dma_start3A_602 = arith.constant 2 : i32
          %dma_start3A_603 = arith.constant 1 : i32
          %dma_start3A_604 = arith.constant 2 : i32
          %dma_start3A_605 = arith.constant 0 : i32
          %dma_start3A_606 = arith.constant 0 : i32
          %dma_start3A_607 = tpu.memref_slice %arg6[%dma_start3A_602, %dma_start3A_603, %dma_start3A_605, %dma_start3A_606] : memref<7x2x64x128xf32, #tpu.memory_space<vmem>> -> memref<1x1x64x128xf32, #tpu.memory_space<vmem>>
          %dma_start3A_608 = tpu.memref_squeeze %dma_start3A_607 : memref<1x1x64x128xf32, #tpu.memory_space<vmem>> -> memref<64x128xf32, #tpu.memory_space<vmem>>
          %dma_start3A_609 = arith.constant 0 : i32
          %dma_start3A_610 = tpu.memref_slice %arg3[%dma_start3A_609, %multiple_of3A_601] : memref<64x1000001xf32, #tpu.memory_space<hbm>> -> memref<64x128xf32, #tpu.memory_space<hbm>>
          %dma_start3A_611 = tpu.memref_slice %arg8[%dma_start3A_604] : memref<7x!tpu.dma_semaphore, #tpu.memory_space<semaphore_mem>> -> memref<1x!tpu.dma_semaphore, #tpu.memory_space<semaphore_mem>>
          %dma_start3A_612 = tpu.memref_squeeze %dma_start3A_611 : memref<1x!tpu.dma_semaphore, #tpu.memory_space<semaphore_mem>> -> memref<!tpu.dma_semaphore, #tpu.memory_space<semaphore_mem>>
          %dma_start3A_613 = arith.constant 0 : i32
          %dma_start3A_614 = arith.constant 0 : i32
          %dma_start3A_615 = tpu.memref_slice %arg6[%dma_start3A_602, %dma_start3A_603, %dma_start3A_613, %dma_start3A_614] : memref<7x2x64x128xf32, #tpu.memory_space<vmem>> -> memref<1x1x64x128xf32, #tpu.memory_space<vmem>>
          %dma_start3A_616 = tpu.memref_squeeze %dma_start3A_615 : memref<1x1x64x128xf32, #tpu.memory_space<vmem>> -> memref<64x128xf32, #tpu.memory_space<vmem>>
          %dma_start3A_617 = arith.constant 0 : i32
          %dma_start3A_618 = tpu.memref_slice %arg3[%dma_start3A_617, %multiple_of3A_601] : memref<64x1000001xf32, #tpu.memory_space<hbm>> -> memref<64x128xf32, #tpu.memory_space<hbm>>
          tpu.enqueue_dma source(%dma_start3A_618 : memref<64x128xf32, #tpu.memory_space<hbm>>) target(%dma_start3A_616 : memref<64x128xf32, #tpu.memory_space<vmem>>) target_semaphore(%dma_start3A_612 : memref<!tpu.dma_semaphore, #tpu.memory_space<semaphore_mem>>)
        } else {
        }
        %add3A_557 = arith.constant 1 : i32
        %add3A_558 = arith.addi %add3A_367, %add3A_557 : i32
        %rem3A_559 = arith.constant 64 : i32
        %rem3A_560 = arith.remsi %add3A_558, %rem3A_559 : i32
        %eq3A = arith.constant 0 : i32
        %eq3A_561 = arith.cmpi eq, %rem3A_560, %eq3A : i32
        %convert_element_type3A_562 = arith.extui %eq3A_561 : i1 to i32
        %cond3A_563 = arith.constant 0 : i32
        %cond3A_564 = arith.cmpi ne, %convert_element_type3A_562, %cond3A_563 : i32
        scf.if %cond3A_564 {
          %mul3A_565 = arith.constant 512 : i32
          %mul3A_566 = arith.muli %add3A, %mul3A_565 : i32
          %add3A_567 = arith.constant 1 : i32
          %add3A_568 = arith.addi %add3A_367, %add3A_567 : i32
          %mul3A_569 = arith.constant 2 : i32
          %mul3A_570 = arith.muli %add3A_568, %mul3A_569 : i32
          %add3A_571 = arith.addi %mul3A_566, %mul3A_570 : i32
          %sub3A = arith.constant 128 : i32
          %sub3A_572 = arith.subi %add3A_571, %sub3A : i32
          %multiple_of3A_573 = tpu.assume_multiple %sub3A_572, 128 : i32
          "tpu.region"() ({
            %run_scoped3A = tpu.sem_alloc : memref<!tpu.dma_semaphore, #tpu.memory_space<semaphore_mem>>
            %dma_start3A_574 = arith.constant 0 : i32
            %dma_start3A_575 = tpu.memref_slice %arg4[%dma_start3A_574, %multiple_of3A_573] : memref<64x16384xf32, #tpu.memory_space<hbm>> -> memref<64x128xf32, #tpu.memory_space<hbm>>
            %dma_start3A_576 = arith.constant 0 : i32
            %dma_start3A_577 = tpu.memref_slice %arg4[%dma_start3A_576, %multiple_of3A_573] : memref<64x16384xf32, #tpu.memory_space<hbm>> -> memref<64x128xf32, #tpu.memory_space<hbm>>
            tpu.enqueue_dma source(%arg7 : memref<64x128xf32, #tpu.memory_space<vmem>>) target(%dma_start3A_577 : memref<64x128xf32, #tpu.memory_space<hbm>>) target_semaphore(%run_scoped3A : memref<!tpu.dma_semaphore, #tpu.memory_space<semaphore_mem>>)
            %dma_wait3A_578 = arith.constant 0 : i32
            %dma_wait3A_579 = tpu.memref_slice %arg4[%dma_wait3A_578, %multiple_of3A_573] : memref<64x16384xf32, #tpu.memory_space<hbm>> -> memref<64x128xf32, #tpu.memory_space<hbm>>
            %dma_wait3A_580 = arith.constant 0 : i32
            %dma_wait3A_581 = tpu.memref_slice %arg4[%dma_wait3A_580, %multiple_of3A_573] : memref<64x16384xf32, #tpu.memory_space<hbm>> -> memref<64x128xf32, #tpu.memory_space<hbm>>
            tpu.wait_dma2 semaphore(%run_scoped3A : memref<!tpu.dma_semaphore, #tpu.memory_space<semaphore_mem>>) src(%arg7 : memref<64x128xf32, #tpu.memory_space<vmem>>) dst(%dma_wait3A_581 : memref<64x128xf32, #tpu.memory_space<hbm>>)
            tpu.yield
          }) : () -> ()
        } else {
        }
      } else {
      }
      %mul3A_373 = arith.constant 7 : i32
      %mul3A_374 = arith.muli %scan3A_348, %mul3A_373 : i32
      %add3A_375 = arith.constant 3 : i32
      %add3A_376 = arith.addi %mul3A_374, %add3A_375 : i32
      %lt3A_377 = arith.constant 256 : i32
      %lt3A_378 = arith.cmpi slt, %add3A_376, %lt3A_377 : i32
      %convert_element_type3A_379 = arith.extui %lt3A_378 : i1 to i32
      %cond3A_380 = arith.constant 0 : i32
      %cond3A_381 = arith.cmpi ne, %convert_element_type3A_379, %cond3A_380 : i32
      scf.if %cond3A_381 {
        %mul3A_409 = arith.constant 2 : i32
        %mul3A_410 = arith.muli %add3A_376, %mul3A_409 : i32
        %get3A_411 = arith.index_cast %mul3A_410 : i32 to index
        %get3A_412 = tpu.vector_load %arg5[%get3A_411] {strides = array<i32>} : memref<528xi32, #tpu.memory_space<vmem>>, vector<16xi32>,
        %slice3A_413 = vector.extract_strided_slice %get3A_412 {offsets = [0], sizes = [1], strides = [1]} : vector<16xi32> to vector<1xi32>
        %squeeze3A_414 = vector.extract %slice3A_413[0] : i32 from vector<1xi32>
        %dma_wait3A = arith.constant 3 : i32
        %dma_wait3A_415 = arith.constant 0 : i32
        %dma_wait3A_416 = arith.constant 3 : i32
        %dma_wait3A_417 = arith.constant 0 : i32
        %dma_wait3A_418 = arith.constant 0 : i32
        %dma_wait3A_419 = tpu.memref_slice %arg6[%dma_wait3A, %dma_wait3A_415, %dma_wait3A_417, %dma_wait3A_418] : memref<7x2x64x128xf32, #tpu.memory_space<vmem>> -> memref<1x1x64x128xf32, #tpu.memory_space<vmem>>
        %dma_wait3A_420 = tpu.memref_squeeze %dma_wait3A_419 : memref<1x1x64x128xf32, #tpu.memory_space<vmem>> -> memref<64x128xf32, #tpu.memory_space<vmem>>
        %dma_wait3A_421 = arith.constant 0 : i32
        %dma_wait3A_422 = arith.constant 0 : i32
        %dma_wait3A_423 = tpu.memref_slice %arg3[%dma_wait3A_421, %dma_wait3A_422] : memref<64x1000001xf32, #tpu.memory_space<hbm>> -> memref<64x128xf32, #tpu.memory_space<hbm>>
        %dma_wait3A_424 = tpu.memref_slice %arg8[%dma_wait3A_416] : memref<7x!tpu.dma_semaphore, #tpu.memory_space<semaphore_mem>> -> memref<1x!tpu.dma_semaphore, #tpu.memory_space<semaphore_mem>>
        %dma_wait3A_425 = tpu.memref_squeeze %dma_wait3A_424 : memref<1x!tpu.dma_semaphore, #tpu.memory_space<semaphore_mem>> -> memref<!tpu.dma_semaphore, #tpu.memory_space<semaphore_mem>>
        %dma_wait3A_426 = arith.constant 0 : i32
        %dma_wait3A_427 = arith.constant 0 : i32
        %dma_wait3A_428 = tpu.memref_slice %arg6[%dma_wait3A, %dma_wait3A_415, %dma_wait3A_426, %dma_wait3A_427] : memref<7x2x64x128xf32, #tpu.memory_space<vmem>> -> memref<1x1x64x128xf32, #tpu.memory_space<vmem>>
        %dma_wait3A_429 = tpu.memref_squeeze %dma_wait3A_428 : memref<1x1x64x128xf32, #tpu.memory_space<vmem>> -> memref<64x128xf32, #tpu.memory_space<vmem>>
        %dma_wait3A_430 = arith.constant 0 : i32
        %dma_wait3A_431 = arith.constant 0 : i32
        %dma_wait3A_432 = tpu.memref_slice %arg3[%dma_wait3A_430, %dma_wait3A_431] : memref<64x1000001xf32, #tpu.memory_space<hbm>> -> memref<64x128xf32, #tpu.memory_space<hbm>>
        tpu.wait_dma2 semaphore(%dma_wait3A_425 : memref<!tpu.dma_semaphore, #tpu.memory_space<semaphore_mem>>) src(%dma_wait3A_432 : memref<64x128xf32, #tpu.memory_space<hbm>>) dst(%dma_wait3A_429 : memref<64x128xf32, #tpu.memory_space<vmem>>)
        %and3A = arith.constant 127 : i32
        %and3A_433 = arith.andi %squeeze3A_414, %and3A : i32
        %broadcast_in_dim3A = vector.broadcast %and3A_433 : i32 to vector<16xi32>
        %rem3A = arith.constant 64 : i32
        %rem3A_434 = arith.remsi %add3A_376, %rem3A : i32
        %mul3A_435 = arith.constant 2 : i32
        %mul3A_436 = arith.muli %rem3A_434, %mul3A_435 : i32
        %add3A_437 = arith.constant 0 : i32
        %add3A_438 = arith.addi %mul3A_436, %add3A_437 : i32
        %broadcast_in_dim3A_439 = vector.broadcast %add3A_438 : i32 to vector<16xi32>
        %add3A_440 = arith.constant 0 : i32
        %add3A_441 = vector.broadcast %add3A_440 : i32 to vector<16xi32>
        %add3A_442 = arith.addi %iota3A, %add3A_441 : vector<16xi32>
        %gather3A = arith.constant 3 : i32
        %gather3A_443 = arith.constant 0 : i32
        %gather3A_444 = arith.constant 0 : i32
        %gather3A_445 = arith.constant 0 : i32
        %gather3A_446 = tpu.memref_slice %arg6[%gather3A, %gather3A_443, %gather3A_444, %gather3A_445] : memref<7x2x64x128xf32, #tpu.memory_space<vmem>> -> memref<1x1x64x128xf32, #tpu.memory_space<vmem>>
        %gather3A_447 = tpu.memref_squeeze %gather3A_446 : memref<1x1x64x128xf32, #tpu.memory_space<vmem>> -> memref<64x128xf32, #tpu.memory_space<vmem>>
        %gather3A_448 = tpu.vector_load_idx %gather3A_447[%add3A_442, %broadcast_in_dim3A] : memref<64x128xf32, #tpu.memory_space<vmem>>[vector<16xi32>, vector<16xi32>], vector<16xf32>,
        tpu.vector_store_idx %arg7[%add3A_442, %broadcast_in_dim3A_439], %gather3A_448 : memref<64x128xf32, #tpu.memory_space<vmem>>[vector<16xi32>, vector<16xi32>], vector<16xf32>,
        %add3A_449 = arith.constant 16 : i32
        %add3A_450 = vector.broadcast %add3A_449 : i32 to vector<16xi32>
        %add3A_451 = arith.addi %iota3A, %add3A_450 : vector<16xi32>
        %gather3A_452 = arith.constant 3 : i32
        %gather3A_453 = arith.constant 0 : i32
        %gather3A_454 = arith.constant 0 : i32
        %gather3A_455 = arith.constant 0 : i32
        %gather3A_456 = tpu.memref_slice %arg6[%gather3A_452, %gather3A_453, %gather3A_454, %gather3A_455] : memref<7x2x64x128xf32, #tpu.memory_space<vmem>> -> memref<1x1x64x128xf32, #tpu.memory_space<vmem>>
        %gather3A_457 = tpu.memref_squeeze %gather3A_456 : memref<1x1x64x128xf32, #tpu.memory_space<vmem>> -> memref<64x128xf32, #tpu.memory_space<vmem>>
        %gather3A_458 = tpu.vector_load_idx %gather3A_457[%add3A_451, %broadcast_in_dim3A] : memref<64x128xf32, #tpu.memory_space<vmem>>[vector<16xi32>, vector<16xi32>], vector<16xf32>,
        tpu.vector_store_idx %arg7[%add3A_451, %broadcast_in_dim3A_439], %gather3A_458 : memref<64x128xf32, #tpu.memory_space<vmem>>[vector<16xi32>, vector<16xi32>], vector<16xf32>,
        %add3A_459 = arith.constant 32 : i32
        %add3A_460 = vector.broadcast %add3A_459 : i32 to vector<16xi32>
        %add3A_461 = arith.addi %iota3A, %add3A_460 : vector<16xi32>
        %gather3A_462 = arith.constant 3 : i32
        %gather3A_463 = arith.constant 0 : i32
        %gather3A_464 = arith.constant 0 : i32
        %gather3A_465 = arith.constant 0 : i32
        %gather3A_466 = tpu.memref_slice %arg6[%gather3A_462, %gather3A_463, %gather3A_464, %gather3A_465] : memref<7x2x64x128xf32, #tpu.memory_space<vmem>> -> memref<1x1x64x128xf32, #tpu.memory_space<vmem>>
        %gather3A_467 = tpu.memref_squeeze %gather3A_466 : memref<1x1x64x128xf32, #tpu.memory_space<vmem>> -> memref<64x128xf32, #tpu.memory_space<vmem>>
        %gather3A_468 = tpu.vector_load_idx %gather3A_467[%add3A_461, %broadcast_in_dim3A] : memref<64x128xf32, #tpu.memory_space<vmem>>[vector<16xi32>, vector<16xi32>], vector<16xf32>,
        tpu.vector_store_idx %arg7[%add3A_461, %broadcast_in_dim3A_439], %gather3A_468 : memref<64x128xf32, #tpu.memory_space<vmem>>[vector<16xi32>, vector<16xi32>], vector<16xf32>,
        %add3A_469 = arith.constant 48 : i32
        %add3A_470 = vector.broadcast %add3A_469 : i32 to vector<16xi32>
        %add3A_471 = arith.addi %iota3A, %add3A_470 : vector<16xi32>
        %gather3A_472 = arith.constant 3 : i32
        %gather3A_473 = arith.constant 0 : i32
        %gather3A_474 = arith.constant 0 : i32
        %gather3A_475 = arith.constant 0 : i32
        %gather3A_476 = tpu.memref_slice %arg6[%gather3A_472, %gather3A_473, %gather3A_474, %gather3A_475] : memref<7x2x64x128xf32, #tpu.memory_space<vmem>> -> memref<1x1x64x128xf32, #tpu.memory_space<vmem>>
        %gather3A_477 = tpu.memref_squeeze %gather3A_476 : memref<1x1x64x128xf32, #tpu.memory_space<vmem>> -> memref<64x128xf32, #tpu.memory_space<vmem>>
        %gather3A_478 = tpu.vector_load_idx %gather3A_477[%add3A_471, %broadcast_in_dim3A] : memref<64x128xf32, #tpu.memory_space<vmem>>[vector<16xi32>, vector<16xi32>], vector<16xf32>,
        tpu.vector_store_idx %arg7[%add3A_471, %broadcast_in_dim3A_439], %gather3A_478 : memref<64x128xf32, #tpu.memory_space<vmem>>[vector<16xi32>, vector<16xi32>], vector<16xf32>,
        %slice3A_479 = vector.extract_strided_slice %get3A_412 {offsets = [1], sizes = [1], strides = [1]} : vector<16xi32> to vector<1xi32>
        %squeeze3A_480 = vector.extract %slice3A_479[0] : i32 from vector<1xi32>
        %dma_wait3A_481 = arith.constant 3 : i32
        %dma_wait3A_482 = arith.constant 1 : i32
        %dma_wait3A_483 = arith.constant 3 : i32
        %dma_wait3A_484 = arith.constant 0 : i32
        %dma_wait3A_485 = arith.constant 0 : i32
        %dma_wait3A_486 = tpu.memref_slice %arg6[%dma_wait3A_481, %dma_wait3A_482, %dma_wait3A_484, %dma_wait3A_485] : memref<7x2x64x128xf32, #tpu.memory_space<vmem>> -> memref<1x1x64x128xf32, #tpu.memory_space<vmem>>
        %dma_wait3A_487 = tpu.memref_squeeze %dma_wait3A_486 : memref<1x1x64x128xf32, #tpu.memory_space<vmem>> -> memref<64x128xf32, #tpu.memory_space<vmem>>
        %dma_wait3A_488 = arith.constant 0 : i32
        %dma_wait3A_489 = arith.constant 0 : i32
        %dma_wait3A_490 = tpu.memref_slice %arg3[%dma_wait3A_488, %dma_wait3A_489] : memref<64x1000001xf32, #tpu.memory_space<hbm>> -> memref<64x128xf32, #tpu.memory_space<hbm>>
        %dma_wait3A_491 = tpu.memref_slice %arg8[%dma_wait3A_483] : memref<7x!tpu.dma_semaphore, #tpu.memory_space<semaphore_mem>> -> memref<1x!tpu.dma_semaphore, #tpu.memory_space<semaphore_mem>>
        %dma_wait3A_492 = tpu.memref_squeeze %dma_wait3A_491 : memref<1x!tpu.dma_semaphore, #tpu.memory_space<semaphore_mem>> -> memref<!tpu.dma_semaphore, #tpu.memory_space<semaphore_mem>>
        %dma_wait3A_493 = arith.constant 0 : i32
        %dma_wait3A_494 = arith.constant 0 : i32
        %dma_wait3A_495 = tpu.memref_slice %arg6[%dma_wait3A_481, %dma_wait3A_482, %dma_wait3A_493, %dma_wait3A_494] : memref<7x2x64x128xf32, #tpu.memory_space<vmem>> -> memref<1x1x64x128xf32, #tpu.memory_space<vmem>>
        %dma_wait3A_496 = tpu.memref_squeeze %dma_wait3A_495 : memref<1x1x64x128xf32, #tpu.memory_space<vmem>> -> memref<64x128xf32, #tpu.memory_space<vmem>>
        %dma_wait3A_497 = arith.constant 0 : i32
        %dma_wait3A_498 = arith.constant 0 : i32
        %dma_wait3A_499 = tpu.memref_slice %arg3[%dma_wait3A_497, %dma_wait3A_498] : memref<64x1000001xf32, #tpu.memory_space<hbm>> -> memref<64x128xf32, #tpu.memory_space<hbm>>
        tpu.wait_dma2 semaphore(%dma_wait3A_492 : memref<!tpu.dma_semaphore, #tpu.memory_space<semaphore_mem>>) src(%dma_wait3A_499 : memref<64x128xf32, #tpu.memory_space<hbm>>) dst(%dma_wait3A_496 : memref<64x128xf32, #tpu.memory_space<vmem>>)
        %and3A_500 = arith.constant 127 : i32
        %and3A_501 = arith.andi %squeeze3A_480, %and3A_500 : i32
        %broadcast_in_dim3A_502 = vector.broadcast %and3A_501 : i32 to vector<16xi32>
        %rem3A_503 = arith.constant 64 : i32
        %rem3A_504 = arith.remsi %add3A_376, %rem3A_503 : i32
        %mul3A_505 = arith.constant 2 : i32
        %mul3A_506 = arith.muli %rem3A_504, %mul3A_505 : i32
        %add3A_507 = arith.constant 1 : i32
        %add3A_508 = arith.addi %mul3A_506, %add3A_507 : i32
        %broadcast_in_dim3A_509 = vector.broadcast %add3A_508 : i32 to vector<16xi32>
        %add3A_510 = arith.constant 0 : i32
        %add3A_511 = vector.broadcast %add3A_510 : i32 to vector<16xi32>
        %add3A_512 = arith.addi %iota3A, %add3A_511 : vector<16xi32>
        %gather3A_513 = arith.constant 3 : i32
        %gather3A_514 = arith.constant 1 : i32
        %gather3A_515 = arith.constant 0 : i32
        %gather3A_516 = arith.constant 0 : i32
        %gather3A_517 = tpu.memref_slice %arg6[%gather3A_513, %gather3A_514, %gather3A_515, %gather3A_516] : memref<7x2x64x128xf32, #tpu.memory_space<vmem>> -> memref<1x1x64x128xf32, #tpu.memory_space<vmem>>
        %gather3A_518 = tpu.memref_squeeze %gather3A_517 : memref<1x1x64x128xf32, #tpu.memory_space<vmem>> -> memref<64x128xf32, #tpu.memory_space<vmem>>
        %gather3A_519 = tpu.vector_load_idx %gather3A_518[%add3A_512, %broadcast_in_dim3A_502] : memref<64x128xf32, #tpu.memory_space<vmem>>[vector<16xi32>, vector<16xi32>], vector<16xf32>,
        tpu.vector_store_idx %arg7[%add3A_512, %broadcast_in_dim3A_509], %gather3A_519 : memref<64x128xf32, #tpu.memory_space<vmem>>[vector<16xi32>, vector<16xi32>], vector<16xf32>,
        %add3A_520 = arith.constant 16 : i32
        %add3A_521 = vector.broadcast %add3A_520 : i32 to vector<16xi32>
        %add3A_522 = arith.addi %iota3A, %add3A_521 : vector<16xi32>
        %gather3A_523 = arith.constant 3 : i32
        %gather3A_524 = arith.constant 1 : i32
        %gather3A_525 = arith.constant 0 : i32
        %gather3A_526 = arith.constant 0 : i32
        %gather3A_527 = tpu.memref_slice %arg6[%gather3A_523, %gather3A_524, %gather3A_525, %gather3A_526] : memref<7x2x64x128xf32, #tpu.memory_space<vmem>> -> memref<1x1x64x128xf32, #tpu.memory_space<vmem>>
        %gather3A_528 = tpu.memref_squeeze %gather3A_527 : memref<1x1x64x128xf32, #tpu.memory_space<vmem>> -> memref<64x128xf32, #tpu.memory_space<vmem>>
        %gather3A_529 = tpu.vector_load_idx %gather3A_528[%add3A_522, %broadcast_in_dim3A_502] : memref<64x128xf32, #tpu.memory_space<vmem>>[vector<16xi32>, vector<16xi32>], vector<16xf32>,
        tpu.vector_store_idx %arg7[%add3A_522, %broadcast_in_dim3A_509], %gather3A_529 : memref<64x128xf32, #tpu.memory_space<vmem>>[vector<16xi32>, vector<16xi32>], vector<16xf32>,
        %add3A_530 = arith.constant 32 : i32
        %add3A_531 = vector.broadcast %add3A_530 : i32 to vector<16xi32>
        %add3A_532 = arith.addi %iota3A, %add3A_531 : vector<16xi32>
        %gather3A_533 = arith.constant 3 : i32
        %gather3A_534 = arith.constant 1 : i32
        %gather3A_535 = arith.constant 0 : i32
        %gather3A_536 = arith.constant 0 : i32
        %gather3A_537 = tpu.memref_slice %arg6[%gather3A_533, %gather3A_534, %gather3A_535, %gather3A_536] : memref<7x2x64x128xf32, #tpu.memory_space<vmem>> -> memref<1x1x64x128xf32, #tpu.memory_space<vmem>>
        %gather3A_538 = tpu.memref_squeeze %gather3A_537 : memref<1x1x64x128xf32, #tpu.memory_space<vmem>> -> memref<64x128xf32, #tpu.memory_space<vmem>>
        %gather3A_539 = tpu.vector_load_idx %gather3A_538[%add3A_532, %broadcast_in_dim3A_502] : memref<64x128xf32, #tpu.memory_space<vmem>>[vector<16xi32>, vector<16xi32>], vector<16xf32>,
        tpu.vector_store_idx %arg7[%add3A_532, %broadcast_in_dim3A_509], %gather3A_539 : memref<64x128xf32, #tpu.memory_space<vmem>>[vector<16xi32>, vector<16xi32>], vector<16xf32>,
        %add3A_540 = arith.constant 48 : i32
        %add3A_541 = vector.broadcast %add3A_540 : i32 to vector<16xi32>
        %add3A_542 = arith.addi %iota3A, %add3A_541 : vector<16xi32>
        %gather3A_543 = arith.constant 3 : i32
        %gather3A_544 = arith.constant 1 : i32
        %gather3A_545 = arith.constant 0 : i32
        %gather3A_546 = arith.constant 0 : i32
        %gather3A_547 = tpu.memref_slice %arg6[%gather3A_543, %gather3A_544, %gather3A_545, %gather3A_546] : memref<7x2x64x128xf32, #tpu.memory_space<vmem>> -> memref<1x1x64x128xf32, #tpu.memory_space<vmem>>
        %gather3A_548 = tpu.memref_squeeze %gather3A_547 : memref<1x1x64x128xf32, #tpu.memory_space<vmem>> -> memref<64x128xf32, #tpu.memory_space<vmem>>
        %gather3A_549 = tpu.vector_load_idx %gather3A_548[%add3A_542, %broadcast_in_dim3A_502] : memref<64x128xf32, #tpu.memory_space<vmem>>[vector<16xi32>, vector<16xi32>], vector<16xf32>,
        tpu.vector_store_idx %arg7[%add3A_542, %broadcast_in_dim3A_509], %gather3A_549 : memref<64x128xf32, #tpu.memory_space<vmem>>[vector<16xi32>, vector<16xi32>], vector<16xf32>,
        %add3A_550 = arith.constant 7 : i32
        %add3A_551 = arith.addi %add3A_376, %add3A_550 : i32
        %lt3A_552 = arith.constant 256 : i32
        %lt3A_553 = arith.cmpi slt, %add3A_551, %lt3A_552 : i32
        %convert_element_type3A_554 = arith.extui %lt3A_553 : i1 to i32
        %cond3A_555 = arith.constant 0 : i32
        %cond3A_556 = arith.cmpi ne, %convert_element_type3A_554, %cond3A_555 : i32
        scf.if %cond3A_556 {
          %add3A_565 = arith.constant 7 : i32
          %add3A_566 = arith.addi %add3A_376, %add3A_565 : i32
          %mul3A_567 = arith.constant 2 : i32
          %mul3A_568 = arith.muli %add3A_566, %mul3A_567 : i32
          %get3A_569 = arith.index_cast %mul3A_568 : i32 to index
          %get3A_570 = tpu.vector_load %arg5[%get3A_569] {strides = array<i32>} : memref<528xi32, #tpu.memory_space<vmem>>, vector<16xi32>,
          %slice3A_571 = vector.extract_strided_slice %get3A_570 {offsets = [0], sizes = [1], strides = [1]} : vector<16xi32> to vector<1xi32>
          %squeeze3A_572 = vector.extract %slice3A_571[0] : i32 from vector<1xi32>
          %shift_right_arithmetic3A_573 = arith.constant 7 : i32
          %shift_right_arithmetic3A_574 = arith.shrsi %squeeze3A_572, %shift_right_arithmetic3A_573 : i32
          %shift_left3A_575 = arith.constant 7 : i32
          %shift_left3A_576 = arith.shli %shift_right_arithmetic3A_574, %shift_left3A_575 : i32
          %multiple_of3A_577 = tpu.assume_multiple %shift_left3A_576, 128 : i32
          %dma_start3A_578 = arith.constant 3 : i32
          %dma_start3A_579 = arith.constant 0 : i32
          %dma_start3A_580 = arith.constant 3 : i32
          %dma_start3A_581 = arith.constant 0 : i32
          %dma_start3A_582 = arith.constant 0 : i32
          %dma_start3A_583 = tpu.memref_slice %arg6[%dma_start3A_578, %dma_start3A_579, %dma_start3A_581, %dma_start3A_582] : memref<7x2x64x128xf32, #tpu.memory_space<vmem>> -> memref<1x1x64x128xf32, #tpu.memory_space<vmem>>
          %dma_start3A_584 = tpu.memref_squeeze %dma_start3A_583 : memref<1x1x64x128xf32, #tpu.memory_space<vmem>> -> memref<64x128xf32, #tpu.memory_space<vmem>>
          %dma_start3A_585 = arith.constant 0 : i32
          %dma_start3A_586 = tpu.memref_slice %arg3[%dma_start3A_585, %multiple_of3A_577] : memref<64x1000001xf32, #tpu.memory_space<hbm>> -> memref<64x128xf32, #tpu.memory_space<hbm>>
          %dma_start3A_587 = tpu.memref_slice %arg8[%dma_start3A_580] : memref<7x!tpu.dma_semaphore, #tpu.memory_space<semaphore_mem>> -> memref<1x!tpu.dma_semaphore, #tpu.memory_space<semaphore_mem>>
          %dma_start3A_588 = tpu.memref_squeeze %dma_start3A_587 : memref<1x!tpu.dma_semaphore, #tpu.memory_space<semaphore_mem>> -> memref<!tpu.dma_semaphore, #tpu.memory_space<semaphore_mem>>
          %dma_start3A_589 = arith.constant 0 : i32
          %dma_start3A_590 = arith.constant 0 : i32
          %dma_start3A_591 = tpu.memref_slice %arg6[%dma_start3A_578, %dma_start3A_579, %dma_start3A_589, %dma_start3A_590] : memref<7x2x64x128xf32, #tpu.memory_space<vmem>> -> memref<1x1x64x128xf32, #tpu.memory_space<vmem>>
          %dma_start3A_592 = tpu.memref_squeeze %dma_start3A_591 : memref<1x1x64x128xf32, #tpu.memory_space<vmem>> -> memref<64x128xf32, #tpu.memory_space<vmem>>
          %dma_start3A_593 = arith.constant 0 : i32
          %dma_start3A_594 = tpu.memref_slice %arg3[%dma_start3A_593, %multiple_of3A_577] : memref<64x1000001xf32, #tpu.memory_space<hbm>> -> memref<64x128xf32, #tpu.memory_space<hbm>>
          tpu.enqueue_dma source(%dma_start3A_594 : memref<64x128xf32, #tpu.memory_space<hbm>>) target(%dma_start3A_592 : memref<64x128xf32, #tpu.memory_space<vmem>>) target_semaphore(%dma_start3A_588 : memref<!tpu.dma_semaphore, #tpu.memory_space<semaphore_mem>>)
          %slice3A_595 = vector.extract_strided_slice %get3A_570 {offsets = [1], sizes = [1], strides = [1]} : vector<16xi32> to vector<1xi32>
          %squeeze3A_596 = vector.extract %slice3A_595[0] : i32 from vector<1xi32>
          %shift_right_arithmetic3A_597 = arith.constant 7 : i32
          %shift_right_arithmetic3A_598 = arith.shrsi %squeeze3A_596, %shift_right_arithmetic3A_597 : i32
          %shift_left3A_599 = arith.constant 7 : i32
          %shift_left3A_600 = arith.shli %shift_right_arithmetic3A_598, %shift_left3A_599 : i32
          %multiple_of3A_601 = tpu.assume_multiple %shift_left3A_600, 128 : i32
          %dma_start3A_602 = arith.constant 3 : i32
          %dma_start3A_603 = arith.constant 1 : i32
          %dma_start3A_604 = arith.constant 3 : i32
          %dma_start3A_605 = arith.constant 0 : i32
          %dma_start3A_606 = arith.constant 0 : i32
          %dma_start3A_607 = tpu.memref_slice %arg6[%dma_start3A_602, %dma_start3A_603, %dma_start3A_605, %dma_start3A_606] : memref<7x2x64x128xf32, #tpu.memory_space<vmem>> -> memref<1x1x64x128xf32, #tpu.memory_space<vmem>>
          %dma_start3A_608 = tpu.memref_squeeze %dma_start3A_607 : memref<1x1x64x128xf32, #tpu.memory_space<vmem>> -> memref<64x128xf32, #tpu.memory_space<vmem>>
          %dma_start3A_609 = arith.constant 0 : i32
          %dma_start3A_610 = tpu.memref_slice %arg3[%dma_start3A_609, %multiple_of3A_601] : memref<64x1000001xf32, #tpu.memory_space<hbm>> -> memref<64x128xf32, #tpu.memory_space<hbm>>
          %dma_start3A_611 = tpu.memref_slice %arg8[%dma_start3A_604] : memref<7x!tpu.dma_semaphore, #tpu.memory_space<semaphore_mem>> -> memref<1x!tpu.dma_semaphore, #tpu.memory_space<semaphore_mem>>
          %dma_start3A_612 = tpu.memref_squeeze %dma_start3A_611 : memref<1x!tpu.dma_semaphore, #tpu.memory_space<semaphore_mem>> -> memref<!tpu.dma_semaphore, #tpu.memory_space<semaphore_mem>>
          %dma_start3A_613 = arith.constant 0 : i32
          %dma_start3A_614 = arith.constant 0 : i32
          %dma_start3A_615 = tpu.memref_slice %arg6[%dma_start3A_602, %dma_start3A_603, %dma_start3A_613, %dma_start3A_614] : memref<7x2x64x128xf32, #tpu.memory_space<vmem>> -> memref<1x1x64x128xf32, #tpu.memory_space<vmem>>
          %dma_start3A_616 = tpu.memref_squeeze %dma_start3A_615 : memref<1x1x64x128xf32, #tpu.memory_space<vmem>> -> memref<64x128xf32, #tpu.memory_space<vmem>>
          %dma_start3A_617 = arith.constant 0 : i32
          %dma_start3A_618 = tpu.memref_slice %arg3[%dma_start3A_617, %multiple_of3A_601] : memref<64x1000001xf32, #tpu.memory_space<hbm>> -> memref<64x128xf32, #tpu.memory_space<hbm>>
          tpu.enqueue_dma source(%dma_start3A_618 : memref<64x128xf32, #tpu.memory_space<hbm>>) target(%dma_start3A_616 : memref<64x128xf32, #tpu.memory_space<vmem>>) target_semaphore(%dma_start3A_612 : memref<!tpu.dma_semaphore, #tpu.memory_space<semaphore_mem>>)
        } else {
        }
        %add3A_557 = arith.constant 1 : i32
        %add3A_558 = arith.addi %add3A_376, %add3A_557 : i32
        %rem3A_559 = arith.constant 64 : i32
        %rem3A_560 = arith.remsi %add3A_558, %rem3A_559 : i32
        %eq3A = arith.constant 0 : i32
        %eq3A_561 = arith.cmpi eq, %rem3A_560, %eq3A : i32
        %convert_element_type3A_562 = arith.extui %eq3A_561 : i1 to i32
        %cond3A_563 = arith.constant 0 : i32
        %cond3A_564 = arith.cmpi ne, %convert_element_type3A_562, %cond3A_563 : i32
        scf.if %cond3A_564 {
          %mul3A_565 = arith.constant 512 : i32
          %mul3A_566 = arith.muli %add3A, %mul3A_565 : i32
          %add3A_567 = arith.constant 1 : i32
          %add3A_568 = arith.addi %add3A_376, %add3A_567 : i32
          %mul3A_569 = arith.constant 2 : i32
          %mul3A_570 = arith.muli %add3A_568, %mul3A_569 : i32
          %add3A_571 = arith.addi %mul3A_566, %mul3A_570 : i32
          %sub3A = arith.constant 128 : i32
          %sub3A_572 = arith.subi %add3A_571, %sub3A : i32
          %multiple_of3A_573 = tpu.assume_multiple %sub3A_572, 128 : i32
          "tpu.region"() ({
            %run_scoped3A = tpu.sem_alloc : memref<!tpu.dma_semaphore, #tpu.memory_space<semaphore_mem>>
            %dma_start3A_574 = arith.constant 0 : i32
            %dma_start3A_575 = tpu.memref_slice %arg4[%dma_start3A_574, %multiple_of3A_573] : memref<64x16384xf32, #tpu.memory_space<hbm>> -> memref<64x128xf32, #tpu.memory_space<hbm>>
            %dma_start3A_576 = arith.constant 0 : i32
            %dma_start3A_577 = tpu.memref_slice %arg4[%dma_start3A_576, %multiple_of3A_573] : memref<64x16384xf32, #tpu.memory_space<hbm>> -> memref<64x128xf32, #tpu.memory_space<hbm>>
            tpu.enqueue_dma source(%arg7 : memref<64x128xf32, #tpu.memory_space<vmem>>) target(%dma_start3A_577 : memref<64x128xf32, #tpu.memory_space<hbm>>) target_semaphore(%run_scoped3A : memref<!tpu.dma_semaphore, #tpu.memory_space<semaphore_mem>>)
            %dma_wait3A_578 = arith.constant 0 : i32
            %dma_wait3A_579 = tpu.memref_slice %arg4[%dma_wait3A_578, %multiple_of3A_573] : memref<64x16384xf32, #tpu.memory_space<hbm>> -> memref<64x128xf32, #tpu.memory_space<hbm>>
            %dma_wait3A_580 = arith.constant 0 : i32
            %dma_wait3A_581 = tpu.memref_slice %arg4[%dma_wait3A_580, %multiple_of3A_573] : memref<64x16384xf32, #tpu.memory_space<hbm>> -> memref<64x128xf32, #tpu.memory_space<hbm>>
            tpu.wait_dma2 semaphore(%run_scoped3A : memref<!tpu.dma_semaphore, #tpu.memory_space<semaphore_mem>>) src(%arg7 : memref<64x128xf32, #tpu.memory_space<vmem>>) dst(%dma_wait3A_581 : memref<64x128xf32, #tpu.memory_space<hbm>>)
            tpu.yield
          }) : () -> ()
        } else {
        }
      } else {
      }
      %mul3A_382 = arith.constant 7 : i32
      %mul3A_383 = arith.muli %scan3A_348, %mul3A_382 : i32
      %add3A_384 = arith.constant 4 : i32
      %add3A_385 = arith.addi %mul3A_383, %add3A_384 : i32
      %lt3A_386 = arith.constant 256 : i32
      %lt3A_387 = arith.cmpi slt, %add3A_385, %lt3A_386 : i32
      %convert_element_type3A_388 = arith.extui %lt3A_387 : i1 to i32
      %cond3A_389 = arith.constant 0 : i32
      %cond3A_390 = arith.cmpi ne, %convert_element_type3A_388, %cond3A_389 : i32
      scf.if %cond3A_390 {
        %mul3A_409 = arith.constant 2 : i32
        %mul3A_410 = arith.muli %add3A_385, %mul3A_409 : i32
        %get3A_411 = arith.index_cast %mul3A_410 : i32 to index
        %get3A_412 = tpu.vector_load %arg5[%get3A_411] {strides = array<i32>} : memref<528xi32, #tpu.memory_space<vmem>>, vector<16xi32>,
        %slice3A_413 = vector.extract_strided_slice %get3A_412 {offsets = [0], sizes = [1], strides = [1]} : vector<16xi32> to vector<1xi32>
        %squeeze3A_414 = vector.extract %slice3A_413[0] : i32 from vector<1xi32>
        %dma_wait3A = arith.constant 4 : i32
        %dma_wait3A_415 = arith.constant 0 : i32
        %dma_wait3A_416 = arith.constant 4 : i32
        %dma_wait3A_417 = arith.constant 0 : i32
        %dma_wait3A_418 = arith.constant 0 : i32
        %dma_wait3A_419 = tpu.memref_slice %arg6[%dma_wait3A, %dma_wait3A_415, %dma_wait3A_417, %dma_wait3A_418] : memref<7x2x64x128xf32, #tpu.memory_space<vmem>> -> memref<1x1x64x128xf32, #tpu.memory_space<vmem>>
        %dma_wait3A_420 = tpu.memref_squeeze %dma_wait3A_419 : memref<1x1x64x128xf32, #tpu.memory_space<vmem>> -> memref<64x128xf32, #tpu.memory_space<vmem>>
        %dma_wait3A_421 = arith.constant 0 : i32
        %dma_wait3A_422 = arith.constant 0 : i32
        %dma_wait3A_423 = tpu.memref_slice %arg3[%dma_wait3A_421, %dma_wait3A_422] : memref<64x1000001xf32, #tpu.memory_space<hbm>> -> memref<64x128xf32, #tpu.memory_space<hbm>>
        %dma_wait3A_424 = tpu.memref_slice %arg8[%dma_wait3A_416] : memref<7x!tpu.dma_semaphore, #tpu.memory_space<semaphore_mem>> -> memref<1x!tpu.dma_semaphore, #tpu.memory_space<semaphore_mem>>
        %dma_wait3A_425 = tpu.memref_squeeze %dma_wait3A_424 : memref<1x!tpu.dma_semaphore, #tpu.memory_space<semaphore_mem>> -> memref<!tpu.dma_semaphore, #tpu.memory_space<semaphore_mem>>
        %dma_wait3A_426 = arith.constant 0 : i32
        %dma_wait3A_427 = arith.constant 0 : i32
        %dma_wait3A_428 = tpu.memref_slice %arg6[%dma_wait3A, %dma_wait3A_415, %dma_wait3A_426, %dma_wait3A_427] : memref<7x2x64x128xf32, #tpu.memory_space<vmem>> -> memref<1x1x64x128xf32, #tpu.memory_space<vmem>>
        %dma_wait3A_429 = tpu.memref_squeeze %dma_wait3A_428 : memref<1x1x64x128xf32, #tpu.memory_space<vmem>> -> memref<64x128xf32, #tpu.memory_space<vmem>>
        %dma_wait3A_430 = arith.constant 0 : i32
        %dma_wait3A_431 = arith.constant 0 : i32
        %dma_wait3A_432 = tpu.memref_slice %arg3[%dma_wait3A_430, %dma_wait3A_431] : memref<64x1000001xf32, #tpu.memory_space<hbm>> -> memref<64x128xf32, #tpu.memory_space<hbm>>
        tpu.wait_dma2 semaphore(%dma_wait3A_425 : memref<!tpu.dma_semaphore, #tpu.memory_space<semaphore_mem>>) src(%dma_wait3A_432 : memref<64x128xf32, #tpu.memory_space<hbm>>) dst(%dma_wait3A_429 : memref<64x128xf32, #tpu.memory_space<vmem>>)
        %and3A = arith.constant 127 : i32
        %and3A_433 = arith.andi %squeeze3A_414, %and3A : i32
        %broadcast_in_dim3A = vector.broadcast %and3A_433 : i32 to vector<16xi32>
        %rem3A = arith.constant 64 : i32
        %rem3A_434 = arith.remsi %add3A_385, %rem3A : i32
        %mul3A_435 = arith.constant 2 : i32
        %mul3A_436 = arith.muli %rem3A_434, %mul3A_435 : i32
        %add3A_437 = arith.constant 0 : i32
        %add3A_438 = arith.addi %mul3A_436, %add3A_437 : i32
        %broadcast_in_dim3A_439 = vector.broadcast %add3A_438 : i32 to vector<16xi32>
        %add3A_440 = arith.constant 0 : i32
        %add3A_441 = vector.broadcast %add3A_440 : i32 to vector<16xi32>
        %add3A_442 = arith.addi %iota3A, %add3A_441 : vector<16xi32>
        %gather3A = arith.constant 4 : i32
        %gather3A_443 = arith.constant 0 : i32
        %gather3A_444 = arith.constant 0 : i32
        %gather3A_445 = arith.constant 0 : i32
        %gather3A_446 = tpu.memref_slice %arg6[%gather3A, %gather3A_443, %gather3A_444, %gather3A_445] : memref<7x2x64x128xf32, #tpu.memory_space<vmem>> -> memref<1x1x64x128xf32, #tpu.memory_space<vmem>>
        %gather3A_447 = tpu.memref_squeeze %gather3A_446 : memref<1x1x64x128xf32, #tpu.memory_space<vmem>> -> memref<64x128xf32, #tpu.memory_space<vmem>>
        %gather3A_448 = tpu.vector_load_idx %gather3A_447[%add3A_442, %broadcast_in_dim3A] : memref<64x128xf32, #tpu.memory_space<vmem>>[vector<16xi32>, vector<16xi32>], vector<16xf32>,
        tpu.vector_store_idx %arg7[%add3A_442, %broadcast_in_dim3A_439], %gather3A_448 : memref<64x128xf32, #tpu.memory_space<vmem>>[vector<16xi32>, vector<16xi32>], vector<16xf32>,
        %add3A_449 = arith.constant 16 : i32
        %add3A_450 = vector.broadcast %add3A_449 : i32 to vector<16xi32>
        %add3A_451 = arith.addi %iota3A, %add3A_450 : vector<16xi32>
        %gather3A_452 = arith.constant 4 : i32
        %gather3A_453 = arith.constant 0 : i32
        %gather3A_454 = arith.constant 0 : i32
        %gather3A_455 = arith.constant 0 : i32
        %gather3A_456 = tpu.memref_slice %arg6[%gather3A_452, %gather3A_453, %gather3A_454, %gather3A_455] : memref<7x2x64x128xf32, #tpu.memory_space<vmem>> -> memref<1x1x64x128xf32, #tpu.memory_space<vmem>>
        %gather3A_457 = tpu.memref_squeeze %gather3A_456 : memref<1x1x64x128xf32, #tpu.memory_space<vmem>> -> memref<64x128xf32, #tpu.memory_space<vmem>>
        %gather3A_458 = tpu.vector_load_idx %gather3A_457[%add3A_451, %broadcast_in_dim3A] : memref<64x128xf32, #tpu.memory_space<vmem>>[vector<16xi32>, vector<16xi32>], vector<16xf32>,
        tpu.vector_store_idx %arg7[%add3A_451, %broadcast_in_dim3A_439], %gather3A_458 : memref<64x128xf32, #tpu.memory_space<vmem>>[vector<16xi32>, vector<16xi32>], vector<16xf32>,
        %add3A_459 = arith.constant 32 : i32
        %add3A_460 = vector.broadcast %add3A_459 : i32 to vector<16xi32>
        %add3A_461 = arith.addi %iota3A, %add3A_460 : vector<16xi32>
        %gather3A_462 = arith.constant 4 : i32
        %gather3A_463 = arith.constant 0 : i32
        %gather3A_464 = arith.constant 0 : i32
        %gather3A_465 = arith.constant 0 : i32
        %gather3A_466 = tpu.memref_slice %arg6[%gather3A_462, %gather3A_463, %gather3A_464, %gather3A_465] : memref<7x2x64x128xf32, #tpu.memory_space<vmem>> -> memref<1x1x64x128xf32, #tpu.memory_space<vmem>>
        %gather3A_467 = tpu.memref_squeeze %gather3A_466 : memref<1x1x64x128xf32, #tpu.memory_space<vmem>> -> memref<64x128xf32, #tpu.memory_space<vmem>>
        %gather3A_468 = tpu.vector_load_idx %gather3A_467[%add3A_461, %broadcast_in_dim3A] : memref<64x128xf32, #tpu.memory_space<vmem>>[vector<16xi32>, vector<16xi32>], vector<16xf32>,
        tpu.vector_store_idx %arg7[%add3A_461, %broadcast_in_dim3A_439], %gather3A_468 : memref<64x128xf32, #tpu.memory_space<vmem>>[vector<16xi32>, vector<16xi32>], vector<16xf32>,
        %add3A_469 = arith.constant 48 : i32
        %add3A_470 = vector.broadcast %add3A_469 : i32 to vector<16xi32>
        %add3A_471 = arith.addi %iota3A, %add3A_470 : vector<16xi32>
        %gather3A_472 = arith.constant 4 : i32
        %gather3A_473 = arith.constant 0 : i32
        %gather3A_474 = arith.constant 0 : i32
        %gather3A_475 = arith.constant 0 : i32
        %gather3A_476 = tpu.memref_slice %arg6[%gather3A_472, %gather3A_473, %gather3A_474, %gather3A_475] : memref<7x2x64x128xf32, #tpu.memory_space<vmem>> -> memref<1x1x64x128xf32, #tpu.memory_space<vmem>>
        %gather3A_477 = tpu.memref_squeeze %gather3A_476 : memref<1x1x64x128xf32, #tpu.memory_space<vmem>> -> memref<64x128xf32, #tpu.memory_space<vmem>>
        %gather3A_478 = tpu.vector_load_idx %gather3A_477[%add3A_471, %broadcast_in_dim3A] : memref<64x128xf32, #tpu.memory_space<vmem>>[vector<16xi32>, vector<16xi32>], vector<16xf32>,
        tpu.vector_store_idx %arg7[%add3A_471, %broadcast_in_dim3A_439], %gather3A_478 : memref<64x128xf32, #tpu.memory_space<vmem>>[vector<16xi32>, vector<16xi32>], vector<16xf32>,
        %slice3A_479 = vector.extract_strided_slice %get3A_412 {offsets = [1], sizes = [1], strides = [1]} : vector<16xi32> to vector<1xi32>
        %squeeze3A_480 = vector.extract %slice3A_479[0] : i32 from vector<1xi32>
        %dma_wait3A_481 = arith.constant 4 : i32
        %dma_wait3A_482 = arith.constant 1 : i32
        %dma_wait3A_483 = arith.constant 4 : i32
        %dma_wait3A_484 = arith.constant 0 : i32
        %dma_wait3A_485 = arith.constant 0 : i32
        %dma_wait3A_486 = tpu.memref_slice %arg6[%dma_wait3A_481, %dma_wait3A_482, %dma_wait3A_484, %dma_wait3A_485] : memref<7x2x64x128xf32, #tpu.memory_space<vmem>> -> memref<1x1x64x128xf32, #tpu.memory_space<vmem>>
        %dma_wait3A_487 = tpu.memref_squeeze %dma_wait3A_486 : memref<1x1x64x128xf32, #tpu.memory_space<vmem>> -> memref<64x128xf32, #tpu.memory_space<vmem>>
        %dma_wait3A_488 = arith.constant 0 : i32
        %dma_wait3A_489 = arith.constant 0 : i32
        %dma_wait3A_490 = tpu.memref_slice %arg3[%dma_wait3A_488, %dma_wait3A_489] : memref<64x1000001xf32, #tpu.memory_space<hbm>> -> memref<64x128xf32, #tpu.memory_space<hbm>>
        %dma_wait3A_491 = tpu.memref_slice %arg8[%dma_wait3A_483] : memref<7x!tpu.dma_semaphore, #tpu.memory_space<semaphore_mem>> -> memref<1x!tpu.dma_semaphore, #tpu.memory_space<semaphore_mem>>
        %dma_wait3A_492 = tpu.memref_squeeze %dma_wait3A_491 : memref<1x!tpu.dma_semaphore, #tpu.memory_space<semaphore_mem>> -> memref<!tpu.dma_semaphore, #tpu.memory_space<semaphore_mem>>
        %dma_wait3A_493 = arith.constant 0 : i32
        %dma_wait3A_494 = arith.constant 0 : i32
        %dma_wait3A_495 = tpu.memref_slice %arg6[%dma_wait3A_481, %dma_wait3A_482, %dma_wait3A_493, %dma_wait3A_494] : memref<7x2x64x128xf32, #tpu.memory_space<vmem>> -> memref<1x1x64x128xf32, #tpu.memory_space<vmem>>
        %dma_wait3A_496 = tpu.memref_squeeze %dma_wait3A_495 : memref<1x1x64x128xf32, #tpu.memory_space<vmem>> -> memref<64x128xf32, #tpu.memory_space<vmem>>
        %dma_wait3A_497 = arith.constant 0 : i32
        %dma_wait3A_498 = arith.constant 0 : i32
        %dma_wait3A_499 = tpu.memref_slice %arg3[%dma_wait3A_497, %dma_wait3A_498] : memref<64x1000001xf32, #tpu.memory_space<hbm>> -> memref<64x128xf32, #tpu.memory_space<hbm>>
        tpu.wait_dma2 semaphore(%dma_wait3A_492 : memref<!tpu.dma_semaphore, #tpu.memory_space<semaphore_mem>>) src(%dma_wait3A_499 : memref<64x128xf32, #tpu.memory_space<hbm>>) dst(%dma_wait3A_496 : memref<64x128xf32, #tpu.memory_space<vmem>>)
        %and3A_500 = arith.constant 127 : i32
        %and3A_501 = arith.andi %squeeze3A_480, %and3A_500 : i32
        %broadcast_in_dim3A_502 = vector.broadcast %and3A_501 : i32 to vector<16xi32>
        %rem3A_503 = arith.constant 64 : i32
        %rem3A_504 = arith.remsi %add3A_385, %rem3A_503 : i32
        %mul3A_505 = arith.constant 2 : i32
        %mul3A_506 = arith.muli %rem3A_504, %mul3A_505 : i32
        %add3A_507 = arith.constant 1 : i32
        %add3A_508 = arith.addi %mul3A_506, %add3A_507 : i32
        %broadcast_in_dim3A_509 = vector.broadcast %add3A_508 : i32 to vector<16xi32>
        %add3A_510 = arith.constant 0 : i32
        %add3A_511 = vector.broadcast %add3A_510 : i32 to vector<16xi32>
        %add3A_512 = arith.addi %iota3A, %add3A_511 : vector<16xi32>
        %gather3A_513 = arith.constant 4 : i32
        %gather3A_514 = arith.constant 1 : i32
        %gather3A_515 = arith.constant 0 : i32
        %gather3A_516 = arith.constant 0 : i32
        %gather3A_517 = tpu.memref_slice %arg6[%gather3A_513, %gather3A_514, %gather3A_515, %gather3A_516] : memref<7x2x64x128xf32, #tpu.memory_space<vmem>> -> memref<1x1x64x128xf32, #tpu.memory_space<vmem>>
        %gather3A_518 = tpu.memref_squeeze %gather3A_517 : memref<1x1x64x128xf32, #tpu.memory_space<vmem>> -> memref<64x128xf32, #tpu.memory_space<vmem>>
        %gather3A_519 = tpu.vector_load_idx %gather3A_518[%add3A_512, %broadcast_in_dim3A_502] : memref<64x128xf32, #tpu.memory_space<vmem>>[vector<16xi32>, vector<16xi32>], vector<16xf32>,
        tpu.vector_store_idx %arg7[%add3A_512, %broadcast_in_dim3A_509], %gather3A_519 : memref<64x128xf32, #tpu.memory_space<vmem>>[vector<16xi32>, vector<16xi32>], vector<16xf32>,
        %add3A_520 = arith.constant 16 : i32
        %add3A_521 = vector.broadcast %add3A_520 : i32 to vector<16xi32>
        %add3A_522 = arith.addi %iota3A, %add3A_521 : vector<16xi32>
        %gather3A_523 = arith.constant 4 : i32
        %gather3A_524 = arith.constant 1 : i32
        %gather3A_525 = arith.constant 0 : i32
        %gather3A_526 = arith.constant 0 : i32
        %gather3A_527 = tpu.memref_slice %arg6[%gather3A_523, %gather3A_524, %gather3A_525, %gather3A_526] : memref<7x2x64x128xf32, #tpu.memory_space<vmem>> -> memref<1x1x64x128xf32, #tpu.memory_space<vmem>>
        %gather3A_528 = tpu.memref_squeeze %gather3A_527 : memref<1x1x64x128xf32, #tpu.memory_space<vmem>> -> memref<64x128xf32, #tpu.memory_space<vmem>>
        %gather3A_529 = tpu.vector_load_idx %gather3A_528[%add3A_522, %broadcast_in_dim3A_502] : memref<64x128xf32, #tpu.memory_space<vmem>>[vector<16xi32>, vector<16xi32>], vector<16xf32>,
        tpu.vector_store_idx %arg7[%add3A_522, %broadcast_in_dim3A_509], %gather3A_529 : memref<64x128xf32, #tpu.memory_space<vmem>>[vector<16xi32>, vector<16xi32>], vector<16xf32>,
        %add3A_530 = arith.constant 32 : i32
        %add3A_531 = vector.broadcast %add3A_530 : i32 to vector<16xi32>
        %add3A_532 = arith.addi %iota3A, %add3A_531 : vector<16xi32>
        %gather3A_533 = arith.constant 4 : i32
        %gather3A_534 = arith.constant 1 : i32
        %gather3A_535 = arith.constant 0 : i32
        %gather3A_536 = arith.constant 0 : i32
        %gather3A_537 = tpu.memref_slice %arg6[%gather3A_533, %gather3A_534, %gather3A_535, %gather3A_536] : memref<7x2x64x128xf32, #tpu.memory_space<vmem>> -> memref<1x1x64x128xf32, #tpu.memory_space<vmem>>
        %gather3A_538 = tpu.memref_squeeze %gather3A_537 : memref<1x1x64x128xf32, #tpu.memory_space<vmem>> -> memref<64x128xf32, #tpu.memory_space<vmem>>
        %gather3A_539 = tpu.vector_load_idx %gather3A_538[%add3A_532, %broadcast_in_dim3A_502] : memref<64x128xf32, #tpu.memory_space<vmem>>[vector<16xi32>, vector<16xi32>], vector<16xf32>,
        tpu.vector_store_idx %arg7[%add3A_532, %broadcast_in_dim3A_509], %gather3A_539 : memref<64x128xf32, #tpu.memory_space<vmem>>[vector<16xi32>, vector<16xi32>], vector<16xf32>,
        %add3A_540 = arith.constant 48 : i32
        %add3A_541 = vector.broadcast %add3A_540 : i32 to vector<16xi32>
        %add3A_542 = arith.addi %iota3A, %add3A_541 : vector<16xi32>
        %gather3A_543 = arith.constant 4 : i32
        %gather3A_544 = arith.constant 1 : i32
        %gather3A_545 = arith.constant 0 : i32
        %gather3A_546 = arith.constant 0 : i32
        %gather3A_547 = tpu.memref_slice %arg6[%gather3A_543, %gather3A_544, %gather3A_545, %gather3A_546] : memref<7x2x64x128xf32, #tpu.memory_space<vmem>> -> memref<1x1x64x128xf32, #tpu.memory_space<vmem>>
        %gather3A_548 = tpu.memref_squeeze %gather3A_547 : memref<1x1x64x128xf32, #tpu.memory_space<vmem>> -> memref<64x128xf32, #tpu.memory_space<vmem>>
        %gather3A_549 = tpu.vector_load_idx %gather3A_548[%add3A_542, %broadcast_in_dim3A_502] : memref<64x128xf32, #tpu.memory_space<vmem>>[vector<16xi32>, vector<16xi32>], vector<16xf32>,
        tpu.vector_store_idx %arg7[%add3A_542, %broadcast_in_dim3A_509], %gather3A_549 : memref<64x128xf32, #tpu.memory_space<vmem>>[vector<16xi32>, vector<16xi32>], vector<16xf32>,
        %add3A_550 = arith.constant 7 : i32
        %add3A_551 = arith.addi %add3A_385, %add3A_550 : i32
        %lt3A_552 = arith.constant 256 : i32
        %lt3A_553 = arith.cmpi slt, %add3A_551, %lt3A_552 : i32
        %convert_element_type3A_554 = arith.extui %lt3A_553 : i1 to i32
        %cond3A_555 = arith.constant 0 : i32
        %cond3A_556 = arith.cmpi ne, %convert_element_type3A_554, %cond3A_555 : i32
        scf.if %cond3A_556 {
          %add3A_565 = arith.constant 7 : i32
          %add3A_566 = arith.addi %add3A_385, %add3A_565 : i32
          %mul3A_567 = arith.constant 2 : i32
          %mul3A_568 = arith.muli %add3A_566, %mul3A_567 : i32
          %get3A_569 = arith.index_cast %mul3A_568 : i32 to index
          %get3A_570 = tpu.vector_load %arg5[%get3A_569] {strides = array<i32>} : memref<528xi32, #tpu.memory_space<vmem>>, vector<16xi32>,
          %slice3A_571 = vector.extract_strided_slice %get3A_570 {offsets = [0], sizes = [1], strides = [1]} : vector<16xi32> to vector<1xi32>
          %squeeze3A_572 = vector.extract %slice3A_571[0] : i32 from vector<1xi32>
          %shift_right_arithmetic3A_573 = arith.constant 7 : i32
          %shift_right_arithmetic3A_574 = arith.shrsi %squeeze3A_572, %shift_right_arithmetic3A_573 : i32
          %shift_left3A_575 = arith.constant 7 : i32
          %shift_left3A_576 = arith.shli %shift_right_arithmetic3A_574, %shift_left3A_575 : i32
          %multiple_of3A_577 = tpu.assume_multiple %shift_left3A_576, 128 : i32
          %dma_start3A_578 = arith.constant 4 : i32
          %dma_start3A_579 = arith.constant 0 : i32
          %dma_start3A_580 = arith.constant 4 : i32
          %dma_start3A_581 = arith.constant 0 : i32
          %dma_start3A_582 = arith.constant 0 : i32
          %dma_start3A_583 = tpu.memref_slice %arg6[%dma_start3A_578, %dma_start3A_579, %dma_start3A_581, %dma_start3A_582] : memref<7x2x64x128xf32, #tpu.memory_space<vmem>> -> memref<1x1x64x128xf32, #tpu.memory_space<vmem>>
          %dma_start3A_584 = tpu.memref_squeeze %dma_start3A_583 : memref<1x1x64x128xf32, #tpu.memory_space<vmem>> -> memref<64x128xf32, #tpu.memory_space<vmem>>
          %dma_start3A_585 = arith.constant 0 : i32
          %dma_start3A_586 = tpu.memref_slice %arg3[%dma_start3A_585, %multiple_of3A_577] : memref<64x1000001xf32, #tpu.memory_space<hbm>> -> memref<64x128xf32, #tpu.memory_space<hbm>>
          %dma_start3A_587 = tpu.memref_slice %arg8[%dma_start3A_580] : memref<7x!tpu.dma_semaphore, #tpu.memory_space<semaphore_mem>> -> memref<1x!tpu.dma_semaphore, #tpu.memory_space<semaphore_mem>>
          %dma_start3A_588 = tpu.memref_squeeze %dma_start3A_587 : memref<1x!tpu.dma_semaphore, #tpu.memory_space<semaphore_mem>> -> memref<!tpu.dma_semaphore, #tpu.memory_space<semaphore_mem>>
          %dma_start3A_589 = arith.constant 0 : i32
          %dma_start3A_590 = arith.constant 0 : i32
          %dma_start3A_591 = tpu.memref_slice %arg6[%dma_start3A_578, %dma_start3A_579, %dma_start3A_589, %dma_start3A_590] : memref<7x2x64x128xf32, #tpu.memory_space<vmem>> -> memref<1x1x64x128xf32, #tpu.memory_space<vmem>>
          %dma_start3A_592 = tpu.memref_squeeze %dma_start3A_591 : memref<1x1x64x128xf32, #tpu.memory_space<vmem>> -> memref<64x128xf32, #tpu.memory_space<vmem>>
          %dma_start3A_593 = arith.constant 0 : i32
          %dma_start3A_594 = tpu.memref_slice %arg3[%dma_start3A_593, %multiple_of3A_577] : memref<64x1000001xf32, #tpu.memory_space<hbm>> -> memref<64x128xf32, #tpu.memory_space<hbm>>
          tpu.enqueue_dma source(%dma_start3A_594 : memref<64x128xf32, #tpu.memory_space<hbm>>) target(%dma_start3A_592 : memref<64x128xf32, #tpu.memory_space<vmem>>) target_semaphore(%dma_start3A_588 : memref<!tpu.dma_semaphore, #tpu.memory_space<semaphore_mem>>)
          %slice3A_595 = vector.extract_strided_slice %get3A_570 {offsets = [1], sizes = [1], strides = [1]} : vector<16xi32> to vector<1xi32>
          %squeeze3A_596 = vector.extract %slice3A_595[0] : i32 from vector<1xi32>
          %shift_right_arithmetic3A_597 = arith.constant 7 : i32
          %shift_right_arithmetic3A_598 = arith.shrsi %squeeze3A_596, %shift_right_arithmetic3A_597 : i32
          %shift_left3A_599 = arith.constant 7 : i32
          %shift_left3A_600 = arith.shli %shift_right_arithmetic3A_598, %shift_left3A_599 : i32
          %multiple_of3A_601 = tpu.assume_multiple %shift_left3A_600, 128 : i32
          %dma_start3A_602 = arith.constant 4 : i32
          %dma_start3A_603 = arith.constant 1 : i32
          %dma_start3A_604 = arith.constant 4 : i32
          %dma_start3A_605 = arith.constant 0 : i32
          %dma_start3A_606 = arith.constant 0 : i32
          %dma_start3A_607 = tpu.memref_slice %arg6[%dma_start3A_602, %dma_start3A_603, %dma_start3A_605, %dma_start3A_606] : memref<7x2x64x128xf32, #tpu.memory_space<vmem>> -> memref<1x1x64x128xf32, #tpu.memory_space<vmem>>
          %dma_start3A_608 = tpu.memref_squeeze %dma_start3A_607 : memref<1x1x64x128xf32, #tpu.memory_space<vmem>> -> memref<64x128xf32, #tpu.memory_space<vmem>>
          %dma_start3A_609 = arith.constant 0 : i32
          %dma_start3A_610 = tpu.memref_slice %arg3[%dma_start3A_609, %multiple_of3A_601] : memref<64x1000001xf32, #tpu.memory_space<hbm>> -> memref<64x128xf32, #tpu.memory_space<hbm>>
          %dma_start3A_611 = tpu.memref_slice %arg8[%dma_start3A_604] : memref<7x!tpu.dma_semaphore, #tpu.memory_space<semaphore_mem>> -> memref<1x!tpu.dma_semaphore, #tpu.memory_space<semaphore_mem>>
          %dma_start3A_612 = tpu.memref_squeeze %dma_start3A_611 : memref<1x!tpu.dma_semaphore, #tpu.memory_space<semaphore_mem>> -> memref<!tpu.dma_semaphore, #tpu.memory_space<semaphore_mem>>
          %dma_start3A_613 = arith.constant 0 : i32
          %dma_start3A_614 = arith.constant 0 : i32
          %dma_start3A_615 = tpu.memref_slice %arg6[%dma_start3A_602, %dma_start3A_603, %dma_start3A_613, %dma_start3A_614] : memref<7x2x64x128xf32, #tpu.memory_space<vmem>> -> memref<1x1x64x128xf32, #tpu.memory_space<vmem>>
          %dma_start3A_616 = tpu.memref_squeeze %dma_start3A_615 : memref<1x1x64x128xf32, #tpu.memory_space<vmem>> -> memref<64x128xf32, #tpu.memory_space<vmem>>
          %dma_start3A_617 = arith.constant 0 : i32
          %dma_start3A_618 = tpu.memref_slice %arg3[%dma_start3A_617, %multiple_of3A_601] : memref<64x1000001xf32, #tpu.memory_space<hbm>> -> memref<64x128xf32, #tpu.memory_space<hbm>>
          tpu.enqueue_dma source(%dma_start3A_618 : memref<64x128xf32, #tpu.memory_space<hbm>>) target(%dma_start3A_616 : memref<64x128xf32, #tpu.memory_space<vmem>>) target_semaphore(%dma_start3A_612 : memref<!tpu.dma_semaphore, #tpu.memory_space<semaphore_mem>>)
        } else {
        }
        %add3A_557 = arith.constant 1 : i32
        %add3A_558 = arith.addi %add3A_385, %add3A_557 : i32
        %rem3A_559 = arith.constant 64 : i32
        %rem3A_560 = arith.remsi %add3A_558, %rem3A_559 : i32
        %eq3A = arith.constant 0 : i32
        %eq3A_561 = arith.cmpi eq, %rem3A_560, %eq3A : i32
        %convert_element_type3A_562 = arith.extui %eq3A_561 : i1 to i32
        %cond3A_563 = arith.constant 0 : i32
        %cond3A_564 = arith.cmpi ne, %convert_element_type3A_562, %cond3A_563 : i32
        scf.if %cond3A_564 {
          %mul3A_565 = arith.constant 512 : i32
          %mul3A_566 = arith.muli %add3A, %mul3A_565 : i32
          %add3A_567 = arith.constant 1 : i32
          %add3A_568 = arith.addi %add3A_385, %add3A_567 : i32
          %mul3A_569 = arith.constant 2 : i32
          %mul3A_570 = arith.muli %add3A_568, %mul3A_569 : i32
          %add3A_571 = arith.addi %mul3A_566, %mul3A_570 : i32
          %sub3A = arith.constant 128 : i32
          %sub3A_572 = arith.subi %add3A_571, %sub3A : i32
          %multiple_of3A_573 = tpu.assume_multiple %sub3A_572, 128 : i32
          "tpu.region"() ({
            %run_scoped3A = tpu.sem_alloc : memref<!tpu.dma_semaphore, #tpu.memory_space<semaphore_mem>>
            %dma_start3A_574 = arith.constant 0 : i32
            %dma_start3A_575 = tpu.memref_slice %arg4[%dma_start3A_574, %multiple_of3A_573] : memref<64x16384xf32, #tpu.memory_space<hbm>> -> memref<64x128xf32, #tpu.memory_space<hbm>>
            %dma_start3A_576 = arith.constant 0 : i32
            %dma_start3A_577 = tpu.memref_slice %arg4[%dma_start3A_576, %multiple_of3A_573] : memref<64x16384xf32, #tpu.memory_space<hbm>> -> memref<64x128xf32, #tpu.memory_space<hbm>>
            tpu.enqueue_dma source(%arg7 : memref<64x128xf32, #tpu.memory_space<vmem>>) target(%dma_start3A_577 : memref<64x128xf32, #tpu.memory_space<hbm>>) target_semaphore(%run_scoped3A : memref<!tpu.dma_semaphore, #tpu.memory_space<semaphore_mem>>)
            %dma_wait3A_578 = arith.constant 0 : i32
            %dma_wait3A_579 = tpu.memref_slice %arg4[%dma_wait3A_578, %multiple_of3A_573] : memref<64x16384xf32, #tpu.memory_space<hbm>> -> memref<64x128xf32, #tpu.memory_space<hbm>>
            %dma_wait3A_580 = arith.constant 0 : i32
            %dma_wait3A_581 = tpu.memref_slice %arg4[%dma_wait3A_580, %multiple_of3A_573] : memref<64x16384xf32, #tpu.memory_space<hbm>> -> memref<64x128xf32, #tpu.memory_space<hbm>>
            tpu.wait_dma2 semaphore(%run_scoped3A : memref<!tpu.dma_semaphore, #tpu.memory_space<semaphore_mem>>) src(%arg7 : memref<64x128xf32, #tpu.memory_space<vmem>>) dst(%dma_wait3A_581 : memref<64x128xf32, #tpu.memory_space<hbm>>)
            tpu.yield
          }) : () -> ()
        } else {
        }
      } else {
      }
      %mul3A_391 = arith.constant 7 : i32
      %mul3A_392 = arith.muli %scan3A_348, %mul3A_391 : i32
      %add3A_393 = arith.constant 5 : i32
      %add3A_394 = arith.addi %mul3A_392, %add3A_393 : i32
      %lt3A_395 = arith.constant 256 : i32
      %lt3A_396 = arith.cmpi slt, %add3A_394, %lt3A_395 : i32
      %convert_element_type3A_397 = arith.extui %lt3A_396 : i1 to i32
      %cond3A_398 = arith.constant 0 : i32
      %cond3A_399 = arith.cmpi ne, %convert_element_type3A_397, %cond3A_398 : i32
      scf.if %cond3A_399 {
        %mul3A_409 = arith.constant 2 : i32
        %mul3A_410 = arith.muli %add3A_394, %mul3A_409 : i32
        %get3A_411 = arith.index_cast %mul3A_410 : i32 to index
        %get3A_412 = tpu.vector_load %arg5[%get3A_411] {strides = array<i32>} : memref<528xi32, #tpu.memory_space<vmem>>, vector<16xi32>,
        %slice3A_413 = vector.extract_strided_slice %get3A_412 {offsets = [0], sizes = [1], strides = [1]} : vector<16xi32> to vector<1xi32>
        %squeeze3A_414 = vector.extract %slice3A_413[0] : i32 from vector<1xi32>
        %dma_wait3A = arith.constant 5 : i32
        %dma_wait3A_415 = arith.constant 0 : i32
        %dma_wait3A_416 = arith.constant 5 : i32
        %dma_wait3A_417 = arith.constant 0 : i32
        %dma_wait3A_418 = arith.constant 0 : i32
        %dma_wait3A_419 = tpu.memref_slice %arg6[%dma_wait3A, %dma_wait3A_415, %dma_wait3A_417, %dma_wait3A_418] : memref<7x2x64x128xf32, #tpu.memory_space<vmem>> -> memref<1x1x64x128xf32, #tpu.memory_space<vmem>>
        %dma_wait3A_420 = tpu.memref_squeeze %dma_wait3A_419 : memref<1x1x64x128xf32, #tpu.memory_space<vmem>> -> memref<64x128xf32, #tpu.memory_space<vmem>>
        %dma_wait3A_421 = arith.constant 0 : i32
        %dma_wait3A_422 = arith.constant 0 : i32
        %dma_wait3A_423 = tpu.memref_slice %arg3[%dma_wait3A_421, %dma_wait3A_422] : memref<64x1000001xf32, #tpu.memory_space<hbm>> -> memref<64x128xf32, #tpu.memory_space<hbm>>
        %dma_wait3A_424 = tpu.memref_slice %arg8[%dma_wait3A_416] : memref<7x!tpu.dma_semaphore, #tpu.memory_space<semaphore_mem>> -> memref<1x!tpu.dma_semaphore, #tpu.memory_space<semaphore_mem>>
        %dma_wait3A_425 = tpu.memref_squeeze %dma_wait3A_424 : memref<1x!tpu.dma_semaphore, #tpu.memory_space<semaphore_mem>> -> memref<!tpu.dma_semaphore, #tpu.memory_space<semaphore_mem>>
        %dma_wait3A_426 = arith.constant 0 : i32
        %dma_wait3A_427 = arith.constant 0 : i32
        %dma_wait3A_428 = tpu.memref_slice %arg6[%dma_wait3A, %dma_wait3A_415, %dma_wait3A_426, %dma_wait3A_427] : memref<7x2x64x128xf32, #tpu.memory_space<vmem>> -> memref<1x1x64x128xf32, #tpu.memory_space<vmem>>
        %dma_wait3A_429 = tpu.memref_squeeze %dma_wait3A_428 : memref<1x1x64x128xf32, #tpu.memory_space<vmem>> -> memref<64x128xf32, #tpu.memory_space<vmem>>
        %dma_wait3A_430 = arith.constant 0 : i32
        %dma_wait3A_431 = arith.constant 0 : i32
        %dma_wait3A_432 = tpu.memref_slice %arg3[%dma_wait3A_430, %dma_wait3A_431] : memref<64x1000001xf32, #tpu.memory_space<hbm>> -> memref<64x128xf32, #tpu.memory_space<hbm>>
        tpu.wait_dma2 semaphore(%dma_wait3A_425 : memref<!tpu.dma_semaphore, #tpu.memory_space<semaphore_mem>>) src(%dma_wait3A_432 : memref<64x128xf32, #tpu.memory_space<hbm>>) dst(%dma_wait3A_429 : memref<64x128xf32, #tpu.memory_space<vmem>>)
        %and3A = arith.constant 127 : i32
        %and3A_433 = arith.andi %squeeze3A_414, %and3A : i32
        %broadcast_in_dim3A = vector.broadcast %and3A_433 : i32 to vector<16xi32>
        %rem3A = arith.constant 64 : i32
        %rem3A_434 = arith.remsi %add3A_394, %rem3A : i32
        %mul3A_435 = arith.constant 2 : i32
        %mul3A_436 = arith.muli %rem3A_434, %mul3A_435 : i32
        %add3A_437 = arith.constant 0 : i32
        %add3A_438 = arith.addi %mul3A_436, %add3A_437 : i32
        %broadcast_in_dim3A_439 = vector.broadcast %add3A_438 : i32 to vector<16xi32>
        %add3A_440 = arith.constant 0 : i32
        %add3A_441 = vector.broadcast %add3A_440 : i32 to vector<16xi32>
        %add3A_442 = arith.addi %iota3A, %add3A_441 : vector<16xi32>
        %gather3A = arith.constant 5 : i32
        %gather3A_443 = arith.constant 0 : i32
        %gather3A_444 = arith.constant 0 : i32
        %gather3A_445 = arith.constant 0 : i32
        %gather3A_446 = tpu.memref_slice %arg6[%gather3A, %gather3A_443, %gather3A_444, %gather3A_445] : memref<7x2x64x128xf32, #tpu.memory_space<vmem>> -> memref<1x1x64x128xf32, #tpu.memory_space<vmem>>
        %gather3A_447 = tpu.memref_squeeze %gather3A_446 : memref<1x1x64x128xf32, #tpu.memory_space<vmem>> -> memref<64x128xf32, #tpu.memory_space<vmem>>
        %gather3A_448 = tpu.vector_load_idx %gather3A_447[%add3A_442, %broadcast_in_dim3A] : memref<64x128xf32, #tpu.memory_space<vmem>>[vector<16xi32>, vector<16xi32>], vector<16xf32>,
        tpu.vector_store_idx %arg7[%add3A_442, %broadcast_in_dim3A_439], %gather3A_448 : memref<64x128xf32, #tpu.memory_space<vmem>>[vector<16xi32>, vector<16xi32>], vector<16xf32>,
        %add3A_449 = arith.constant 16 : i32
        %add3A_450 = vector.broadcast %add3A_449 : i32 to vector<16xi32>
        %add3A_451 = arith.addi %iota3A, %add3A_450 : vector<16xi32>
        %gather3A_452 = arith.constant 5 : i32
        %gather3A_453 = arith.constant 0 : i32
        %gather3A_454 = arith.constant 0 : i32
        %gather3A_455 = arith.constant 0 : i32
        %gather3A_456 = tpu.memref_slice %arg6[%gather3A_452, %gather3A_453, %gather3A_454, %gather3A_455] : memref<7x2x64x128xf32, #tpu.memory_space<vmem>> -> memref<1x1x64x128xf32, #tpu.memory_space<vmem>>
        %gather3A_457 = tpu.memref_squeeze %gather3A_456 : memref<1x1x64x128xf32, #tpu.memory_space<vmem>> -> memref<64x128xf32, #tpu.memory_space<vmem>>
        %gather3A_458 = tpu.vector_load_idx %gather3A_457[%add3A_451, %broadcast_in_dim3A] : memref<64x128xf32, #tpu.memory_space<vmem>>[vector<16xi32>, vector<16xi32>], vector<16xf32>,
        tpu.vector_store_idx %arg7[%add3A_451, %broadcast_in_dim3A_439], %gather3A_458 : memref<64x128xf32, #tpu.memory_space<vmem>>[vector<16xi32>, vector<16xi32>], vector<16xf32>,
        %add3A_459 = arith.constant 32 : i32
        %add3A_460 = vector.broadcast %add3A_459 : i32 to vector<16xi32>
        %add3A_461 = arith.addi %iota3A, %add3A_460 : vector<16xi32>
        %gather3A_462 = arith.constant 5 : i32
        %gather3A_463 = arith.constant 0 : i32
        %gather3A_464 = arith.constant 0 : i32
        %gather3A_465 = arith.constant 0 : i32
        %gather3A_466 = tpu.memref_slice %arg6[%gather3A_462, %gather3A_463, %gather3A_464, %gather3A_465] : memref<7x2x64x128xf32, #tpu.memory_space<vmem>> -> memref<1x1x64x128xf32, #tpu.memory_space<vmem>>
        %gather3A_467 = tpu.memref_squeeze %gather3A_466 : memref<1x1x64x128xf32, #tpu.memory_space<vmem>> -> memref<64x128xf32, #tpu.memory_space<vmem>>
        %gather3A_468 = tpu.vector_load_idx %gather3A_467[%add3A_461, %broadcast_in_dim3A] : memref<64x128xf32, #tpu.memory_space<vmem>>[vector<16xi32>, vector<16xi32>], vector<16xf32>,
        tpu.vector_store_idx %arg7[%add3A_461, %broadcast_in_dim3A_439], %gather3A_468 : memref<64x128xf32, #tpu.memory_space<vmem>>[vector<16xi32>, vector<16xi32>], vector<16xf32>,
        %add3A_469 = arith.constant 48 : i32
        %add3A_470 = vector.broadcast %add3A_469 : i32 to vector<16xi32>
        %add3A_471 = arith.addi %iota3A, %add3A_470 : vector<16xi32>
        %gather3A_472 = arith.constant 5 : i32
        %gather3A_473 = arith.constant 0 : i32
        %gather3A_474 = arith.constant 0 : i32
        %gather3A_475 = arith.constant 0 : i32
        %gather3A_476 = tpu.memref_slice %arg6[%gather3A_472, %gather3A_473, %gather3A_474, %gather3A_475] : memref<7x2x64x128xf32, #tpu.memory_space<vmem>> -> memref<1x1x64x128xf32, #tpu.memory_space<vmem>>
        %gather3A_477 = tpu.memref_squeeze %gather3A_476 : memref<1x1x64x128xf32, #tpu.memory_space<vmem>> -> memref<64x128xf32, #tpu.memory_space<vmem>>
        %gather3A_478 = tpu.vector_load_idx %gather3A_477[%add3A_471, %broadcast_in_dim3A] : memref<64x128xf32, #tpu.memory_space<vmem>>[vector<16xi32>, vector<16xi32>], vector<16xf32>,
        tpu.vector_store_idx %arg7[%add3A_471, %broadcast_in_dim3A_439], %gather3A_478 : memref<64x128xf32, #tpu.memory_space<vmem>>[vector<16xi32>, vector<16xi32>], vector<16xf32>,
        %slice3A_479 = vector.extract_strided_slice %get3A_412 {offsets = [1], sizes = [1], strides = [1]} : vector<16xi32> to vector<1xi32>
        %squeeze3A_480 = vector.extract %slice3A_479[0] : i32 from vector<1xi32>
        %dma_wait3A_481 = arith.constant 5 : i32
        %dma_wait3A_482 = arith.constant 1 : i32
        %dma_wait3A_483 = arith.constant 5 : i32
        %dma_wait3A_484 = arith.constant 0 : i32
        %dma_wait3A_485 = arith.constant 0 : i32
        %dma_wait3A_486 = tpu.memref_slice %arg6[%dma_wait3A_481, %dma_wait3A_482, %dma_wait3A_484, %dma_wait3A_485] : memref<7x2x64x128xf32, #tpu.memory_space<vmem>> -> memref<1x1x64x128xf32, #tpu.memory_space<vmem>>
        %dma_wait3A_487 = tpu.memref_squeeze %dma_wait3A_486 : memref<1x1x64x128xf32, #tpu.memory_space<vmem>> -> memref<64x128xf32, #tpu.memory_space<vmem>>
        %dma_wait3A_488 = arith.constant 0 : i32
        %dma_wait3A_489 = arith.constant 0 : i32
        %dma_wait3A_490 = tpu.memref_slice %arg3[%dma_wait3A_488, %dma_wait3A_489] : memref<64x1000001xf32, #tpu.memory_space<hbm>> -> memref<64x128xf32, #tpu.memory_space<hbm>>
        %dma_wait3A_491 = tpu.memref_slice %arg8[%dma_wait3A_483] : memref<7x!tpu.dma_semaphore, #tpu.memory_space<semaphore_mem>> -> memref<1x!tpu.dma_semaphore, #tpu.memory_space<semaphore_mem>>
        %dma_wait3A_492 = tpu.memref_squeeze %dma_wait3A_491 : memref<1x!tpu.dma_semaphore, #tpu.memory_space<semaphore_mem>> -> memref<!tpu.dma_semaphore, #tpu.memory_space<semaphore_mem>>
        %dma_wait3A_493 = arith.constant 0 : i32
        %dma_wait3A_494 = arith.constant 0 : i32
        %dma_wait3A_495 = tpu.memref_slice %arg6[%dma_wait3A_481, %dma_wait3A_482, %dma_wait3A_493, %dma_wait3A_494] : memref<7x2x64x128xf32, #tpu.memory_space<vmem>> -> memref<1x1x64x128xf32, #tpu.memory_space<vmem>>
        %dma_wait3A_496 = tpu.memref_squeeze %dma_wait3A_495 : memref<1x1x64x128xf32, #tpu.memory_space<vmem>> -> memref<64x128xf32, #tpu.memory_space<vmem>>
        %dma_wait3A_497 = arith.constant 0 : i32
        %dma_wait3A_498 = arith.constant 0 : i32
        %dma_wait3A_499 = tpu.memref_slice %arg3[%dma_wait3A_497, %dma_wait3A_498] : memref<64x1000001xf32, #tpu.memory_space<hbm>> -> memref<64x128xf32, #tpu.memory_space<hbm>>
        tpu.wait_dma2 semaphore(%dma_wait3A_492 : memref<!tpu.dma_semaphore, #tpu.memory_space<semaphore_mem>>) src(%dma_wait3A_499 : memref<64x128xf32, #tpu.memory_space<hbm>>) dst(%dma_wait3A_496 : memref<64x128xf32, #tpu.memory_space<vmem>>)
        %and3A_500 = arith.constant 127 : i32
        %and3A_501 = arith.andi %squeeze3A_480, %and3A_500 : i32
        %broadcast_in_dim3A_502 = vector.broadcast %and3A_501 : i32 to vector<16xi32>
        %rem3A_503 = arith.constant 64 : i32
        %rem3A_504 = arith.remsi %add3A_394, %rem3A_503 : i32
        %mul3A_505 = arith.constant 2 : i32
        %mul3A_506 = arith.muli %rem3A_504, %mul3A_505 : i32
        %add3A_507 = arith.constant 1 : i32
        %add3A_508 = arith.addi %mul3A_506, %add3A_507 : i32
        %broadcast_in_dim3A_509 = vector.broadcast %add3A_508 : i32 to vector<16xi32>
        %add3A_510 = arith.constant 0 : i32
        %add3A_511 = vector.broadcast %add3A_510 : i32 to vector<16xi32>
        %add3A_512 = arith.addi %iota3A, %add3A_511 : vector<16xi32>
        %gather3A_513 = arith.constant 5 : i32
        %gather3A_514 = arith.constant 1 : i32
        %gather3A_515 = arith.constant 0 : i32
        %gather3A_516 = arith.constant 0 : i32
        %gather3A_517 = tpu.memref_slice %arg6[%gather3A_513, %gather3A_514, %gather3A_515, %gather3A_516] : memref<7x2x64x128xf32, #tpu.memory_space<vmem>> -> memref<1x1x64x128xf32, #tpu.memory_space<vmem>>
        %gather3A_518 = tpu.memref_squeeze %gather3A_517 : memref<1x1x64x128xf32, #tpu.memory_space<vmem>> -> memref<64x128xf32, #tpu.memory_space<vmem>>
        %gather3A_519 = tpu.vector_load_idx %gather3A_518[%add3A_512, %broadcast_in_dim3A_502] : memref<64x128xf32, #tpu.memory_space<vmem>>[vector<16xi32>, vector<16xi32>], vector<16xf32>,
        tpu.vector_store_idx %arg7[%add3A_512, %broadcast_in_dim3A_509], %gather3A_519 : memref<64x128xf32, #tpu.memory_space<vmem>>[vector<16xi32>, vector<16xi32>], vector<16xf32>,
        %add3A_520 = arith.constant 16 : i32
        %add3A_521 = vector.broadcast %add3A_520 : i32 to vector<16xi32>
        %add3A_522 = arith.addi %iota3A, %add3A_521 : vector<16xi32>
        %gather3A_523 = arith.constant 5 : i32
        %gather3A_524 = arith.constant 1 : i32
        %gather3A_525 = arith.constant 0 : i32
        %gather3A_526 = arith.constant 0 : i32
        %gather3A_527 = tpu.memref_slice %arg6[%gather3A_523, %gather3A_524, %gather3A_525, %gather3A_526] : memref<7x2x64x128xf32, #tpu.memory_space<vmem>> -> memref<1x1x64x128xf32, #tpu.memory_space<vmem>>
        %gather3A_528 = tpu.memref_squeeze %gather3A_527 : memref<1x1x64x128xf32, #tpu.memory_space<vmem>> -> memref<64x128xf32, #tpu.memory_space<vmem>>
        %gather3A_529 = tpu.vector_load_idx %gather3A_528[%add3A_522, %broadcast_in_dim3A_502] : memref<64x128xf32, #tpu.memory_space<vmem>>[vector<16xi32>, vector<16xi32>], vector<16xf32>,
        tpu.vector_store_idx %arg7[%add3A_522, %broadcast_in_dim3A_509], %gather3A_529 : memref<64x128xf32, #tpu.memory_space<vmem>>[vector<16xi32>, vector<16xi32>], vector<16xf32>,
        %add3A_530 = arith.constant 32 : i32
        %add3A_531 = vector.broadcast %add3A_530 : i32 to vector<16xi32>
        %add3A_532 = arith.addi %iota3A, %add3A_531 : vector<16xi32>
        %gather3A_533 = arith.constant 5 : i32
        %gather3A_534 = arith.constant 1 : i32
        %gather3A_535 = arith.constant 0 : i32
        %gather3A_536 = arith.constant 0 : i32
        %gather3A_537 = tpu.memref_slice %arg6[%gather3A_533, %gather3A_534, %gather3A_535, %gather3A_536] : memref<7x2x64x128xf32, #tpu.memory_space<vmem>> -> memref<1x1x64x128xf32, #tpu.memory_space<vmem>>
        %gather3A_538 = tpu.memref_squeeze %gather3A_537 : memref<1x1x64x128xf32, #tpu.memory_space<vmem>> -> memref<64x128xf32, #tpu.memory_space<vmem>>
        %gather3A_539 = tpu.vector_load_idx %gather3A_538[%add3A_532, %broadcast_in_dim3A_502] : memref<64x128xf32, #tpu.memory_space<vmem>>[vector<16xi32>, vector<16xi32>], vector<16xf32>,
        tpu.vector_store_idx %arg7[%add3A_532, %broadcast_in_dim3A_509], %gather3A_539 : memref<64x128xf32, #tpu.memory_space<vmem>>[vector<16xi32>, vector<16xi32>], vector<16xf32>,
        %add3A_540 = arith.constant 48 : i32
        %add3A_541 = vector.broadcast %add3A_540 : i32 to vector<16xi32>
        %add3A_542 = arith.addi %iota3A, %add3A_541 : vector<16xi32>
        %gather3A_543 = arith.constant 5 : i32
        %gather3A_544 = arith.constant 1 : i32
        %gather3A_545 = arith.constant 0 : i32
        %gather3A_546 = arith.constant 0 : i32
        %gather3A_547 = tpu.memref_slice %arg6[%gather3A_543, %gather3A_544, %gather3A_545, %gather3A_546] : memref<7x2x64x128xf32, #tpu.memory_space<vmem>> -> memref<1x1x64x128xf32, #tpu.memory_space<vmem>>
        %gather3A_548 = tpu.memref_squeeze %gather3A_547 : memref<1x1x64x128xf32, #tpu.memory_space<vmem>> -> memref<64x128xf32, #tpu.memory_space<vmem>>
        %gather3A_549 = tpu.vector_load_idx %gather3A_548[%add3A_542, %broadcast_in_dim3A_502] : memref<64x128xf32, #tpu.memory_space<vmem>>[vector<16xi32>, vector<16xi32>], vector<16xf32>,
        tpu.vector_store_idx %arg7[%add3A_542, %broadcast_in_dim3A_509], %gather3A_549 : memref<64x128xf32, #tpu.memory_space<vmem>>[vector<16xi32>, vector<16xi32>], vector<16xf32>,
        %add3A_550 = arith.constant 7 : i32
        %add3A_551 = arith.addi %add3A_394, %add3A_550 : i32
        %lt3A_552 = arith.constant 256 : i32
        %lt3A_553 = arith.cmpi slt, %add3A_551, %lt3A_552 : i32
        %convert_element_type3A_554 = arith.extui %lt3A_553 : i1 to i32
        %cond3A_555 = arith.constant 0 : i32
        %cond3A_556 = arith.cmpi ne, %convert_element_type3A_554, %cond3A_555 : i32
        scf.if %cond3A_556 {
          %add3A_565 = arith.constant 7 : i32
          %add3A_566 = arith.addi %add3A_394, %add3A_565 : i32
          %mul3A_567 = arith.constant 2 : i32
          %mul3A_568 = arith.muli %add3A_566, %mul3A_567 : i32
          %get3A_569 = arith.index_cast %mul3A_568 : i32 to index
          %get3A_570 = tpu.vector_load %arg5[%get3A_569] {strides = array<i32>} : memref<528xi32, #tpu.memory_space<vmem>>, vector<16xi32>,
          %slice3A_571 = vector.extract_strided_slice %get3A_570 {offsets = [0], sizes = [1], strides = [1]} : vector<16xi32> to vector<1xi32>
          %squeeze3A_572 = vector.extract %slice3A_571[0] : i32 from vector<1xi32>
          %shift_right_arithmetic3A_573 = arith.constant 7 : i32
          %shift_right_arithmetic3A_574 = arith.shrsi %squeeze3A_572, %shift_right_arithmetic3A_573 : i32
          %shift_left3A_575 = arith.constant 7 : i32
          %shift_left3A_576 = arith.shli %shift_right_arithmetic3A_574, %shift_left3A_575 : i32
          %multiple_of3A_577 = tpu.assume_multiple %shift_left3A_576, 128 : i32
          %dma_start3A_578 = arith.constant 5 : i32
          %dma_start3A_579 = arith.constant 0 : i32
          %dma_start3A_580 = arith.constant 5 : i32
          %dma_start3A_581 = arith.constant 0 : i32
          %dma_start3A_582 = arith.constant 0 : i32
          %dma_start3A_583 = tpu.memref_slice %arg6[%dma_start3A_578, %dma_start3A_579, %dma_start3A_581, %dma_start3A_582] : memref<7x2x64x128xf32, #tpu.memory_space<vmem>> -> memref<1x1x64x128xf32, #tpu.memory_space<vmem>>
          %dma_start3A_584 = tpu.memref_squeeze %dma_start3A_583 : memref<1x1x64x128xf32, #tpu.memory_space<vmem>> -> memref<64x128xf32, #tpu.memory_space<vmem>>
          %dma_start3A_585 = arith.constant 0 : i32
          %dma_start3A_586 = tpu.memref_slice %arg3[%dma_start3A_585, %multiple_of3A_577] : memref<64x1000001xf32, #tpu.memory_space<hbm>> -> memref<64x128xf32, #tpu.memory_space<hbm>>
          %dma_start3A_587 = tpu.memref_slice %arg8[%dma_start3A_580] : memref<7x!tpu.dma_semaphore, #tpu.memory_space<semaphore_mem>> -> memref<1x!tpu.dma_semaphore, #tpu.memory_space<semaphore_mem>>
          %dma_start3A_588 = tpu.memref_squeeze %dma_start3A_587 : memref<1x!tpu.dma_semaphore, #tpu.memory_space<semaphore_mem>> -> memref<!tpu.dma_semaphore, #tpu.memory_space<semaphore_mem>>
          %dma_start3A_589 = arith.constant 0 : i32
          %dma_start3A_590 = arith.constant 0 : i32
          %dma_start3A_591 = tpu.memref_slice %arg6[%dma_start3A_578, %dma_start3A_579, %dma_start3A_589, %dma_start3A_590] : memref<7x2x64x128xf32, #tpu.memory_space<vmem>> -> memref<1x1x64x128xf32, #tpu.memory_space<vmem>>
          %dma_start3A_592 = tpu.memref_squeeze %dma_start3A_591 : memref<1x1x64x128xf32, #tpu.memory_space<vmem>> -> memref<64x128xf32, #tpu.memory_space<vmem>>
          %dma_start3A_593 = arith.constant 0 : i32
          %dma_start3A_594 = tpu.memref_slice %arg3[%dma_start3A_593, %multiple_of3A_577] : memref<64x1000001xf32, #tpu.memory_space<hbm>> -> memref<64x128xf32, #tpu.memory_space<hbm>>
          tpu.enqueue_dma source(%dma_start3A_594 : memref<64x128xf32, #tpu.memory_space<hbm>>) target(%dma_start3A_592 : memref<64x128xf32, #tpu.memory_space<vmem>>) target_semaphore(%dma_start3A_588 : memref<!tpu.dma_semaphore, #tpu.memory_space<semaphore_mem>>)
          %slice3A_595 = vector.extract_strided_slice %get3A_570 {offsets = [1], sizes = [1], strides = [1]} : vector<16xi32> to vector<1xi32>
          %squeeze3A_596 = vector.extract %slice3A_595[0] : i32 from vector<1xi32>
          %shift_right_arithmetic3A_597 = arith.constant 7 : i32
          %shift_right_arithmetic3A_598 = arith.shrsi %squeeze3A_596, %shift_right_arithmetic3A_597 : i32
          %shift_left3A_599 = arith.constant 7 : i32
          %shift_left3A_600 = arith.shli %shift_right_arithmetic3A_598, %shift_left3A_599 : i32
          %multiple_of3A_601 = tpu.assume_multiple %shift_left3A_600, 128 : i32
          %dma_start3A_602 = arith.constant 5 : i32
          %dma_start3A_603 = arith.constant 1 : i32
          %dma_start3A_604 = arith.constant 5 : i32
          %dma_start3A_605 = arith.constant 0 : i32
          %dma_start3A_606 = arith.constant 0 : i32
          %dma_start3A_607 = tpu.memref_slice %arg6[%dma_start3A_602, %dma_start3A_603, %dma_start3A_605, %dma_start3A_606] : memref<7x2x64x128xf32, #tpu.memory_space<vmem>> -> memref<1x1x64x128xf32, #tpu.memory_space<vmem>>
          %dma_start3A_608 = tpu.memref_squeeze %dma_start3A_607 : memref<1x1x64x128xf32, #tpu.memory_space<vmem>> -> memref<64x128xf32, #tpu.memory_space<vmem>>
          %dma_start3A_609 = arith.constant 0 : i32
          %dma_start3A_610 = tpu.memref_slice %arg3[%dma_start3A_609, %multiple_of3A_601] : memref<64x1000001xf32, #tpu.memory_space<hbm>> -> memref<64x128xf32, #tpu.memory_space<hbm>>
          %dma_start3A_611 = tpu.memref_slice %arg8[%dma_start3A_604] : memref<7x!tpu.dma_semaphore, #tpu.memory_space<semaphore_mem>> -> memref<1x!tpu.dma_semaphore, #tpu.memory_space<semaphore_mem>>
          %dma_start3A_612 = tpu.memref_squeeze %dma_start3A_611 : memref<1x!tpu.dma_semaphore, #tpu.memory_space<semaphore_mem>> -> memref<!tpu.dma_semaphore, #tpu.memory_space<semaphore_mem>>
          %dma_start3A_613 = arith.constant 0 : i32
          %dma_start3A_614 = arith.constant 0 : i32
          %dma_start3A_615 = tpu.memref_slice %arg6[%dma_start3A_602, %dma_start3A_603, %dma_start3A_613, %dma_start3A_614] : memref<7x2x64x128xf32, #tpu.memory_space<vmem>> -> memref<1x1x64x128xf32, #tpu.memory_space<vmem>>
          %dma_start3A_616 = tpu.memref_squeeze %dma_start3A_615 : memref<1x1x64x128xf32, #tpu.memory_space<vmem>> -> memref<64x128xf32, #tpu.memory_space<vmem>>
          %dma_start3A_617 = arith.constant 0 : i32
          %dma_start3A_618 = tpu.memref_slice %arg3[%dma_start3A_617, %multiple_of3A_601] : memref<64x1000001xf32, #tpu.memory_space<hbm>> -> memref<64x128xf32, #tpu.memory_space<hbm>>
          tpu.enqueue_dma source(%dma_start3A_618 : memref<64x128xf32, #tpu.memory_space<hbm>>) target(%dma_start3A_616 : memref<64x128xf32, #tpu.memory_space<vmem>>) target_semaphore(%dma_start3A_612 : memref<!tpu.dma_semaphore, #tpu.memory_space<semaphore_mem>>)
        } else {
        }
        %add3A_557 = arith.constant 1 : i32
        %add3A_558 = arith.addi %add3A_394, %add3A_557 : i32
        %rem3A_559 = arith.constant 64 : i32
        %rem3A_560 = arith.remsi %add3A_558, %rem3A_559 : i32
        %eq3A = arith.constant 0 : i32
        %eq3A_561 = arith.cmpi eq, %rem3A_560, %eq3A : i32
        %convert_element_type3A_562 = arith.extui %eq3A_561 : i1 to i32
        %cond3A_563 = arith.constant 0 : i32
        %cond3A_564 = arith.cmpi ne, %convert_element_type3A_562, %cond3A_563 : i32
        scf.if %cond3A_564 {
          %mul3A_565 = arith.constant 512 : i32
          %mul3A_566 = arith.muli %add3A, %mul3A_565 : i32
          %add3A_567 = arith.constant 1 : i32
          %add3A_568 = arith.addi %add3A_394, %add3A_567 : i32
          %mul3A_569 = arith.constant 2 : i32
          %mul3A_570 = arith.muli %add3A_568, %mul3A_569 : i32
          %add3A_571 = arith.addi %mul3A_566, %mul3A_570 : i32
          %sub3A = arith.constant 128 : i32
          %sub3A_572 = arith.subi %add3A_571, %sub3A : i32
          %multiple_of3A_573 = tpu.assume_multiple %sub3A_572, 128 : i32
          "tpu.region"() ({
            %run_scoped3A = tpu.sem_alloc : memref<!tpu.dma_semaphore, #tpu.memory_space<semaphore_mem>>
            %dma_start3A_574 = arith.constant 0 : i32
            %dma_start3A_575 = tpu.memref_slice %arg4[%dma_start3A_574, %multiple_of3A_573] : memref<64x16384xf32, #tpu.memory_space<hbm>> -> memref<64x128xf32, #tpu.memory_space<hbm>>
            %dma_start3A_576 = arith.constant 0 : i32
            %dma_start3A_577 = tpu.memref_slice %arg4[%dma_start3A_576, %multiple_of3A_573] : memref<64x16384xf32, #tpu.memory_space<hbm>> -> memref<64x128xf32, #tpu.memory_space<hbm>>
            tpu.enqueue_dma source(%arg7 : memref<64x128xf32, #tpu.memory_space<vmem>>) target(%dma_start3A_577 : memref<64x128xf32, #tpu.memory_space<hbm>>) target_semaphore(%run_scoped3A : memref<!tpu.dma_semaphore, #tpu.memory_space<semaphore_mem>>)
            %dma_wait3A_578 = arith.constant 0 : i32
            %dma_wait3A_579 = tpu.memref_slice %arg4[%dma_wait3A_578, %multiple_of3A_573] : memref<64x16384xf32, #tpu.memory_space<hbm>> -> memref<64x128xf32, #tpu.memory_space<hbm>>
            %dma_wait3A_580 = arith.constant 0 : i32
            %dma_wait3A_581 = tpu.memref_slice %arg4[%dma_wait3A_580, %multiple_of3A_573] : memref<64x16384xf32, #tpu.memory_space<hbm>> -> memref<64x128xf32, #tpu.memory_space<hbm>>
            tpu.wait_dma2 semaphore(%run_scoped3A : memref<!tpu.dma_semaphore, #tpu.memory_space<semaphore_mem>>) src(%arg7 : memref<64x128xf32, #tpu.memory_space<vmem>>) dst(%dma_wait3A_581 : memref<64x128xf32, #tpu.memory_space<hbm>>)
            tpu.yield
          }) : () -> ()
        } else {
        }
      } else {
      }
      %mul3A_400 = arith.constant 7 : i32
      %mul3A_401 = arith.muli %scan3A_348, %mul3A_400 : i32
      %add3A_402 = arith.constant 6 : i32
      %add3A_403 = arith.addi %mul3A_401, %add3A_402 : i32
      %lt3A_404 = arith.constant 256 : i32
      %lt3A_405 = arith.cmpi slt, %add3A_403, %lt3A_404 : i32
      %convert_element_type3A_406 = arith.extui %lt3A_405 : i1 to i32
      %cond3A_407 = arith.constant 0 : i32
      %cond3A_408 = arith.cmpi ne, %convert_element_type3A_406, %cond3A_407 : i32
      scf.if %cond3A_408 {
        %mul3A_409 = arith.constant 2 : i32
        %mul3A_410 = arith.muli %add3A_403, %mul3A_409 : i32
        %get3A_411 = arith.index_cast %mul3A_410 : i32 to index
        %get3A_412 = tpu.vector_load %arg5[%get3A_411] {strides = array<i32>} : memref<528xi32, #tpu.memory_space<vmem>>, vector<16xi32>,
        %slice3A_413 = vector.extract_strided_slice %get3A_412 {offsets = [0], sizes = [1], strides = [1]} : vector<16xi32> to vector<1xi32>
        %squeeze3A_414 = vector.extract %slice3A_413[0] : i32 from vector<1xi32>
        %dma_wait3A = arith.constant 6 : i32
        %dma_wait3A_415 = arith.constant 0 : i32
        %dma_wait3A_416 = arith.constant 6 : i32
        %dma_wait3A_417 = arith.constant 0 : i32
        %dma_wait3A_418 = arith.constant 0 : i32
        %dma_wait3A_419 = tpu.memref_slice %arg6[%dma_wait3A, %dma_wait3A_415, %dma_wait3A_417, %dma_wait3A_418] : memref<7x2x64x128xf32, #tpu.memory_space<vmem>> -> memref<1x1x64x128xf32, #tpu.memory_space<vmem>>
        %dma_wait3A_420 = tpu.memref_squeeze %dma_wait3A_419 : memref<1x1x64x128xf32, #tpu.memory_space<vmem>> -> memref<64x128xf32, #tpu.memory_space<vmem>>
        %dma_wait3A_421 = arith.constant 0 : i32
        %dma_wait3A_422 = arith.constant 0 : i32
        %dma_wait3A_423 = tpu.memref_slice %arg3[%dma_wait3A_421, %dma_wait3A_422] : memref<64x1000001xf32, #tpu.memory_space<hbm>> -> memref<64x128xf32, #tpu.memory_space<hbm>>
        %dma_wait3A_424 = tpu.memref_slice %arg8[%dma_wait3A_416] : memref<7x!tpu.dma_semaphore, #tpu.memory_space<semaphore_mem>> -> memref<1x!tpu.dma_semaphore, #tpu.memory_space<semaphore_mem>>
        %dma_wait3A_425 = tpu.memref_squeeze %dma_wait3A_424 : memref<1x!tpu.dma_semaphore, #tpu.memory_space<semaphore_mem>> -> memref<!tpu.dma_semaphore, #tpu.memory_space<semaphore_mem>>
        %dma_wait3A_426 = arith.constant 0 : i32
        %dma_wait3A_427 = arith.constant 0 : i32
        %dma_wait3A_428 = tpu.memref_slice %arg6[%dma_wait3A, %dma_wait3A_415, %dma_wait3A_426, %dma_wait3A_427] : memref<7x2x64x128xf32, #tpu.memory_space<vmem>> -> memref<1x1x64x128xf32, #tpu.memory_space<vmem>>
        %dma_wait3A_429 = tpu.memref_squeeze %dma_wait3A_428 : memref<1x1x64x128xf32, #tpu.memory_space<vmem>> -> memref<64x128xf32, #tpu.memory_space<vmem>>
        %dma_wait3A_430 = arith.constant 0 : i32
        %dma_wait3A_431 = arith.constant 0 : i32
        %dma_wait3A_432 = tpu.memref_slice %arg3[%dma_wait3A_430, %dma_wait3A_431] : memref<64x1000001xf32, #tpu.memory_space<hbm>> -> memref<64x128xf32, #tpu.memory_space<hbm>>
        tpu.wait_dma2 semaphore(%dma_wait3A_425 : memref<!tpu.dma_semaphore, #tpu.memory_space<semaphore_mem>>) src(%dma_wait3A_432 : memref<64x128xf32, #tpu.memory_space<hbm>>) dst(%dma_wait3A_429 : memref<64x128xf32, #tpu.memory_space<vmem>>)
        %and3A = arith.constant 127 : i32
        %and3A_433 = arith.andi %squeeze3A_414, %and3A : i32
        %broadcast_in_dim3A = vector.broadcast %and3A_433 : i32 to vector<16xi32>
        %rem3A = arith.constant 64 : i32
        %rem3A_434 = arith.remsi %add3A_403, %rem3A : i32
        %mul3A_435 = arith.constant 2 : i32
        %mul3A_436 = arith.muli %rem3A_434, %mul3A_435 : i32
        %add3A_437 = arith.constant 0 : i32
        %add3A_438 = arith.addi %mul3A_436, %add3A_437 : i32
        %broadcast_in_dim3A_439 = vector.broadcast %add3A_438 : i32 to vector<16xi32>
        %add3A_440 = arith.constant 0 : i32
        %add3A_441 = vector.broadcast %add3A_440 : i32 to vector<16xi32>
        %add3A_442 = arith.addi %iota3A, %add3A_441 : vector<16xi32>
        %gather3A = arith.constant 6 : i32
        %gather3A_443 = arith.constant 0 : i32
        %gather3A_444 = arith.constant 0 : i32
        %gather3A_445 = arith.constant 0 : i32
        %gather3A_446 = tpu.memref_slice %arg6[%gather3A, %gather3A_443, %gather3A_444, %gather3A_445] : memref<7x2x64x128xf32, #tpu.memory_space<vmem>> -> memref<1x1x64x128xf32, #tpu.memory_space<vmem>>
        %gather3A_447 = tpu.memref_squeeze %gather3A_446 : memref<1x1x64x128xf32, #tpu.memory_space<vmem>> -> memref<64x128xf32, #tpu.memory_space<vmem>>
        %gather3A_448 = tpu.vector_load_idx %gather3A_447[%add3A_442, %broadcast_in_dim3A] : memref<64x128xf32, #tpu.memory_space<vmem>>[vector<16xi32>, vector<16xi32>], vector<16xf32>,
        tpu.vector_store_idx %arg7[%add3A_442, %broadcast_in_dim3A_439], %gather3A_448 : memref<64x128xf32, #tpu.memory_space<vmem>>[vector<16xi32>, vector<16xi32>], vector<16xf32>,
        %add3A_449 = arith.constant 16 : i32
        %add3A_450 = vector.broadcast %add3A_449 : i32 to vector<16xi32>
        %add3A_451 = arith.addi %iota3A, %add3A_450 : vector<16xi32>
        %gather3A_452 = arith.constant 6 : i32
        %gather3A_453 = arith.constant 0 : i32
        %gather3A_454 = arith.constant 0 : i32
        %gather3A_455 = arith.constant 0 : i32
        %gather3A_456 = tpu.memref_slice %arg6[%gather3A_452, %gather3A_453, %gather3A_454, %gather3A_455] : memref<7x2x64x128xf32, #tpu.memory_space<vmem>> -> memref<1x1x64x128xf32, #tpu.memory_space<vmem>>
        %gather3A_457 = tpu.memref_squeeze %gather3A_456 : memref<1x1x64x128xf32, #tpu.memory_space<vmem>> -> memref<64x128xf32, #tpu.memory_space<vmem>>
        %gather3A_458 = tpu.vector_load_idx %gather3A_457[%add3A_451, %broadcast_in_dim3A] : memref<64x128xf32, #tpu.memory_space<vmem>>[vector<16xi32>, vector<16xi32>], vector<16xf32>,
        tpu.vector_store_idx %arg7[%add3A_451, %broadcast_in_dim3A_439], %gather3A_458 : memref<64x128xf32, #tpu.memory_space<vmem>>[vector<16xi32>, vector<16xi32>], vector<16xf32>,
        %add3A_459 = arith.constant 32 : i32
        %add3A_460 = vector.broadcast %add3A_459 : i32 to vector<16xi32>
        %add3A_461 = arith.addi %iota3A, %add3A_460 : vector<16xi32>
        %gather3A_462 = arith.constant 6 : i32
        %gather3A_463 = arith.constant 0 : i32
        %gather3A_464 = arith.constant 0 : i32
        %gather3A_465 = arith.constant 0 : i32
        %gather3A_466 = tpu.memref_slice %arg6[%gather3A_462, %gather3A_463, %gather3A_464, %gather3A_465] : memref<7x2x64x128xf32, #tpu.memory_space<vmem>> -> memref<1x1x64x128xf32, #tpu.memory_space<vmem>>
        %gather3A_467 = tpu.memref_squeeze %gather3A_466 : memref<1x1x64x128xf32, #tpu.memory_space<vmem>> -> memref<64x128xf32, #tpu.memory_space<vmem>>
        %gather3A_468 = tpu.vector_load_idx %gather3A_467[%add3A_461, %broadcast_in_dim3A] : memref<64x128xf32, #tpu.memory_space<vmem>>[vector<16xi32>, vector<16xi32>], vector<16xf32>,
        tpu.vector_store_idx %arg7[%add3A_461, %broadcast_in_dim3A_439], %gather3A_468 : memref<64x128xf32, #tpu.memory_space<vmem>>[vector<16xi32>, vector<16xi32>], vector<16xf32>,
        %add3A_469 = arith.constant 48 : i32
        %add3A_470 = vector.broadcast %add3A_469 : i32 to vector<16xi32>
        %add3A_471 = arith.addi %iota3A, %add3A_470 : vector<16xi32>
        %gather3A_472 = arith.constant 6 : i32
        %gather3A_473 = arith.constant 0 : i32
        %gather3A_474 = arith.constant 0 : i32
        %gather3A_475 = arith.constant 0 : i32
        %gather3A_476 = tpu.memref_slice %arg6[%gather3A_472, %gather3A_473, %gather3A_474, %gather3A_475] : memref<7x2x64x128xf32, #tpu.memory_space<vmem>> -> memref<1x1x64x128xf32, #tpu.memory_space<vmem>>
        %gather3A_477 = tpu.memref_squeeze %gather3A_476 : memref<1x1x64x128xf32, #tpu.memory_space<vmem>> -> memref<64x128xf32, #tpu.memory_space<vmem>>
        %gather3A_478 = tpu.vector_load_idx %gather3A_477[%add3A_471, %broadcast_in_dim3A] : memref<64x128xf32, #tpu.memory_space<vmem>>[vector<16xi32>, vector<16xi32>], vector<16xf32>,
        tpu.vector_store_idx %arg7[%add3A_471, %broadcast_in_dim3A_439], %gather3A_478 : memref<64x128xf32, #tpu.memory_space<vmem>>[vector<16xi32>, vector<16xi32>], vector<16xf32>,
        %slice3A_479 = vector.extract_strided_slice %get3A_412 {offsets = [1], sizes = [1], strides = [1]} : vector<16xi32> to vector<1xi32>
        %squeeze3A_480 = vector.extract %slice3A_479[0] : i32 from vector<1xi32>
        %dma_wait3A_481 = arith.constant 6 : i32
        %dma_wait3A_482 = arith.constant 1 : i32
        %dma_wait3A_483 = arith.constant 6 : i32
        %dma_wait3A_484 = arith.constant 0 : i32
        %dma_wait3A_485 = arith.constant 0 : i32
        %dma_wait3A_486 = tpu.memref_slice %arg6[%dma_wait3A_481, %dma_wait3A_482, %dma_wait3A_484, %dma_wait3A_485] : memref<7x2x64x128xf32, #tpu.memory_space<vmem>> -> memref<1x1x64x128xf32, #tpu.memory_space<vmem>>
        %dma_wait3A_487 = tpu.memref_squeeze %dma_wait3A_486 : memref<1x1x64x128xf32, #tpu.memory_space<vmem>> -> memref<64x128xf32, #tpu.memory_space<vmem>>
        %dma_wait3A_488 = arith.constant 0 : i32
        %dma_wait3A_489 = arith.constant 0 : i32
        %dma_wait3A_490 = tpu.memref_slice %arg3[%dma_wait3A_488, %dma_wait3A_489] : memref<64x1000001xf32, #tpu.memory_space<hbm>> -> memref<64x128xf32, #tpu.memory_space<hbm>>
        %dma_wait3A_491 = tpu.memref_slice %arg8[%dma_wait3A_483] : memref<7x!tpu.dma_semaphore, #tpu.memory_space<semaphore_mem>> -> memref<1x!tpu.dma_semaphore, #tpu.memory_space<semaphore_mem>>
        %dma_wait3A_492 = tpu.memref_squeeze %dma_wait3A_491 : memref<1x!tpu.dma_semaphore, #tpu.memory_space<semaphore_mem>> -> memref<!tpu.dma_semaphore, #tpu.memory_space<semaphore_mem>>
        %dma_wait3A_493 = arith.constant 0 : i32
        %dma_wait3A_494 = arith.constant 0 : i32
        %dma_wait3A_495 = tpu.memref_slice %arg6[%dma_wait3A_481, %dma_wait3A_482, %dma_wait3A_493, %dma_wait3A_494] : memref<7x2x64x128xf32, #tpu.memory_space<vmem>> -> memref<1x1x64x128xf32, #tpu.memory_space<vmem>>
        %dma_wait3A_496 = tpu.memref_squeeze %dma_wait3A_495 : memref<1x1x64x128xf32, #tpu.memory_space<vmem>> -> memref<64x128xf32, #tpu.memory_space<vmem>>
        %dma_wait3A_497 = arith.constant 0 : i32
        %dma_wait3A_498 = arith.constant 0 : i32
        %dma_wait3A_499 = tpu.memref_slice %arg3[%dma_wait3A_497, %dma_wait3A_498] : memref<64x1000001xf32, #tpu.memory_space<hbm>> -> memref<64x128xf32, #tpu.memory_space<hbm>>
        tpu.wait_dma2 semaphore(%dma_wait3A_492 : memref<!tpu.dma_semaphore, #tpu.memory_space<semaphore_mem>>) src(%dma_wait3A_499 : memref<64x128xf32, #tpu.memory_space<hbm>>) dst(%dma_wait3A_496 : memref<64x128xf32, #tpu.memory_space<vmem>>)
        %and3A_500 = arith.constant 127 : i32
        %and3A_501 = arith.andi %squeeze3A_480, %and3A_500 : i32
        %broadcast_in_dim3A_502 = vector.broadcast %and3A_501 : i32 to vector<16xi32>
        %rem3A_503 = arith.constant 64 : i32
        %rem3A_504 = arith.remsi %add3A_403, %rem3A_503 : i32
        %mul3A_505 = arith.constant 2 : i32
        %mul3A_506 = arith.muli %rem3A_504, %mul3A_505 : i32
        %add3A_507 = arith.constant 1 : i32
        %add3A_508 = arith.addi %mul3A_506, %add3A_507 : i32
        %broadcast_in_dim3A_509 = vector.broadcast %add3A_508 : i32 to vector<16xi32>
        %add3A_510 = arith.constant 0 : i32
        %add3A_511 = vector.broadcast %add3A_510 : i32 to vector<16xi32>
        %add3A_512 = arith.addi %iota3A, %add3A_511 : vector<16xi32>
        %gather3A_513 = arith.constant 6 : i32
        %gather3A_514 = arith.constant 1 : i32
        %gather3A_515 = arith.constant 0 : i32
        %gather3A_516 = arith.constant 0 : i32
        %gather3A_517 = tpu.memref_slice %arg6[%gather3A_513, %gather3A_514, %gather3A_515, %gather3A_516] : memref<7x2x64x128xf32, #tpu.memory_space<vmem>> -> memref<1x1x64x128xf32, #tpu.memory_space<vmem>>
        %gather3A_518 = tpu.memref_squeeze %gather3A_517 : memref<1x1x64x128xf32, #tpu.memory_space<vmem>> -> memref<64x128xf32, #tpu.memory_space<vmem>>
        %gather3A_519 = tpu.vector_load_idx %gather3A_518[%add3A_512, %broadcast_in_dim3A_502] : memref<64x128xf32, #tpu.memory_space<vmem>>[vector<16xi32>, vector<16xi32>], vector<16xf32>,
        tpu.vector_store_idx %arg7[%add3A_512, %broadcast_in_dim3A_509], %gather3A_519 : memref<64x128xf32, #tpu.memory_space<vmem>>[vector<16xi32>, vector<16xi32>], vector<16xf32>,
        %add3A_520 = arith.constant 16 : i32
        %add3A_521 = vector.broadcast %add3A_520 : i32 to vector<16xi32>
        %add3A_522 = arith.addi %iota3A, %add3A_521 : vector<16xi32>
        %gather3A_523 = arith.constant 6 : i32
        %gather3A_524 = arith.constant 1 : i32
        %gather3A_525 = arith.constant 0 : i32
        %gather3A_526 = arith.constant 0 : i32
        %gather3A_527 = tpu.memref_slice %arg6[%gather3A_523, %gather3A_524, %gather3A_525, %gather3A_526] : memref<7x2x64x128xf32, #tpu.memory_space<vmem>> -> memref<1x1x64x128xf32, #tpu.memory_space<vmem>>
        %gather3A_528 = tpu.memref_squeeze %gather3A_527 : memref<1x1x64x128xf32, #tpu.memory_space<vmem>> -> memref<64x128xf32, #tpu.memory_space<vmem>>
        %gather3A_529 = tpu.vector_load_idx %gather3A_528[%add3A_522, %broadcast_in_dim3A_502] : memref<64x128xf32, #tpu.memory_space<vmem>>[vector<16xi32>, vector<16xi32>], vector<16xf32>,
        tpu.vector_store_idx %arg7[%add3A_522, %broadcast_in_dim3A_509], %gather3A_529 : memref<64x128xf32, #tpu.memory_space<vmem>>[vector<16xi32>, vector<16xi32>], vector<16xf32>,
        %add3A_530 = arith.constant 32 : i32
        %add3A_531 = vector.broadcast %add3A_530 : i32 to vector<16xi32>
        %add3A_532 = arith.addi %iota3A, %add3A_531 : vector<16xi32>
        %gather3A_533 = arith.constant 6 : i32
        %gather3A_534 = arith.constant 1 : i32
        %gather3A_535 = arith.constant 0 : i32
        %gather3A_536 = arith.constant 0 : i32
        %gather3A_537 = tpu.memref_slice %arg6[%gather3A_533, %gather3A_534, %gather3A_535, %gather3A_536] : memref<7x2x64x128xf32, #tpu.memory_space<vmem>> -> memref<1x1x64x128xf32, #tpu.memory_space<vmem>>
        %gather3A_538 = tpu.memref_squeeze %gather3A_537 : memref<1x1x64x128xf32, #tpu.memory_space<vmem>> -> memref<64x128xf32, #tpu.memory_space<vmem>>
        %gather3A_539 = tpu.vector_load_idx %gather3A_538[%add3A_532, %broadcast_in_dim3A_502] : memref<64x128xf32, #tpu.memory_space<vmem>>[vector<16xi32>, vector<16xi32>], vector<16xf32>,
        tpu.vector_store_idx %arg7[%add3A_532, %broadcast_in_dim3A_509], %gather3A_539 : memref<64x128xf32, #tpu.memory_space<vmem>>[vector<16xi32>, vector<16xi32>], vector<16xf32>,
        %add3A_540 = arith.constant 48 : i32
        %add3A_541 = vector.broadcast %add3A_540 : i32 to vector<16xi32>
        %add3A_542 = arith.addi %iota3A, %add3A_541 : vector<16xi32>
        %gather3A_543 = arith.constant 6 : i32
        %gather3A_544 = arith.constant 1 : i32
        %gather3A_545 = arith.constant 0 : i32
        %gather3A_546 = arith.constant 0 : i32
        %gather3A_547 = tpu.memref_slice %arg6[%gather3A_543, %gather3A_544, %gather3A_545, %gather3A_546] : memref<7x2x64x128xf32, #tpu.memory_space<vmem>> -> memref<1x1x64x128xf32, #tpu.memory_space<vmem>>
        %gather3A_548 = tpu.memref_squeeze %gather3A_547 : memref<1x1x64x128xf32, #tpu.memory_space<vmem>> -> memref<64x128xf32, #tpu.memory_space<vmem>>
        %gather3A_549 = tpu.vector_load_idx %gather3A_548[%add3A_542, %broadcast_in_dim3A_502] : memref<64x128xf32, #tpu.memory_space<vmem>>[vector<16xi32>, vector<16xi32>], vector<16xf32>,
        tpu.vector_store_idx %arg7[%add3A_542, %broadcast_in_dim3A_509], %gather3A_549 : memref<64x128xf32, #tpu.memory_space<vmem>>[vector<16xi32>, vector<16xi32>], vector<16xf32>,
        %add3A_550 = arith.constant 7 : i32
        %add3A_551 = arith.addi %add3A_403, %add3A_550 : i32
        %lt3A_552 = arith.constant 256 : i32
        %lt3A_553 = arith.cmpi slt, %add3A_551, %lt3A_552 : i32
        %convert_element_type3A_554 = arith.extui %lt3A_553 : i1 to i32
        %cond3A_555 = arith.constant 0 : i32
        %cond3A_556 = arith.cmpi ne, %convert_element_type3A_554, %cond3A_555 : i32
        scf.if %cond3A_556 {
          %add3A_565 = arith.constant 7 : i32
          %add3A_566 = arith.addi %add3A_403, %add3A_565 : i32
          %mul3A_567 = arith.constant 2 : i32
          %mul3A_568 = arith.muli %add3A_566, %mul3A_567 : i32
          %get3A_569 = arith.index_cast %mul3A_568 : i32 to index
          %get3A_570 = tpu.vector_load %arg5[%get3A_569] {strides = array<i32>} : memref<528xi32, #tpu.memory_space<vmem>>, vector<16xi32>,
          %slice3A_571 = vector.extract_strided_slice %get3A_570 {offsets = [0], sizes = [1], strides = [1]} : vector<16xi32> to vector<1xi32>
          %squeeze3A_572 = vector.extract %slice3A_571[0] : i32 from vector<1xi32>
          %shift_right_arithmetic3A_573 = arith.constant 7 : i32
          %shift_right_arithmetic3A_574 = arith.shrsi %squeeze3A_572, %shift_right_arithmetic3A_573 : i32
          %shift_left3A_575 = arith.constant 7 : i32
          %shift_left3A_576 = arith.shli %shift_right_arithmetic3A_574, %shift_left3A_575 : i32
          %multiple_of3A_577 = tpu.assume_multiple %shift_left3A_576, 128 : i32
          %dma_start3A_578 = arith.constant 6 : i32
          %dma_start3A_579 = arith.constant 0 : i32
          %dma_start3A_580 = arith.constant 6 : i32
          %dma_start3A_581 = arith.constant 0 : i32
          %dma_start3A_582 = arith.constant 0 : i32
          %dma_start3A_583 = tpu.memref_slice %arg6[%dma_start3A_578, %dma_start3A_579, %dma_start3A_581, %dma_start3A_582] : memref<7x2x64x128xf32, #tpu.memory_space<vmem>> -> memref<1x1x64x128xf32, #tpu.memory_space<vmem>>
          %dma_start3A_584 = tpu.memref_squeeze %dma_start3A_583 : memref<1x1x64x128xf32, #tpu.memory_space<vmem>> -> memref<64x128xf32, #tpu.memory_space<vmem>>
          %dma_start3A_585 = arith.constant 0 : i32
          %dma_start3A_586 = tpu.memref_slice %arg3[%dma_start3A_585, %multiple_of3A_577] : memref<64x1000001xf32, #tpu.memory_space<hbm>> -> memref<64x128xf32, #tpu.memory_space<hbm>>
          %dma_start3A_587 = tpu.memref_slice %arg8[%dma_start3A_580] : memref<7x!tpu.dma_semaphore, #tpu.memory_space<semaphore_mem>> -> memref<1x!tpu.dma_semaphore, #tpu.memory_space<semaphore_mem>>
          %dma_start3A_588 = tpu.memref_squeeze %dma_start3A_587 : memref<1x!tpu.dma_semaphore, #tpu.memory_space<semaphore_mem>> -> memref<!tpu.dma_semaphore, #tpu.memory_space<semaphore_mem>>
          %dma_start3A_589 = arith.constant 0 : i32
          %dma_start3A_590 = arith.constant 0 : i32
          %dma_start3A_591 = tpu.memref_slice %arg6[%dma_start3A_578, %dma_start3A_579, %dma_start3A_589, %dma_start3A_590] : memref<7x2x64x128xf32, #tpu.memory_space<vmem>> -> memref<1x1x64x128xf32, #tpu.memory_space<vmem>>
          %dma_start3A_592 = tpu.memref_squeeze %dma_start3A_591 : memref<1x1x64x128xf32, #tpu.memory_space<vmem>> -> memref<64x128xf32, #tpu.memory_space<vmem>>
          %dma_start3A_593 = arith.constant 0 : i32
          %dma_start3A_594 = tpu.memref_slice %arg3[%dma_start3A_593, %multiple_of3A_577] : memref<64x1000001xf32, #tpu.memory_space<hbm>> -> memref<64x128xf32, #tpu.memory_space<hbm>>
          tpu.enqueue_dma source(%dma_start3A_594 : memref<64x128xf32, #tpu.memory_space<hbm>>) target(%dma_start3A_592 : memref<64x128xf32, #tpu.memory_space<vmem>>) target_semaphore(%dma_start3A_588 : memref<!tpu.dma_semaphore, #tpu.memory_space<semaphore_mem>>)
          %slice3A_595 = vector.extract_strided_slice %get3A_570 {offsets = [1], sizes = [1], strides = [1]} : vector<16xi32> to vector<1xi32>
          %squeeze3A_596 = vector.extract %slice3A_595[0] : i32 from vector<1xi32>
          %shift_right_arithmetic3A_597 = arith.constant 7 : i32
          %shift_right_arithmetic3A_598 = arith.shrsi %squeeze3A_596, %shift_right_arithmetic3A_597 : i32
          %shift_left3A_599 = arith.constant 7 : i32
          %shift_left3A_600 = arith.shli %shift_right_arithmetic3A_598, %shift_left3A_599 : i32
          %multiple_of3A_601 = tpu.assume_multiple %shift_left3A_600, 128 : i32
          %dma_start3A_602 = arith.constant 6 : i32
          %dma_start3A_603 = arith.constant 1 : i32
          %dma_start3A_604 = arith.constant 6 : i32
          %dma_start3A_605 = arith.constant 0 : i32
          %dma_start3A_606 = arith.constant 0 : i32
          %dma_start3A_607 = tpu.memref_slice %arg6[%dma_start3A_602, %dma_start3A_603, %dma_start3A_605, %dma_start3A_606] : memref<7x2x64x128xf32, #tpu.memory_space<vmem>> -> memref<1x1x64x128xf32, #tpu.memory_space<vmem>>
          %dma_start3A_608 = tpu.memref_squeeze %dma_start3A_607 : memref<1x1x64x128xf32, #tpu.memory_space<vmem>> -> memref<64x128xf32, #tpu.memory_space<vmem>>
          %dma_start3A_609 = arith.constant 0 : i32
          %dma_start3A_610 = tpu.memref_slice %arg3[%dma_start3A_609, %multiple_of3A_601] : memref<64x1000001xf32, #tpu.memory_space<hbm>> -> memref<64x128xf32, #tpu.memory_space<hbm>>
          %dma_start3A_611 = tpu.memref_slice %arg8[%dma_start3A_604] : memref<7x!tpu.dma_semaphore, #tpu.memory_space<semaphore_mem>> -> memref<1x!tpu.dma_semaphore, #tpu.memory_space<semaphore_mem>>
          %dma_start3A_612 = tpu.memref_squeeze %dma_start3A_611 : memref<1x!tpu.dma_semaphore, #tpu.memory_space<semaphore_mem>> -> memref<!tpu.dma_semaphore, #tpu.memory_space<semaphore_mem>>
          %dma_start3A_613 = arith.constant 0 : i32
          %dma_start3A_614 = arith.constant 0 : i32
          %dma_start3A_615 = tpu.memref_slice %arg6[%dma_start3A_602, %dma_start3A_603, %dma_start3A_613, %dma_start3A_614] : memref<7x2x64x128xf32, #tpu.memory_space<vmem>> -> memref<1x1x64x128xf32, #tpu.memory_space<vmem>>
          %dma_start3A_616 = tpu.memref_squeeze %dma_start3A_615 : memref<1x1x64x128xf32, #tpu.memory_space<vmem>> -> memref<64x128xf32, #tpu.memory_space<vmem>>
          %dma_start3A_617 = arith.constant 0 : i32
          %dma_start3A_618 = tpu.memref_slice %arg3[%dma_start3A_617, %multiple_of3A_601] : memref<64x1000001xf32, #tpu.memory_space<hbm>> -> memref<64x128xf32, #tpu.memory_space<hbm>>
          tpu.enqueue_dma source(%dma_start3A_618 : memref<64x128xf32, #tpu.memory_space<hbm>>) target(%dma_start3A_616 : memref<64x128xf32, #tpu.memory_space<vmem>>) target_semaphore(%dma_start3A_612 : memref<!tpu.dma_semaphore, #tpu.memory_space<semaphore_mem>>)
        } else {
        }
        %add3A_557 = arith.constant 1 : i32
        %add3A_558 = arith.addi %add3A_403, %add3A_557 : i32
        %rem3A_559 = arith.constant 64 : i32
        %rem3A_560 = arith.remsi %add3A_558, %rem3A_559 : i32
        %eq3A = arith.constant 0 : i32
        %eq3A_561 = arith.cmpi eq, %rem3A_560, %eq3A : i32
        %convert_element_type3A_562 = arith.extui %eq3A_561 : i1 to i32
        %cond3A_563 = arith.constant 0 : i32
        %cond3A_564 = arith.cmpi ne, %convert_element_type3A_562, %cond3A_563 : i32
        scf.if %cond3A_564 {
          %mul3A_565 = arith.constant 512 : i32
          %mul3A_566 = arith.muli %add3A, %mul3A_565 : i32
          %add3A_567 = arith.constant 1 : i32
          %add3A_568 = arith.addi %add3A_403, %add3A_567 : i32
          %mul3A_569 = arith.constant 2 : i32
          %mul3A_570 = arith.muli %add3A_568, %mul3A_569 : i32
          %add3A_571 = arith.addi %mul3A_566, %mul3A_570 : i32
          %sub3A = arith.constant 128 : i32
          %sub3A_572 = arith.subi %add3A_571, %sub3A : i32
          %multiple_of3A_573 = tpu.assume_multiple %sub3A_572, 128 : i32
          "tpu.region"() ({
            %run_scoped3A = tpu.sem_alloc : memref<!tpu.dma_semaphore, #tpu.memory_space<semaphore_mem>>
            %dma_start3A_574 = arith.constant 0 : i32
            %dma_start3A_575 = tpu.memref_slice %arg4[%dma_start3A_574, %multiple_of3A_573] : memref<64x16384xf32, #tpu.memory_space<hbm>> -> memref<64x128xf32, #tpu.memory_space<hbm>>
            %dma_start3A_576 = arith.constant 0 : i32
            %dma_start3A_577 = tpu.memref_slice %arg4[%dma_start3A_576, %multiple_of3A_573] : memref<64x16384xf32, #tpu.memory_space<hbm>> -> memref<64x128xf32, #tpu.memory_space<hbm>>
            tpu.enqueue_dma source(%arg7 : memref<64x128xf32, #tpu.memory_space<vmem>>) target(%dma_start3A_577 : memref<64x128xf32, #tpu.memory_space<hbm>>) target_semaphore(%run_scoped3A : memref<!tpu.dma_semaphore, #tpu.memory_space<semaphore_mem>>)
            %dma_wait3A_578 = arith.constant 0 : i32
            %dma_wait3A_579 = tpu.memref_slice %arg4[%dma_wait3A_578, %multiple_of3A_573] : memref<64x16384xf32, #tpu.memory_space<hbm>> -> memref<64x128xf32, #tpu.memory_space<hbm>>
            %dma_wait3A_580 = arith.constant 0 : i32
            %dma_wait3A_581 = tpu.memref_slice %arg4[%dma_wait3A_580, %multiple_of3A_573] : memref<64x16384xf32, #tpu.memory_space<hbm>> -> memref<64x128xf32, #tpu.memory_space<hbm>>
            tpu.wait_dma2 semaphore(%run_scoped3A : memref<!tpu.dma_semaphore, #tpu.memory_space<semaphore_mem>>) src(%arg7 : memref<64x128xf32, #tpu.memory_space<vmem>>) dst(%dma_wait3A_581 : memref<64x128xf32, #tpu.memory_space<hbm>>)
            tpu.yield
          }) : () -> ()
        } else {
        }
      } else {
      }
    }
    %scan3A_347 = arith.constant 37 : i32
    return
  }
}

</mosaic_0001>

<sc_bundles>
// kernel: kernel.3.cloned.1.call-start
scs
__scs_entry_jumppad:
0x0: {  	(pc) =	sbr.rel $0x88, $3  }
0x1: {  	(tag) =	ssettag $0x0;
	lr =	simm.s32 $0x1  }
0x2: {  	[smem:$0x3F9F] =	sst lr;
	_ =	strace $0xD0000000  }
0x3: {  	_ = 	snop  }
0x4: {  	_ = 	snop  }
0x5: {  	_ = 	snop  }
0x6: {  	_ = 	snop  }
0x7: {  	_ = 	snop  }
__scs_overlays_trampoline_lowered:
0x8: {  	[smem:$0x3FAE] =	sst s0  }
0x9: {  	[smem:$0x3FAF] =	sst s1  }
0xa: {  	[smem:$0x3FB0] =	sst s2  }
0xb: {  	[smem:$0x3FB1] =	sst s3  }
0xc: {  	[smem:$0x3FB2] =	sst s4  }
0xd: {  	[smem:$0x3FB3] =	sst s5  }
0xe: {  	[smem:$0x3FB4] =	sst s6  }
0xf: {  	[smem:$0x3FB5] =	sst s7  }
0x10: {  	[smem:$0x3FB6] =	sst s8  }
0x11: {  	[smem:$0x3FB7] =	sst s9;
	s0 =	simm.s32 @!p0 $0x0  }
0x12: {  	s1 =	sld [smem:$0x3F9D];
	s0 =	simm.s32 @p0 $0x1  }
0x13: {  	[smem:$0x3FB8] =	sst s0;
	s0 =	simm.s32 @!p1 $0x0  }
0x14: {  	s2 =	sld [smem:$0x3F9C];
	s0 =	simm.s32 @p1 $0x1  }
0x15: {  	[smem:$0x3FB9] =	sst s0;
	s0 =	simm.s32 @!p2 $0x0  }
0x16: {  	s3 =	sld [smem:$0x3FDB];
	s0 =	simm.s32 @p2 $0x1  }
0x17: {  	s4 =	simm.s32 $0x1BF5;
	[smem:$0x3FBB] =	sst s0  }
0x18: {  	s0 =	sld [smem:$0x3F9E];
	_ =	swait.ge [sflag:s4], $0x0  }
0x19: {  	s7 =	sld [smem:$0x3F9F]  }
0x1a: {  	s8 =	sadd.s32 $0xFFFFE003, lr  }
0x1b: {  	s9 =	sadd.s32 $0xFFFFFEF7, lr;
	s5 =	simm.s32 $0xFFFFFFFF;
	p2 =	slt.u32 s8, $0xFFFFF086  }
0x1c: {  	p1 =	slt.u32 s9, $0xF7A;
	s5 =	simm.s32 @!p2 $0x0  }
0x1d: {  	s5 =	simm.s32 @p1 $0x1;
	p0 =	seq.s32 s7, s2  }
0x1e: {  	s7 =	smul.u32 @!p0 $0xF7A, s2;
	p2 =	seq.s32 @!p0 s5, $0x0  }
0x1f: {  	s9 =	smul.u32 $0xF7A, s1;
	s8 =	simm.s32 @!p0 $0x1BF5;
	p2 =	por !p2, p0  }
0x20: {  	[sflag:s8] =	ssyncset.s32 @!p0 $0xFFFFF086;
	s6 =	sadd.s32 @!p0 s3, s7;
	s7 =	simm.s32 @!p0 $0x108  }
0x21: {  	s3 =	sadd.s32 s3, s9;
	s6 =	sadd.s32 @!p0 $0x88, s6;
	s7 =	simm.s32 @p2 $0x1082  }
0x22: {  	[simem:s7], [sflag:s8] =	dma.local @!p0 [hbm:s6], $0xF7A  }
0x23: {  	s9 =	sor.u32 $0xD0000000, s2;
	s6 =	simm.s32 $0x108;
	_ =	swait.ge @!p0 [sflag:s8], $0x0  }
0x24: {  	s3 =	sadd.s32 $0x88, s3;
	s6 =	simm.s32 @!p1 $0x1082;
	[sflag:s4] =	ssyncset.s32 $0xFFFFF086  }
0x25: {  	[simem:s6], [sflag:s4] =	dma.local [hbm:s3], $0xF7A  }
0x26: {  	[smem:$0x3F9F] =	sst s1;
	(tag) =	ssettag s2;
	_ =	strace s9  }
0x27: {  	s1 =	sld [smem:$0x3FAF]  }
0x28: {  	s2 =	sld [smem:$0x3FB0]  }
0x29: {  	s4 =	sld [smem:$0x3FB2]  }
0x2a: {  	p0 =	seq.s32 s5, $0x0;
	s5 =	sld [smem:$0x3FB3]  }
0x2b: {  	s6 =	sld [smem:$0x3FB4]  }
0x2c: {  	s7 =	sld [smem:$0x3FB5]  }
0x2d: {  	s3 =	simm.s32 $0x108;
	s8 =	sld [smem:$0x3FB6]  }
0x2e: {  	s3 =	simm.s32 @!p0 $0x1082;
	s9 =	sld [smem:$0x3FB7]  }
0x2f: {  	lr =	sadd.s32 s0, s3;
	s0 =	sld [smem:$0x3FAE]  }
0x30: {  	s3 =	sld [smem:$0x3FB1]  }
0x31: {  	[smem:$0x3FBA] =	sst s10  }
0x32: {  	s10 =	sld [smem:$0x3FB8];
	_ =	sdelay $0x3  }
0x33: {  	p0 =	seq.s32 s10, $0x1;
	s10 =	sld [smem:$0x3FBA];
	_ =	sdelay $0x3  }
0x34: {  	[smem:$0x3FBA] =	sst s10  }
0x35: {  	s10 =	sld [smem:$0x3FB9];
	_ =	sdelay $0x3  }
0x36: {  	p1 =	seq.s32 s10, $0x1;
	s10 =	sld [smem:$0x3FBA];
	_ =	sdelay $0x3  }
0x37: {  	[smem:$0x3FBA] =	sst s10  }
0x38: {  	s10 =	sld [smem:$0x3FBB]  }
0x39: {  	_ = 	snop;
	(pc) =	sbr.ind lr, $3  }
0x3a: {  	_ = 	snop  }
0x3b: {  	_ = 	snop  }
0x3c: {  	p2 =	seq.s32 s10, $0x1;
	s10 =	sld [smem:$0x3FBA]  }
0x3d: {  	_ =	shalt  }
0x3e: {  	_ =	shalt  }
0x3f: {  	_ =	shalt  }
0x40: {  	_ =	shalt  }
0x41: {  	_ =	shalt  }
0x42: {  	_ =	shalt  }
0x43: {  	_ =	shalt  }
0x44: {  	_ =	shalt  }
0x45: {  	_ =	shalt  }
0x46: {  	_ =	shalt  }
0x47: {  	_ =	shalt  }
0x48: {  	_ =	shalt  }
0x49: {  	_ =	shalt  }
0x4a: {  	_ =	shalt  }
0x4b: {  	_ =	shalt  }
0x4c: {  	_ =	shalt  }
0x4d: {  	_ =	shalt  }
0x4e: {  	_ =	shalt  }
0x4f: {  	_ =	shalt  }
0x50: {  	_ =	shalt  }
0x51: {  	_ =	shalt  }
0x52: {  	_ =	shalt  }
0x53: {  	_ =	shalt  }
0x54: {  	_ =	shalt  }
0x55: {  	_ =	shalt  }
0x56: {  	_ =	shalt  }
0x57: {  	_ =	shalt  }
0x58: {  	_ =	shalt  }
0x59: {  	_ =	shalt  }
0x5a: {  	_ =	shalt  }
0x5b: {  	_ =	shalt  }
0x5c: {  	_ =	shalt  }
0x5d: {  	_ =	shalt  }
0x5e: {  	_ =	shalt  }
0x5f: {  	_ =	shalt  }
0x60: {  	_ =	shalt  }
0x61: {  	_ =	shalt  }
0x62: {  	_ =	shalt  }
0x63: {  	_ =	shalt  }
0x64: {  	_ =	shalt  }
0x65: {  	_ =	shalt  }
0x66: {  	_ =	shalt  }
0x67: {  	_ =	shalt  }
0x68: {  	_ =	shalt  }
0x69: {  	_ =	shalt  }
0x6a: {  	_ =	shalt  }
0x6b: {  	_ =	shalt  }
0x6c: {  	_ =	shalt  }
0x6d: {  	_ =	shalt  }
0x6e: {  	_ =	shalt  }
0x6f: {  	_ =	shalt  }
0x70: {  	_ =	shalt  }
0x71: {  	_ =	shalt  }
0x72: {  	_ =	shalt  }
0x73: {  	_ =	shalt  }
0x74: {  	_ =	shalt  }
0x75: {  	_ =	shalt  }
0x76: {  	_ =	shalt  }
0x77: {  	_ =	shalt  }
0x78: {  	_ =	shalt  }
0x79: {  	_ =	shalt  }
0x7a: {  	_ =	shalt  }
0x7b: {  	_ =	shalt  }
0x7c: {  	_ =	shalt  }
0x7d: {  	_ =	shalt  }
0x7e: {  	_ =	shalt  }
0x7f: {  	_ =	shalt  }
0x80: {  	_ =	shalt  }
0x81: {  	_ =	shalt  }
0x82: {  	_ =	shalt  }
0x83: {  	_ =	shalt  }
0x84: {  	_ =	shalt  }
0x85: {  	_ =	shalt  }
0x86: {  	_ =	shalt  }
0x87: {  	_ =	shalt  }
.Lfunc_end0:
.L_simem_size_0:
called_computation_lowered:
.L_overlay_start_0:
0x88: {  	s2 =	sld [smem:$0x3FD9]  }
0x89: {  	s3 =	sld [smem:$0x3FFE];
	_ =	sdelay $0x1  }
0x8a: {  	s1 =	srdreg.scid  }
0x8b: {  	s0 =	sand.u32 $0x1, s1  }
0x8c: {  	s17 =	sshll.u32 s0, $0xA;
	s2 =	sadd.s32 s3, s2  }
0x8d: {  	s2 =	sadd.s32 s2, s17  }
0x8e: {  	[smem:$0x3FC6] =	sst s2  }
0x8f: {  	_ = 	snop  }
0x90: {  	s2 =	sld [smem:$0x3FC8]  }
0x91: {  	s18 =	sld [smem:$0x3FD0];
	(tm) =	ssettm $0x1  }
0x92: {  	s4 =	sld [smem:$0x3FFB];
	_ =	sdelay $0x3  }
0x93: {  	_ =	strace s4  }
0x94: {  	s4 =	sld [smem:$0x3FFC];
	_ =	sdelay $0x3  }
0x95: {  	_ =	strace s4  }
0x96: {  	s4 =	sld [smem:$0x3FFD];
	_ =	sdelay $0x3  }
0x97: {  	_ =	strace s4  }
0x98: {  	_ =	strace $0x8FFFFFFF  }
0x99: {  	s19 =	sld [smem:$0x3FDB];
	_ =	sdelay $0x1  }
0x9a: {  	s5 =	simm.s32 $_scs_section_size  }
0x9b: {  	s6 =	simm.s32 $_size__tile_overlayer_lowered;
	s7 =	simm.s32 $_tile_overlayer_lowered  }
0x9c: {  	s22 =	simm.s32 $0x1BFF;
	s21 =	sshll.u32 s7, $0x1;
	s4 =	sadd.s32 s5, s19  }
0x9d: {  	s8 =	simm.s32 $0x0;
	s20 =	sshll.u32 s6, $0x1;
	s6 =	sadd.s32 s21, s4  }
0x9e: {  	[timem:s8], [sflag:s22] =	dma.local [hbm:s6], s20  }
0x9f: {  	_ =	swait.ge [sflag:s22], s20  }
0xa0: {  	s5 =	ssub.s32 $0x0, s20;
	[sflag:s22] =	ssyncset.done $0x0  }
0xa1: {  	[sflag:s22] =	ssyncadd.s32 s5;
	_ =	sdelay $0x1  }
0xa2: {  	s23 =	simm.s32 $0x1B8B  }
0xa3: {  	_ =	swait.ge [sflag:s23], $0x1  }
0xa4: {  	[sflag:s23] =	ssyncset.done $0x0  }
0xa5: {  	s25 =	simm.s32 $0x1B8E;
	s24 =	sld [smem:$0x3FFE];
	[sflag:s23] =	ssyncadd.s32 $0xFFFFFFFF  }
0xa6: {  	s26 =	simm.s32 $execute0_lowered;
	[smem:$0x3FD2] =	sst s25  }
0xa7: {  	s6 =	sshll.u32 s26, $0x1;
	_ =	strace $0x80000046;
	[dreg:$0x1] =	wrdreg $0xFFFFFFFF  }
0xa8: {  	s28 =	simm.s32 $_size_execute0_lowered;
	s4 =	sadd.s32 s4, s6;
	[dreg:$0x0] =	wrdreg $0x0  }
0xa9: {  	s6 =	sshll.u32 s28, $0x1;
	[dreg:$0x2] =	wrdreg s4  }
0xaa: {  	[dreg:$0x3] =	wrdreg s6  }
0xab: {  	[dreg:$0x4] =	wrdreg $0xC0  }
0xac: {  	_ =	task [dreg:s8], $0x5FFFF  }
0xad: {  	[dreg:$0x1] =	wrdreg $0xFFFFFFFF  }
0xae: {  	[dreg:$0x0] =	wrdreg $0x60  }
0xaf: {  	[dreg:$0x2] =	wrdreg s24  }
0xb0: {  	[dreg:$0x3] =	wrdreg s2  }
0xb1: {  	[dreg:$0x4] =	wrdreg s18  }
0xb2: {  	[dreg:$0x5] =	wrdreg $0x9  }
0xb3: {  	_ =	task.clear_ibuf [dreg:s8], $0x6FFFF;
	_ =	strace $0x90000046  }
0xb4: {  	s29 =	simm.s32 $0x9;
	_ =	strace $0x80000048  }
0xb5: {  	_ =	swait.ge [sflag:s29], $0x1  }
0xb6: {  	[sflag:s29] =	ssyncadd.s32 $0xFFFFFFFF  }
0xb7: {  	_ =	strace $0x90000048  }
0xb8: {  	_ =	sfence  }
0xb9: {  	s30 =	sld [smem:$0x0];
	_ =	sdelay $0x2  }
0xba: {  	s31 =	sshll.u32 s1, $0xD;
	s1 =	sshrl.u32 s1, $0x2  }
0xbb: {  	s3 =	sand.u32 $0x4000, s31;
	s1 =	sadd.s32 s1, s30  }
0xbc: {  	s0 =	sor.u32 s3, s0;
	s1 =	sshll.u32 s1, $0x11  }
0xbd: {  	s0 =	sor.u32 s1, s0  }
0xbe: {  	s0 =	sadd.s32 $0x8F2B, s0  }
0xbf: {  	[sflag:s0] =	ssyncadd.remote.s32 $0x1  }
0xc0: {  	_ =	sfence.sel $0xFFFF  }
0xc1: {  	[dreg:$0x0] =	wrdreg $0xFFFFFFFF;
	(pc) =	sbr.abs _section_cstart, $3  }
0xc2: {  	[dreg:$0x1] =	wrdreg $0xFFFFFFFF  }
0xc3: {  	_ =	task.clear_ibuf [dreg:s8], $0x2FFFF;
	_ =	strace $0x9FFFFFFF  }
0xc4: {  	(tm) =	ssettm $0x7FFFFFFF  }
0xc5: {  	_ =	shalt  }
tec
execute0_lowered:
.L_overlay_start_1:
0x0: {  	(tag) =	ssettag $0x1  }
0x1: {  	s0 =	rddreg [dreg:$0x0]  }
0x2: {  	s2 =	rddreg [dreg:$0x1];
	s8 =	stileid.u32  }
0x3: {  	s1 =	srdreg.scid;
	s3 =	rddreg [dreg:$0x2];
	s7 =	simm.s32 $0x0  }
0x4: {  	s18 =	simm.s32 $0xA280;
	s19 =	simm.s32 $0xC280;
	s20 =	simm.s32 $0xE280  }
0x5: {  	s15 =	simm.s32 $0x10280;
	s16 =	simm.s32 $0x14280;
	s17 =	simm.s32 $0x18280  }
0x6: {  	s28 =	simm.s32 $0x1;
	s29 =	simm.s32 $0x1C280;
	s30 =	simm.s32 $0x2  }
0x7: {  	s31 =	simm.s32 $0x3;
	s1 =	sand.u32 $0x1, s1;
	s4 =	sshll.u32 s8, $0x1  }
0x8: {  	s5 =	sshll.u32 s8, $0x7;
	[smem:$0x7FF] =	sst s7;
	s24 =	sshll.u32 s8, $0xD  }
0x9: {  	s7 =	simm.s32 $0x7;
	s4 =	sor.u32 s1, s4;
	s5 =	sand.u32 $0x600, s5  }
0xa: {  	s21 =	ssub.s32 $0x2, s1;
	_ =	strace $0x80000047;
	s1 =	sshll.u32 s1, $0xC  }
0xb: {  	s6 =	sshll.u32 s4, $0x4;
	s0 =	sadd.s32 s5, s0;
	s22 =	sshrl.u32 s21, $0x1  }
0xc: {  	s23 =	sshll.u32 s4, $0xC;
	s26 =	sor.u32 s1, s24;
	s24 =	simm.s32 $0x12280  }
0xd: {  	s1 =	simm.s32 $0x4;
	s6 =	sand.u32 $0x70, s6;
	s5 =	ssub.s32 s21, s22  }
.Ltmp0:
0xe: {  	s0 =	sadd.s32 s6, s0;
	s25 =	smax.u32 s5, $0x1;
	(pc) =	sbr.rel .LBB2_1-.Ltmp0, $4  }
0xf: {  	v0 =	vlaneseq.u32;
	s4 =	simm.s32 $0x5;
	s0 =	sadd.s32 $0x400, s0;
	[dreg:$0x6] =	wrdreg s25  }
0x10: {  	v0 =	vmul.u32 $0x80, v0;
	s5 =	simm.s32 $0x6;
	[dreg:$0x4] =	wrdreg s0;
	s0 =	sadd.s32 $0xFFFFFC00, s23  }
0x11: {  	s6 =	simm.s32 $0x0;
	[dreg:$0x5] =	wrdreg s0;
	s0 =	sadd.s32 $0xFFFFFC10, s26  }
0x12: {  	v1 =	vor.u32 $0x800, v0;
	v2 =	vor.u32 $0x1000, v0;
	v3 =	vor.u32 $0x1800, v0;
	s25 =	simm.s32 $0x16280;
	s26 =	simm.s32 $0x1A280;
	[dreg:$0x7] =	wrdreg s0  }
.LBB2_5:
0x13: {  	s6 =	rddreg [dreg:$0x8]  }
0x14: {  	s0 =	rddreg [dreg:$0x6];
	s6 =	sadd.s32 $0x1, s6  }
0x15: {  	p0 =	sne.s32 s6, s0  }
.Ltmp1:
0x16: {  	_ = 	snop;
	(pc) =	sbr.rel @!p0 .LBB2_6-.Ltmp1, $1  }
0x17: {  	_ =	sdelay $0x3  }
.LBB2_1:
0x18: {  	[dreg:$0x8] =	wrdreg s6  }
0x19: {  	s0 =	simm.s32 $0x0;
	s14 =	rddreg [dreg:$0x4]  }
0x1a: {  	s8 =	simm.s32 $0x80;
	s9 =	simm.s32 $0x400;
	s21 =	simm.s32 $0x8  }
0x1b: {  	[tilespmem:s0], [sflag:$0x8] =	stream.strided.gather [hbm4b:s14+s8], $0x200, s9, s8, $0x38;
	[tilespmem:$0x1E280] =	vst v63  }
0x1c: {  	_ =	swait.ge [sflag:s21], $0x200  }
0x1d: {  	[sflag:s21] =	ssyncset.done $0x0  }
0x1e: {  	[sflag:s21] =	ssyncadd.s32 $0xFFFFFE00  }
0x1f: {  	v4 =	vld [tilespmem:$0x0];
	_ =	sdelay $0x4  }
0x20: {  	(v2sf) =	vpush v4, $0x0;
	_ =	sdelay $0x1  }
0x21: {  	(v2sf) =	vpush v4, $0x1;
	_ =	sdelay $0xc  }
0x22: {  	s22 =	spop (v2sf)  }
0x23: {  	s6 =	simm.s32 $0x7A1400;
	s0 =	sand.u32 $0xFFFFF80, s22  }
0x24: {  	s23 =	simm.s32 $0x280;
	s10 =	spop (v2sf);
	s0 =	sadd.s32 s2, s0  }
0x25: {  	[tilespmem:s23], [sflag:$0x1] =	stream.strided.gather [hbm4b:s0+s9], $0x2000, s6, s9, $0x38;
	[tilespmem:$0x1E280] =	vst v63  }
0x26: {  	s0 =	sand.u32 $0xFFFFF80, s10  }
0x27: {  	s11 =	simm.s32 $0x2280;
	s0 =	sadd.s32 s2, s0  }
0x28: {  	[tilespmem:s11], [sflag:$0x1] =	stream.strided.gather [hbm4b:s0+s9], $0x2000, s6, s9, $0x38;
	[tilespmem:$0x1E280] =	vst v63  }
0x29: {  	v4 =	vld [tilespmem:$0x2];
	_ =	sdelay $0x4  }
0x2a: {  	(v2sf) =	vpush v4, $0x0;
	_ =	sdelay $0x1  }
0x2b: {  	(v2sf) =	vpush v4, $0x1;
	_ =	sdelay $0xc  }
0x2c: {  	s12 =	spop (v2sf)  }
0x2d: {  	s0 =	sand.u32 $0xFFFFF80, s12  }
0x2e: {  	s13 =	simm.s32 $0x4280;
	s14 =	spop (v2sf);
	s0 =	sadd.s32 s2, s0  }
0x2f: {  	[tilespmem:s13], [sflag:$0x2] =	stream.strided.gather [hbm4b:s0+s9], $0x2000, s6, s9, $0x38;
	[tilespmem:$0x1E280] =	vst v63  }
0x30: {  	s0 =	sand.u32 $0xFFFFF80, s14  }
0x31: {  	s21 =	simm.s32 $0x6280;
	s0 =	sadd.s32 s2, s0  }
0x32: {  	[tilespmem:s21], [sflag:$0x2] =	stream.strided.gather [hbm4b:s0+s9], $0x2000, s6, s9, $0x38;
	[tilespmem:$0x1E280] =	vst v63  }
0x33: {  	v4 =	vld [tilespmem:$0x4];
	_ =	sdelay $0x4  }
0x34: {  	(v2sf) =	vpush v4, $0x0;
	_ =	sdelay $0x1  }
0x35: {  	(v2sf) =	vpush v4, $0x1;
	_ =	sdelay $0xc  }
0x36: {  	s22 =	spop (v2sf)  }
0x37: {  	s0 =	sand.u32 $0xFFFFF80, s22  }
0x38: {  	s23 =	simm.s32 $0x8280;
	s8 =	spop (v2sf);
	s0 =	sadd.s32 s2, s0  }
0x39: {  	[tilespmem:s23], [sflag:$0x3] =	stream.strided.gather [hbm4b:s0+s9], $0x2000, s6, s9, $0x38;
	[tilespmem:$0x1E280] =	vst v63  }
0x3a: {  	s0 =	sand.u32 $0xFFFFF80, s8  }
0x3b: {  	s0 =	sadd.s32 s2, s0  }
0x3c: {  	[tilespmem:s18], [sflag:$0x3] =	stream.strided.gather [hbm4b:s0+s9], $0x2000, s6, s9, $0x38;
	[tilespmem:$0x1E280] =	vst v63  }
0x3d: {  	v4 =	vld [tilespmem:$0x6];
	_ =	sdelay $0x4  }
0x3e: {  	(v2sf) =	vpush v4, $0x0;
	_ =	sdelay $0x1  }
0x3f: {  	(v2sf) =	vpush v4, $0x1;
	_ =	sdelay $0xc  }
0x40: {  	s10 =	spop (v2sf)  }
0x41: {  	s0 =	sand.u32 $0xFFFFF80, s10  }
0x42: {  	s11 =	spop (v2sf);
	s0 =	sadd.s32 s2, s0  }
0x43: {  	[tilespmem:s19], [sflag:$0x4] =	stream.strided.gather [hbm4b:s0+s9], $0x2000, s6, s9, $0x38;
	[tilespmem:$0x1E280] =	vst v63  }
0x44: {  	s0 =	sand.u32 $0xFFFFF80, s11  }
0x45: {  	s0 =	sadd.s32 s2, s0  }
0x46: {  	[tilespmem:s20], [sflag:$0x4] =	stream.strided.gather [hbm4b:s0+s9], $0x2000, s6, s9, $0x38;
	[tilespmem:$0x1E280] =	vst v63  }
0x47: {  	v4 =	vld [tilespmem:$0x8];
	_ =	sdelay $0x4  }
0x48: {  	(v2sf) =	vpush v4, $0x0;
	_ =	sdelay $0x1  }
0x49: {  	(v2sf) =	vpush v4, $0x1;
	_ =	sdelay $0xc  }
0x4a: {  	s12 =	spop (v2sf)  }
0x4b: {  	s0 =	sand.u32 $0xFFFFF80, s12  }
0x4c: {  	s13 =	spop (v2sf);
	s0 =	sadd.s32 s2, s0  }
0x4d: {  	[tilespmem:s15], [sflag:$0x5] =	stream.strided.gather [hbm4b:s0+s9], $0x2000, s6, s9, $0x38;
	[tilespmem:$0x1E280] =	vst v63  }
0x4e: {  	s0 =	sand.u32 $0xFFFFF80, s13  }
0x4f: {  	s0 =	sadd.s32 s2, s0  }
0x50: {  	[tilespmem:s24], [sflag:$0x5] =	stream.strided.gather [hbm4b:s0+s9], $0x2000, s6, s9, $0x38;
	[tilespmem:$0x1E280] =	vst v63  }
0x51: {  	v4 =	vld [tilespmem:$0xA];
	_ =	sdelay $0x4  }
0x52: {  	(v2sf) =	vpush v4, $0x0;
	_ =	sdelay $0x1  }
0x53: {  	(v2sf) =	vpush v4, $0x1;
	_ =	sdelay $0xc  }
0x54: {  	s14 =	spop (v2sf)  }
0x55: {  	s0 =	sand.u32 $0xFFFFF80, s14  }
0x56: {  	s21 =	spop (v2sf);
	s0 =	sadd.s32 s2, s0  }
0x57: {  	[tilespmem:s16], [sflag:$0x6] =	stream.strided.gather [hbm4b:s0+s9], $0x2000, s6, s9, $0x38;
	[tilespmem:$0x1E280] =	vst v63  }
0x58: {  	s0 =	sand.u32 $0xFFFFF80, s21  }
0x59: {  	s0 =	sadd.s32 s2, s0  }
0x5a: {  	[tilespmem:s25], [sflag:$0x6] =	stream.strided.gather [hbm4b:s0+s9], $0x2000, s6, s9, $0x38;
	[tilespmem:$0x1E280] =	vst v63  }
0x5b: {  	v4 =	vld [tilespmem:$0xC];
	_ =	sdelay $0x4  }
0x5c: {  	(v2sf) =	vpush v4, $0x0;
	_ =	sdelay $0x3  }
0x5d: {  	(v2sf) =	vpush v4, $0x1;
	_ =	sdelay $0xa  }
0x5e: {  	s22 =	spop (v2sf)  }
0x5f: {  	s0 =	sand.u32 $0xFFFFF80, s22  }
0x60: {  	s0 =	sadd.s32 s2, s0  }
0x61: {  	[tilespmem:s17], [sflag:$0x7] =	stream.strided.gather [hbm4b:s0+s9], $0x2000, s6, s9, $0x38;
	[tilespmem:$0x1E280] =	vst v63  }
.Ltmp2:
0x62: {  	s23 =	spop (v2sf);
	(pc) =	sbr.rel .LBB2_2-.Ltmp2, $4  }
0x63: {  	s0 =	sand.u32 $0xFFFFF80, s23  }
0x64: {  	s8 =	simm.s32 $0x7;
	s11 =	simm.s32 $0xE;
	s0 =	sadd.s32 s2, s0  }
0x65: {  	[tilespmem:s26], [sflag:$0x7] =	stream.strided.gather [hbm4b:s0+s9], $0x2000, s6, s9, $0x38;
	[tilespmem:$0x1E280] =	vst v63  }
0x66: {  	s12 =	simm.s32 $0x0;
	s0 =	rddreg [dreg:$0x7];
	s6 =	simm.s32 $0x0  }
.LBB2_4:
0x67: {  	s10 =	sshll.u32 s9, $0x1  }
0x68: {  	s13 =	sand.u32 $0x3FFFFFFE, s10  }
0x69: {  	v4 =	vld [tilespmem:s13+$0x0];
	_ =	sdelay $0x4  }
0x6a: {  	(v2sf) =	vpush v4, $0x0;
	_ =	sdelay $0xe  }
0x6b: {  	s16 =	spop (v2sf)  }
0x6c: {  	s13 =	sand.u32 $0x7F, s16  }
0x6d: {  	v5 =	vor.u32 s13, v0  }
0x6e: {  	v6 =	vmov s10  }
0x6f: {  	v6 =	vand.u32 $0x7E, v6;
	_ =	swait.ge [sflag:s4], $0x2000  }
0x70: {  	v6 =	vbroadcast v6, $0x0;
	[sflag:s4] =	ssyncset.done $0x0  }
0x71: {  	s17 =	simm.s32 $0x10280;
	[sflag:s4] =	ssyncadd.s32 $0xFFFFE000  }
0x72: {  	v7 =	vor.u32 v0, v6;
	v5 =	vld.idx.msk [tilespmem:v5+s17+$0x0], $0xffff  }
0x73: {  	v8 =	vor.u32 s13, v1;
	_ =	sdelay $0x3  }
0x74: {  	(v2sf) =	vpush v4, $0x1;
	[tilespmem:v7+s29+$0x0] =	vst.idx.msk $0xffff, v5  }
0x75: {  	v5 =	vor.u32 v1, v6;
	v4 =	vld.idx.msk [tilespmem:v8+s17+$0x0], $0xffff  }
0x76: {  	v31 =	vor.u32 s13, v2;
	_ =	sdelay $0x3  }
0x77: {  	[tilespmem:v5+s29+$0x0] =	vst.idx.msk $0xffff, v4  }
0x78: {  	v5 =	vor.u32 v2, v6;
	v4 =	vld.idx.msk [tilespmem:v31+s17+$0x0], $0xffff  }
0x79: {  	v32 =	vor.u32 s13, v3;
	_ =	sdelay $0x3  }
0x7a: {  	[tilespmem:v5+s29+$0x0] =	vst.idx.msk $0xffff, v4  }
0x7b: {  	v5 =	vor.u32 v3, v6;
	v4 =	vld.idx.msk [tilespmem:v32+s17+$0x0], $0xffff;
	_ =	sdelay $0x1  }
0x7c: {  	s21 =	spop (v2sf)  }
0x7d: {  	s10 =	sand.u32 $0x7F, s21  }
0x7e: {  	s22 =	sshllo.u32 s9, $0x1;
	v33 =	vor.u32 s10, v0  }
0x7f: {  	[tilespmem:v5+s29+$0x0] =	vst.idx.msk $0xffff, v4;
	v4 =	vmov s22  }
0x80: {  	_ =	swait.ge [sflag:s4], $0x2000;
	v4 =	vand.u32 $0x7F, v4  }
0x81: {  	[sflag:s4] =	ssyncset.done $0x0;
	v4 =	vbroadcast v4, $0x0  }
0x82: {  	s23 =	simm.s32 $0x12280;
	[sflag:s4] =	ssyncadd.s32 $0xFFFFE000  }
0x83: {  	v5 =	vld.idx.msk [tilespmem:v33+s23+$0x0], $0xffff;
	v34 =	vor.u32 v0, v4  }
0x84: {  	v35 =	vor.u32 s10, v1;
	_ =	sdelay $0x3  }
0x85: {  	[tilespmem:v34+s29+$0x0] =	vst.idx.msk $0xffff, v5  }
0x86: {  	v36 =	vor.u32 v1, v4;
	v5 =	vld.idx.msk [tilespmem:v35+s23+$0x0], $0xffff  }
0x87: {  	v37 =	vor.u32 s10, v2;
	_ =	sdelay $0x3  }
0x88: {  	[tilespmem:v36+s29+$0x0] =	vst.idx.msk $0xffff, v5  }
0x89: {  	v38 =	vor.u32 v2, v4;
	v5 =	vld.idx.msk [tilespmem:v37+s23+$0x0], $0xffff  }
0x8a: {  	v39 =	vor.u32 s10, v3;
	_ =	sdelay $0x3  }
0x8b: {  	[tilespmem:v38+s29+$0x0] =	vst.idx.msk $0xffff, v5  }
0x8c: {  	v4 =	vor.u32 v3, v4;
	v5 =	vld.idx.msk [tilespmem:v39+s23+$0x0], $0xffff;
	_ =	sdelay $0x4  }
0x8d: {  	p0 =	sgt.u32 s6, $0x22;
	[tilespmem:v4+s29+$0x0] =	vst.idx.msk $0xffff, v5  }
0x8e: {  	v4 =	vld @!p0 [tilespmem:s11+$0x8];
	_ =	sdelay $0x4  }
0x8f: {  	(v2sf) =	vpush @!p0 v4, $0x0;
	_ =	sdelay $0x3  }
0x90: {  	(v2sf) =	vpush @!p0 v4, $0x1;
	_ =	sdelay $0xa  }
0x91: {  	s9 =	spop @!p0 (v2sf)  }
0x92: {  	s14 =	simm.s32 @!p0 $0x10280;
	s9 =	sand.u32 @!p0 $0xFFFFF80, s9  }
0x93: {  	s10 =	simm.s32 @!p0 $0x7A1400;
	s13 =	sadd.s32 @!p0 s2, s9;
	s9 =	simm.s32 @!p0 $0x400  }
0x94: {  	[tilespmem:s14], [sflag:$0x5] =	stream.strided.gather @!p0 [hbm4b:s13+s9], $0x2000, s10, s9, $0x38;
	[tilespmem:$0x1E280] =	vst v63  }
0x95: {  	s13 =	spop @!p0 (v2sf)  }
0x96: {  	s13 =	sand.u32 @!p0 $0xFFFFF80, s13  }
0x97: {  	s25 =	sadd.s32 $0xFFFFFFFE, s8;
	s14 =	simm.s32 @!p0 $0x12280;
	s13 =	sadd.s32 @!p0 s2, s13  }
0x98: {  	[tilespmem:s14], [sflag:$0x5] =	stream.strided.gather @!p0 [hbm4b:s13+s9], $0x2000, s10, s9, $0x38;
	[tilespmem:$0x1E280] =	vst v63  }
0x99: {  	s13 =	sand.u32 $0x3F, s25  }
0x9a: {  	p1 =	sne.s32 s13, $0x0  }
0x9b: {  	s13 =	sadd.s32 @!p1 $0x40, s0  }
0x9c: {  	s14 =	simm.s32 @!p1 $0x400;
	s13 =	sshrl.u32 @!p1 s13, $0x3  }
0x9d: {  	s21 =	simm.s32 @!p1 $0x20000;
	s22 =	simm.s32 @!p1 $0x1C280;
	s13 =	sadd.s32 @!p1 s3, s13  }
0x9e: {  	[hbm4b:s13+s14] =	stream.strided.scatter @!p1 [tilespmem:s22], [sflag:$0x9], $0x2000, s21, s14, $0x38;
	[tilespmem:$0x1E280] =	vst v63  }
0x9f: {  	s13 =	simm.s32 @!p1 $0x9  }
0xa0: {  	_ =	swait.ge @!p1 [sflag:s13], $0x2000  }
0xa1: {  	[sflag:s13] =	ssyncset.done @!p1 $0x0  }
0xa2: {  	[sflag:s13] =	ssyncadd.s32 @!p1 $0xFFFFE000  }
0xa3: {  	v4 =	vld [tilespmem:s11+$0xFFFFFFFC];
	_ =	sdelay $0x4  }
0xa4: {  	(v2sf) =	vpush v4, $0x0;
	_ =	sdelay $0xe  }
0xa5: {  	s14 =	spop (v2sf)  }
0xa6: {  	s13 =	sand.u32 $0x7F, s14  }
0xa7: {  	s16 =	sadd.s32 $0xA, s12;
	v5 =	vor.u32 s13, v0  }
0xa8: {  	v40 =	vmov s16  }
0xa9: {  	v6 =	vand.u32 $0x7E, v40;
	_ =	swait.ge [sflag:s5], $0x2000  }
0xaa: {  	v6 =	vbroadcast v6, $0x0;
	[sflag:s5] =	ssyncset.done $0x0  }
0xab: {  	s17 =	simm.s32 $0x14280;
	[sflag:s5] =	ssyncadd.s32 $0xFFFFE000  }
0xac: {  	v41 =	vor.u32 v0, v6;
	v5 =	vld.idx.msk [tilespmem:v5+s17+$0x0], $0xffff  }
0xad: {  	v42 =	vor.u32 s13, v1;
	_ =	sdelay $0x3  }
0xae: {  	(v2sf) =	vpush v4, $0x1;
	[tilespmem:v41+s29+$0x0] =	vst.idx.msk $0xffff, v5  }
0xaf: {  	v5 =	vor.u32 v1, v6;
	v4 =	vld.idx.msk [tilespmem:v42+s17+$0x0], $0xffff  }
0xb0: {  	v43 =	vor.u32 s13, v2;
	_ =	sdelay $0x3  }
0xb1: {  	[tilespmem:v5+s29+$0x0] =	vst.idx.msk $0xffff, v4  }
0xb2: {  	v5 =	vor.u32 v2, v6;
	v4 =	vld.idx.msk [tilespmem:v43+s17+$0x0], $0xffff  }
0xb3: {  	v44 =	vor.u32 s13, v3;
	_ =	sdelay $0x3  }
0xb4: {  	[tilespmem:v5+s29+$0x0] =	vst.idx.msk $0xffff, v4  }
0xb5: {  	v5 =	vor.u32 v3, v6;
	v4 =	vld.idx.msk [tilespmem:v44+s17+$0x0], $0xffff;
	_ =	sdelay $0x1  }
0xb6: {  	s21 =	spop (v2sf)  }
0xb7: {  	s13 =	sand.u32 $0x7F, s21  }
0xb8: {  	s22 =	sadd.s32 $0xB, s12;
	v45 =	vor.u32 s13, v0  }
0xb9: {  	[tilespmem:v5+s29+$0x0] =	vst.idx.msk $0xffff, v4;
	v4 =	vmov s22  }
0xba: {  	_ =	swait.ge [sflag:s5], $0x2000;
	v4 =	vand.u32 $0x7F, v4  }
0xbb: {  	[sflag:s5] =	ssyncset.done $0x0;
	v4 =	vbroadcast v4, $0x0  }
0xbc: {  	s23 =	simm.s32 $0x16280;
	[sflag:s5] =	ssyncadd.s32 $0xFFFFE000  }
0xbd: {  	v5 =	vld.idx.msk [tilespmem:v45+s23+$0x0], $0xffff;
	v46 =	vor.u32 v0, v4  }
0xbe: {  	v47 =	vor.u32 s13, v1;
	_ =	sdelay $0x3  }
0xbf: {  	[tilespmem:v46+s29+$0x0] =	vst.idx.msk $0xffff, v5  }
0xc0: {  	v48 =	vor.u32 v1, v4;
	v5 =	vld.idx.msk [tilespmem:v47+s23+$0x0], $0xffff  }
0xc1: {  	v49 =	vor.u32 s13, v2;
	_ =	sdelay $0x3  }
0xc2: {  	[tilespmem:v48+s29+$0x0] =	vst.idx.msk $0xffff, v5  }
0xc3: {  	v50 =	vor.u32 v2, v4;
	v5 =	vld.idx.msk [tilespmem:v49+s23+$0x0], $0xffff  }
0xc4: {  	v51 =	vor.u32 s13, v3;
	_ =	sdelay $0x3  }
0xc5: {  	[tilespmem:v50+s29+$0x0] =	vst.idx.msk $0xffff, v5  }
0xc6: {  	v4 =	vor.u32 v3, v4;
	v5 =	vld.idx.msk [tilespmem:v51+s23+$0x0], $0xffff;
	_ =	sdelay $0x4  }
0xc7: {  	[tilespmem:v4+s29+$0x0] =	vst.idx.msk $0xffff, v5  }
0xc8: {  	v4 =	vld @!p0 [tilespmem:s11+$0xA];
	_ =	sdelay $0x4  }
0xc9: {  	(v2sf) =	vpush @!p0 v4, $0x0;
	_ =	sdelay $0x3  }
0xca: {  	(v2sf) =	vpush @!p0 v4, $0x1;
	_ =	sdelay $0xa  }
0xcb: {  	s13 =	spop @!p0 (v2sf)  }
0xcc: {  	s13 =	sand.u32 @!p0 $0xFFFFF80, s13  }
0xcd: {  	s14 =	simm.s32 @!p0 $0x14280;
	s13 =	sadd.s32 @!p0 s2, s13  }
0xce: {  	[tilespmem:s14], [sflag:$0x6] =	stream.strided.gather @!p0 [hbm4b:s13+s9], $0x2000, s10, s9, $0x38;
	[tilespmem:$0x1E280] =	vst v63  }
0xcf: {  	s13 =	spop @!p0 (v2sf)  }
0xd0: {  	s13 =	sand.u32 @!p0 $0xFFFFF80, s13  }
0xd1: {  	s17 =	sadd.s32 $0xFFFFFFFF, s8;
	s14 =	simm.s32 @!p0 $0x16280;
	s13 =	sadd.s32 @!p0 s2, s13  }
0xd2: {  	[tilespmem:s14], [sflag:$0x6] =	stream.strided.gather @!p0 [hbm4b:s13+s9], $0x2000, s10, s9, $0x38;
	[tilespmem:$0x1E280] =	vst v63  }
0xd3: {  	s13 =	sand.u32 $0x3F, s17  }
0xd4: {  	p1 =	sne.s32 s13, $0x0  }
0xd5: {  	s13 =	sadd.s32 @!p1 $0x50, s0  }
0xd6: {  	s14 =	simm.s32 @!p1 $0x400;
	s13 =	sshrl.u32 @!p1 s13, $0x3  }
0xd7: {  	s21 =	simm.s32 @!p1 $0x20000;
	s22 =	simm.s32 @!p1 $0x1C280;
	s13 =	sadd.s32 @!p1 s3, s13  }
0xd8: {  	[hbm4b:s13+s14] =	stream.strided.scatter @!p1 [tilespmem:s22], [sflag:$0x9], $0x2000, s21, s14, $0x38;
	[tilespmem:$0x1E280] =	vst v63  }
0xd9: {  	s13 =	simm.s32 @!p1 $0x9  }
0xda: {  	_ =	swait.ge @!p1 [sflag:s13], $0x2000  }
0xdb: {  	[sflag:s13] =	ssyncset.done @!p1 $0x0  }
0xdc: {  	[sflag:s13] =	ssyncadd.s32 @!p1 $0xFFFFE000  }
0xdd: {  	v4 =	vld [tilespmem:s11+$0xFFFFFFFE];
	_ =	sdelay $0x4  }
0xde: {  	(v2sf) =	vpush v4, $0x0;
	_ =	sdelay $0xe  }
0xdf: {  	s21 =	spop (v2sf)  }
0xe0: {  	s13 =	sand.u32 $0x7F, s21  }
0xe1: {  	s22 =	sadd.s32 $0xC, s12;
	v5 =	vor.u32 s13, v0  }
0xe2: {  	v52 =	vmov s22  }
0xe3: {  	v6 =	vand.u32 $0x7E, v52;
	_ =	swait.ge [sflag:s7], $0x2000  }
0xe4: {  	v6 =	vbroadcast v6, $0x0;
	[sflag:s7] =	ssyncset.done $0x0  }
0xe5: {  	s23 =	simm.s32 $0x18280;
	[sflag:s7] =	ssyncadd.s32 $0xFFFFE000  }
0xe6: {  	v53 =	vor.u32 v0, v6;
	v5 =	vld.idx.msk [tilespmem:v5+s23+$0x0], $0xffff  }
0xe7: {  	v54 =	vor.u32 s13, v1;
	_ =	sdelay $0x3  }
0xe8: {  	(v2sf) =	vpush v4, $0x1;
	[tilespmem:v53+s29+$0x0] =	vst.idx.msk $0xffff, v5  }
0xe9: {  	v5 =	vor.u32 v1, v6;
	v4 =	vld.idx.msk [tilespmem:v54+s23+$0x0], $0xffff  }
0xea: {  	v55 =	vor.u32 s13, v2;
	_ =	sdelay $0x3  }
0xeb: {  	[tilespmem:v5+s29+$0x0] =	vst.idx.msk $0xffff, v4  }
0xec: {  	v5 =	vor.u32 v2, v6;
	v4 =	vld.idx.msk [tilespmem:v55+s23+$0x0], $0xffff  }
0xed: {  	v56 =	vor.u32 s13, v3;
	_ =	sdelay $0x3  }
0xee: {  	[tilespmem:v5+s29+$0x0] =	vst.idx.msk $0xffff, v4  }
0xef: {  	v5 =	vor.u32 v3, v6;
	v4 =	vld.idx.msk [tilespmem:v56+s23+$0x0], $0xffff;
	_ =	sdelay $0x1  }
0xf0: {  	s21 =	spop (v2sf)  }
0xf1: {  	s13 =	sand.u32 $0x7F, s21  }
0xf2: {  	s22 =	sadd.s32 $0xD, s12;
	v57 =	vor.u32 s13, v0  }
0xf3: {  	[tilespmem:v5+s29+$0x0] =	vst.idx.msk $0xffff, v4;
	v4 =	vmov s22  }
0xf4: {  	_ =	swait.ge [sflag:s7], $0x2000;
	v4 =	vand.u32 $0x7F, v4  }
0xf5: {  	[sflag:s7] =	ssyncset.done $0x0;
	v4 =	vbroadcast v4, $0x0  }
0xf6: {  	[sflag:s7] =	ssyncadd.s32 $0xFFFFE000  }
0xf7: {  	v5 =	vld.idx.msk [tilespmem:v57+s26+$0x0], $0xffff;
	v58 =	vor.u32 v0, v4  }
0xf8: {  	v59 =	vor.u32 s13, v1;
	_ =	sdelay $0x3  }
0xf9: {  	[tilespmem:v58+s29+$0x0] =	vst.idx.msk $0xffff, v5  }
0xfa: {  	v60 =	vor.u32 v1, v4;
	v5 =	vld.idx.msk [tilespmem:v59+s26+$0x0], $0xffff  }
0xfb: {  	v61 =	vor.u32 s13, v2;
	_ =	sdelay $0x3  }
0xfc: {  	[tilespmem:v60+s29+$0x0] =	vst.idx.msk $0xffff, v5  }
0xfd: {  	v62 =	vor.u32 v2, v4;
	v5 =	vld.idx.msk [tilespmem:v61+s26+$0x0], $0xffff  }
0xfe: {  	v63 =	vor.u32 s13, v3;
	_ =	sdelay $0x3  }
0xff: {  	[tilespmem:v62+s29+$0x0] =	vst.idx.msk $0xffff, v5  }
0x100: {  	v4 =	vor.u32 v3, v4;
	v5 =	vld.idx.msk [tilespmem:v63+s26+$0x0], $0xffff;
	_ =	sdelay $0x4  }
0x101: {  	[tilespmem:v4+s29+$0x0] =	vst.idx.msk $0xffff, v5  }
0x102: {  	v4 =	vld @!p0 [tilespmem:s11+$0xC];
	_ =	sdelay $0x4  }
0x103: {  	(v2sf) =	vpush @!p0 v4, $0x0;
	_ =	sdelay $0x3  }
0x104: {  	(v2sf) =	vpush @!p0 v4, $0x1;
	_ =	sdelay $0xa  }
0x105: {  	s13 =	spop @!p0 (v2sf)  }
0x106: {  	s13 =	sand.u32 @!p0 $0xFFFFF80, s13  }
0x107: {  	s14 =	simm.s32 @!p0 $0x18280;
	s13 =	sadd.s32 @!p0 s2, s13  }
0x108: {  	[tilespmem:s14], [sflag:$0x7] =	stream.strided.gather @!p0 [hbm4b:s13+s9], $0x2000, s10, s9, $0x38;
	[tilespmem:$0x1E280] =	vst v63  }
0x109: {  	s13 =	spop @!p0 (v2sf)  }
0x10a: {  	s13 =	sand.u32 @!p0 $0xFFFFF80, s13  }
0x10b: {  	s23 =	sand.u32 $0x3F, s8;
	s14 =	simm.s32 @!p0 $0x1A280;
	s13 =	sadd.s32 @!p0 s2, s13  }
0x10c: {  	[tilespmem:s14], [sflag:$0x7] =	stream.strided.gather @!p0 [hbm4b:s13+s9], $0x2000, s10, s9, $0x38;
	[tilespmem:$0x1E280] =	vst v63  }
0x10d: {  	p0 =	sne.s32 s23, $0x0  }
0x10e: {  	s9 =	sadd.s32 @!p0 $0x60, s0  }
0x10f: {  	s10 =	simm.s32 @!p0 $0x400;
	s9 =	sshrl.u32 @!p0 s9, $0x3  }
0x110: {  	s13 =	simm.s32 @!p0 $0x20000;
	s14 =	simm.s32 @!p0 $0x1C280;
	s9 =	sadd.s32 @!p0 s3, s9  }
0x111: {  	[hbm4b:s9+s10] =	stream.strided.scatter @!p0 [tilespmem:s14], [sflag:$0x8], $0x2000, s13, s10, $0x38;
	[tilespmem:$0x1E280] =	vst v63  }
0x112: {  	s9 =	simm.s32 @!p0 $0x8  }
0x113: {  	_ =	swait.ge @!p0 [sflag:s9], $0x2000  }
0x114: {  	s8 =	sadd.s32 $0x7, s8;
	[sflag:s9] =	ssyncset.done @!p0 $0x0  }
0x115: {  	[sflag:s9] =	ssyncadd.s32 @!p0 $0xFFFFE000;
	p0 =	sne.s32 s8, $0x10A  }
.Ltmp3:
0x116: {  	_ = 	snop;
	(pc) =	sbr.rel @!p0 .LBB2_5-.Ltmp3, $4  }
0x117: {  	_ = 	snop  }
0x118: {  	s15 =	simm.s32 $0x10280;
	s24 =	simm.s32 $0x12280;
	s6 =	sadd.s32 $0x1, s6  }
0x119: {  	s16 =	simm.s32 $0x14280;
	s25 =	simm.s32 $0x16280;
	s17 =	simm.s32 $0x18280  }
0x11a: {  	s12 =	sadd.s32 $0xE, s12;
	s11 =	sadd.s32 $0xE, s11;
	s0 =	sadd.s32 $0x70, s0  }
.LBB2_2:
0x11b: {  	v4 =	vld [tilespmem:s11+$0xFFFFFFF2];
	_ =	sdelay $0x4  }
0x11c: {  	(v2sf) =	vpush v4, $0x0;
	_ =	sdelay $0xe  }
0x11d: {  	s9 =	spop (v2sf)  }
0x11e: {  	s9 =	sand.u32 $0x7F, s9  }
0x11f: {  	v5 =	vor.u32 s9, v0  }
0x120: {  	v6 =	vmov s12  }
0x121: {  	v6 =	vand.u32 $0x7E, v6;
	_ =	swait.ge [sflag:s28], $0x2000  }
0x122: {  	v6 =	vbroadcast v6, $0x0;
	[sflag:s28] =	ssyncset.done $0x0  }
0x123: {  	s10 =	simm.s32 $0x280;
	[sflag:s28] =	ssyncadd.s32 $0xFFFFE000  }
0x124: {  	v7 =	vor.u32 v0, v6;
	v5 =	vld.idx.msk [tilespmem:v5+s10+$0x0], $0xffff  }
0x125: {  	v8 =	vor.u32 s9, v1;
	_ =	sdelay $0x3  }
0x126: {  	(v2sf) =	vpush v4, $0x1;
	[tilespmem:v7+s29+$0x0] =	vst.idx.msk $0xffff, v5  }
0x127: {  	v5 =	vor.u32 v1, v6;
	v4 =	vld.idx.msk [tilespmem:v8+s10+$0x0], $0xffff  }
0x128: {  	v19 =	vor.u32 s9, v2;
	_ =	sdelay $0x3  }
0x129: {  	[tilespmem:v5+s29+$0x0] =	vst.idx.msk $0xffff, v4  }
0x12a: {  	v5 =	vor.u32 v2, v6;
	v4 =	vld.idx.msk [tilespmem:v19+s10+$0x0], $0xffff  }
0x12b: {  	v20 =	vor.u32 s9, v3;
	_ =	sdelay $0x3  }
0x12c: {  	[tilespmem:v5+s29+$0x0] =	vst.idx.msk $0xffff, v4  }
0x12d: {  	v5 =	vor.u32 v3, v6;
	v4 =	vld.idx.msk [tilespmem:v20+s10+$0x0], $0xffff;
	_ =	sdelay $0x1  }
0x12e: {  	s14 =	spop (v2sf)  }
0x12f: {  	s9 =	sand.u32 $0x7F, s14  }
0x130: {  	s21 =	sadd.s32 $0x1, s12;
	v21 =	vor.u32 s9, v0  }
0x131: {  	[tilespmem:v5+s29+$0x0] =	vst.idx.msk $0xffff, v4;
	v4 =	vmov s21  }
0x132: {  	_ =	swait.ge [sflag:s28], $0x2000;
	v4 =	vand.u32 $0x7F, v4  }
0x133: {  	[sflag:s28] =	ssyncset.done $0x0;
	v4 =	vbroadcast v4, $0x0  }
0x134: {  	s22 =	simm.s32 $0x2280;
	[sflag:s28] =	ssyncadd.s32 $0xFFFFE000  }
0x135: {  	v5 =	vld.idx.msk [tilespmem:v21+s22+$0x0], $0xffff;
	v22 =	vor.u32 v0, v4  }
0x136: {  	v23 =	vor.u32 s9, v1;
	_ =	sdelay $0x3  }
0x137: {  	[tilespmem:v22+s29+$0x0] =	vst.idx.msk $0xffff, v5  }
0x138: {  	v24 =	vor.u32 v1, v4;
	v5 =	vld.idx.msk [tilespmem:v23+s22+$0x0], $0xffff  }
0x139: {  	v25 =	vor.u32 s9, v2;
	_ =	sdelay $0x3  }
0x13a: {  	[tilespmem:v24+s29+$0x0] =	vst.idx.msk $0xffff, v5  }
0x13b: {  	v26 =	vor.u32 v2, v4;
	v5 =	vld.idx.msk [tilespmem:v25+s22+$0x0], $0xffff  }
0x13c: {  	v27 =	vor.u32 s9, v3;
	_ =	sdelay $0x3  }
0x13d: {  	[tilespmem:v26+s29+$0x0] =	vst.idx.msk $0xffff, v5  }
0x13e: {  	v4 =	vor.u32 v3, v4;
	v5 =	vld.idx.msk [tilespmem:v27+s22+$0x0], $0xffff;
	_ =	sdelay $0x4  }
0x13f: {  	p0 =	seq.s32 s8, $0x103;
	[tilespmem:v4+s29+$0x0] =	vst.idx.msk $0xffff, v5  }
0x140: {  	v4 =	vld @!p0 [tilespmem:s11+$0x0];
	_ =	sdelay $0x4  }
0x141: {  	(v2sf) =	vpush @!p0 v4, $0x0;
	_ =	sdelay $0x3  }
0x142: {  	(v2sf) =	vpush @!p0 v4, $0x1;
	_ =	sdelay $0xa  }
0x143: {  	s9 =	spop @!p0 (v2sf)  }
0x144: {  	s13 =	simm.s32 @!p0 $0x280;
	s9 =	sand.u32 @!p0 $0xFFFFF80, s9  }
0x145: {  	s10 =	simm.s32 @!p0 $0x400;
	s21 =	sadd.s32 @!p0 s2, s9;
	s9 =	simm.s32 @!p0 $0x7A1400  }
0x146: {  	[tilespmem:s13], [sflag:$0x1] =	stream.strided.gather @!p0 [hbm4b:s21+s10], $0x2000, s9, s10, $0x38;
	[tilespmem:$0x1E280] =	vst v63  }
0x147: {  	s13 =	spop @!p0 (v2sf)  }
0x148: {  	s13 =	sand.u32 @!p0 $0xFFFFF80, s13  }
0x149: {  	s21 =	simm.s32 @!p0 $0x2280;
	s13 =	sadd.s32 @!p0 s2, s13  }
0x14a: {  	[tilespmem:s21], [sflag:$0x1] =	stream.strided.gather @!p0 [hbm4b:s13+s10], $0x2000, s9, s10, $0x38;
	[tilespmem:$0x1E280] =	vst v63  }
0x14b: {  	s13 =	sadd.s32 @!p0 $0xFFFFFFFA, s8  }
0x14c: {  	s21 =	sand.u32 @!p0 $0x3F, s13  }
0x14d: {  	p1 =	sne.s32 @!p0 s21, $0x0  }
0x14e: {  	p1 =	por p1, p0  }
0x14f: {  	s21 =	sshrl.u32 @!p1 s0, $0x3;
	s22 =	simm.s32 @!p1 $0x400  }
0x150: {  	s14 =	simm.s32 @!p1 $0x20000;
	s23 =	simm.s32 @!p1 $0x1C280;
	s21 =	sadd.s32 @!p1 s3, s21  }
0x151: {  	[hbm4b:s21+s22] =	stream.strided.scatter @!p1 [tilespmem:s23], [sflag:$0x9], $0x2000, s14, s22, $0x38;
	[tilespmem:$0x1E280] =	vst v63  }
0x152: {  	s14 =	simm.s32 @!p1 $0x9  }
0x153: {  	s13 =	simm.s32 @p0 $0xFD;
	_ =	swait.ge @!p1 [sflag:s14], $0x2000  }
0x154: {  	s21 =	sshll.u32 s13, $0x1;
	[sflag:s14] =	ssyncset.done @!p1 $0x0  }
0x155: {  	s23 =	sand.u32 $0x3FFFFFFE, s21;
	[sflag:s14] =	ssyncadd.s32 @!p1 $0xFFFFE000  }
0x156: {  	v4 =	vld [tilespmem:s23+$0x0];
	_ =	sdelay $0x4  }
0x157: {  	(v2sf) =	vpush v4, $0x0;
	_ =	sdelay $0xe  }
0x158: {  	s22 =	spop (v2sf)  }
0x159: {  	s14 =	sand.u32 $0x7F, s22  }
0x15a: {  	v5 =	vor.u32 s14, v0  }
0x15b: {  	v28 =	vmov s21  }
0x15c: {  	v6 =	vand.u32 $0x7E, v28;
	_ =	swait.ge [sflag:s30], $0x2000  }
0x15d: {  	v6 =	vbroadcast v6, $0x0;
	[sflag:s30] =	ssyncset.done $0x0  }
0x15e: {  	s23 =	simm.s32 $0x4280;
	[sflag:s30] =	ssyncadd.s32 $0xFFFFE000  }
0x15f: {  	v29 =	vor.u32 v0, v6;
	v5 =	vld.idx.msk [tilespmem:v5+s23+$0x0], $0xffff  }
0x160: {  	v30 =	vor.u32 s14, v1;
	_ =	sdelay $0x3  }
0x161: {  	(v2sf) =	vpush v4, $0x1;
	[tilespmem:v29+s29+$0x0] =	vst.idx.msk $0xffff, v5  }
0x162: {  	v5 =	vor.u32 v1, v6;
	v4 =	vld.idx.msk [tilespmem:v30+s23+$0x0], $0xffff  }
0x163: {  	v31 =	vor.u32 s14, v2;
	_ =	sdelay $0x3  }
0x164: {  	[tilespmem:v5+s29+$0x0] =	vst.idx.msk $0xffff, v4  }
0x165: {  	v5 =	vor.u32 v2, v6;
	v4 =	vld.idx.msk [tilespmem:v31+s23+$0x0], $0xffff  }
0x166: {  	v32 =	vor.u32 s14, v3;
	_ =	sdelay $0x3  }
0x167: {  	[tilespmem:v5+s29+$0x0] =	vst.idx.msk $0xffff, v4  }
0x168: {  	v5 =	vor.u32 v3, v6;
	v4 =	vld.idx.msk [tilespmem:v32+s23+$0x0], $0xffff;
	_ =	sdelay $0x1  }
0x169: {  	s21 =	spop (v2sf)  }
0x16a: {  	s14 =	sand.u32 $0x7F, s21  }
0x16b: {  	s13 =	sshllo.u32 s13, $0x1;
	v33 =	vor.u32 s14, v0  }
0x16c: {  	[tilespmem:v5+s29+$0x0] =	vst.idx.msk $0xffff, v4;
	v4 =	vmov s13  }
0x16d: {  	_ =	swait.ge [sflag:s30], $0x2000;
	v4 =	vand.u32 $0x7F, v4  }
0x16e: {  	[sflag:s30] =	ssyncset.done $0x0;
	v4 =	vbroadcast v4, $0x0  }
0x16f: {  	s22 =	simm.s32 $0x6280;
	[sflag:s30] =	ssyncadd.s32 $0xFFFFE000  }
0x170: {  	v5 =	vld.idx.msk [tilespmem:v33+s22+$0x0], $0xffff;
	v34 =	vor.u32 v0, v4  }
0x171: {  	v35 =	vor.u32 s14, v1;
	_ =	sdelay $0x3  }
0x172: {  	[tilespmem:v34+s29+$0x0] =	vst.idx.msk $0xffff, v5  }
0x173: {  	v36 =	vor.u32 v1, v4;
	v5 =	vld.idx.msk [tilespmem:v35+s22+$0x0], $0xffff  }
0x174: {  	v37 =	vor.u32 s14, v2;
	_ =	sdelay $0x3  }
0x175: {  	[tilespmem:v36+s29+$0x0] =	vst.idx.msk $0xffff, v5  }
0x176: {  	v38 =	vor.u32 v2, v4;
	v5 =	vld.idx.msk [tilespmem:v37+s22+$0x0], $0xffff  }
0x177: {  	v39 =	vor.u32 s14, v3;
	_ =	sdelay $0x3  }
0x178: {  	[tilespmem:v38+s29+$0x0] =	vst.idx.msk $0xffff, v5  }
0x179: {  	v4 =	vor.u32 v3, v4;
	v5 =	vld.idx.msk [tilespmem:v39+s22+$0x0], $0xffff;
	_ =	sdelay $0x4  }
0x17a: {  	[tilespmem:v4+s29+$0x0] =	vst.idx.msk $0xffff, v5  }
0x17b: {  	v4 =	vld @!p0 [tilespmem:s11+$0x2];
	_ =	sdelay $0x4  }
0x17c: {  	(v2sf) =	vpush @!p0 v4, $0x0;
	_ =	sdelay $0x3  }
0x17d: {  	(v2sf) =	vpush @!p0 v4, $0x1;
	_ =	sdelay $0xa  }
0x17e: {  	s13 =	spop @!p0 (v2sf)  }
0x17f: {  	s13 =	sand.u32 @!p0 $0xFFFFF80, s13  }
0x180: {  	s14 =	simm.s32 @!p0 $0x4280;
	s13 =	sadd.s32 @!p0 s2, s13  }
0x181: {  	[tilespmem:s14], [sflag:$0x2] =	stream.strided.gather @!p0 [hbm4b:s13+s10], $0x2000, s9, s10, $0x38;
	[tilespmem:$0x1E280] =	vst v63  }
0x182: {  	s13 =	spop @!p0 (v2sf)  }
0x183: {  	s13 =	sand.u32 @!p0 $0xFFFFF80, s13  }
0x184: {  	s14 =	simm.s32 @!p0 $0x6280;
	s13 =	sadd.s32 @!p0 s2, s13  }
0x185: {  	[tilespmem:s14], [sflag:$0x2] =	stream.strided.gather @!p0 [hbm4b:s13+s10], $0x2000, s9, s10, $0x38;
	[tilespmem:$0x1E280] =	vst v63  }
0x186: {  	s13 =	sadd.s32 @!p0 $0xFFFFFFFB, s8  }
0x187: {  	s14 =	sand.u32 @!p0 $0x3F, s13  }
0x188: {  	p1 =	sne.s32 @!p0 s14, $0x0  }
0x189: {  	p1 =	por p1, p0  }
0x18a: {  	s14 =	sadd.s32 @!p1 $0x10, s0  }
0x18b: {  	s21 =	simm.s32 @!p1 $0x400;
	s14 =	sshrl.u32 @!p1 s14, $0x3  }
0x18c: {  	s22 =	simm.s32 @!p1 $0x20000;
	s23 =	simm.s32 @!p1 $0x1C280;
	s14 =	sadd.s32 @!p1 s3, s14  }
0x18d: {  	[hbm4b:s14+s21] =	stream.strided.scatter @!p1 [tilespmem:s23], [sflag:$0x9], $0x2000, s22, s21, $0x38;
	[tilespmem:$0x1E280] =	vst v63  }
0x18e: {  	s14 =	simm.s32 @!p1 $0x9  }
0x18f: {  	s13 =	simm.s32 @p0 $0xFE;
	_ =	swait.ge @!p1 [sflag:s14], $0x2000  }
0x190: {  	s21 =	sshll.u32 s13, $0x1;
	[sflag:s14] =	ssyncset.done @!p1 $0x0  }
0x191: {  	s23 =	sand.u32 $0x3FFFFFFE, s21;
	[sflag:s14] =	ssyncadd.s32 @!p1 $0xFFFFE000  }
0x192: {  	v4 =	vld [tilespmem:s23+$0x0];
	_ =	sdelay $0x4  }
0x193: {  	(v2sf) =	vpush v4, $0x0;
	_ =	sdelay $0xe  }
0x194: {  	s22 =	spop (v2sf)  }
0x195: {  	s14 =	sand.u32 $0x7F, s22  }
0x196: {  	v5 =	vor.u32 s14, v0  }
0x197: {  	v40 =	vmov s21  }
0x198: {  	v6 =	vand.u32 $0x7E, v40;
	_ =	swait.ge [sflag:s31], $0x2000  }
0x199: {  	v6 =	vbroadcast v6, $0x0;
	[sflag:s31] =	ssyncset.done $0x0  }
0x19a: {  	s23 =	simm.s32 $0x8280;
	[sflag:s31] =	ssyncadd.s32 $0xFFFFE000  }
0x19b: {  	v41 =	vor.u32 v0, v6;
	v5 =	vld.idx.msk [tilespmem:v5+s23+$0x0], $0xffff  }
0x19c: {  	v42 =	vor.u32 s14, v1;
	_ =	sdelay $0x3  }
0x19d: {  	(v2sf) =	vpush v4, $0x1;
	[tilespmem:v41+s29+$0x0] =	vst.idx.msk $0xffff, v5  }
0x19e: {  	v5 =	vor.u32 v1, v6;
	v4 =	vld.idx.msk [tilespmem:v42+s23+$0x0], $0xffff  }
0x19f: {  	v43 =	vor.u32 s14, v2;
	_ =	sdelay $0x3  }
0x1a0: {  	[tilespmem:v5+s29+$0x0] =	vst.idx.msk $0xffff, v4  }
0x1a1: {  	v5 =	vor.u32 v2, v6;
	v4 =	vld.idx.msk [tilespmem:v43+s23+$0x0], $0xffff  }
0x1a2: {  	v44 =	vor.u32 s14, v3;
	_ =	sdelay $0x3  }
0x1a3: {  	[tilespmem:v5+s29+$0x0] =	vst.idx.msk $0xffff, v4  }
0x1a4: {  	v5 =	vor.u32 v3, v6;
	v4 =	vld.idx.msk [tilespmem:v44+s23+$0x0], $0xffff;
	_ =	sdelay $0x1  }
0x1a5: {  	s22 =	spop (v2sf)  }
0x1a6: {  	s14 =	sand.u32 $0x7F, s22  }
0x1a7: {  	s13 =	sshllo.u32 s13, $0x1;
	v45 =	vor.u32 s14, v0  }
0x1a8: {  	[tilespmem:v5+s29+$0x0] =	vst.idx.msk $0xffff, v4;
	v4 =	vmov s13  }
0x1a9: {  	_ =	swait.ge [sflag:s31], $0x2000;
	v4 =	vand.u32 $0x7F, v4  }
0x1aa: {  	[sflag:s31] =	ssyncset.done $0x0;
	v4 =	vbroadcast v4, $0x0  }
0x1ab: {  	[sflag:s31] =	ssyncadd.s32 $0xFFFFE000  }
0x1ac: {  	v5 =	vld.idx.msk [tilespmem:v45+s18+$0x0], $0xffff;
	v46 =	vor.u32 v0, v4  }
0x1ad: {  	v47 =	vor.u32 s14, v1;
	_ =	sdelay $0x3  }
0x1ae: {  	[tilespmem:v46+s29+$0x0] =	vst.idx.msk $0xffff, v5  }
0x1af: {  	v48 =	vor.u32 v1, v4;
	v5 =	vld.idx.msk [tilespmem:v47+s18+$0x0], $0xffff  }
0x1b0: {  	v49 =	vor.u32 s14, v2;
	_ =	sdelay $0x3  }
0x1b1: {  	[tilespmem:v48+s29+$0x0] =	vst.idx.msk $0xffff, v5  }
0x1b2: {  	v50 =	vor.u32 v2, v4;
	v5 =	vld.idx.msk [tilespmem:v49+s18+$0x0], $0xffff  }
0x1b3: {  	v51 =	vor.u32 s14, v3;
	_ =	sdelay $0x3  }
0x1b4: {  	[tilespmem:v50+s29+$0x0] =	vst.idx.msk $0xffff, v5  }
0x1b5: {  	v4 =	vor.u32 v3, v4;
	v5 =	vld.idx.msk [tilespmem:v51+s18+$0x0], $0xffff;
	_ =	sdelay $0x4  }
0x1b6: {  	[tilespmem:v4+s29+$0x0] =	vst.idx.msk $0xffff, v5  }
0x1b7: {  	v4 =	vld @!p0 [tilespmem:s11+$0x4];
	_ =	sdelay $0x4  }
0x1b8: {  	(v2sf) =	vpush @!p0 v4, $0x0;
	_ =	sdelay $0x3  }
0x1b9: {  	(v2sf) =	vpush @!p0 v4, $0x1;
	_ =	sdelay $0xa  }
0x1ba: {  	s13 =	spop @!p0 (v2sf)  }
0x1bb: {  	s13 =	sand.u32 @!p0 $0xFFFFF80, s13  }
0x1bc: {  	s14 =	simm.s32 @!p0 $0x8280;
	s13 =	sadd.s32 @!p0 s2, s13  }
0x1bd: {  	[tilespmem:s14], [sflag:$0x3] =	stream.strided.gather @!p0 [hbm4b:s13+s10], $0x2000, s9, s10, $0x38;
	[tilespmem:$0x1E280] =	vst v63  }
0x1be: {  	s13 =	spop @!p0 (v2sf)  }
0x1bf: {  	s13 =	sand.u32 @!p0 $0xFFFFF80, s13  }
0x1c0: {  	s14 =	simm.s32 @!p0 $0xA280;
	s13 =	sadd.s32 @!p0 s2, s13  }
0x1c1: {  	[tilespmem:s14], [sflag:$0x3] =	stream.strided.gather @!p0 [hbm4b:s13+s10], $0x2000, s9, s10, $0x38;
	[tilespmem:$0x1E280] =	vst v63  }
0x1c2: {  	s13 =	sadd.s32 @!p0 $0xFFFFFFFC, s8  }
0x1c3: {  	s14 =	sand.u32 @!p0 $0x3F, s13  }
0x1c4: {  	p1 =	sne.s32 @!p0 s14, $0x0  }
0x1c5: {  	p1 =	por p1, p0  }
0x1c6: {  	s14 =	sadd.s32 @!p1 $0x20, s0  }
0x1c7: {  	s21 =	simm.s32 @!p1 $0x400;
	s14 =	sshrl.u32 @!p1 s14, $0x3  }
0x1c8: {  	s22 =	simm.s32 @!p1 $0x20000;
	s23 =	simm.s32 @!p1 $0x1C280;
	s14 =	sadd.s32 @!p1 s3, s14  }
0x1c9: {  	[hbm4b:s14+s21] =	stream.strided.scatter @!p1 [tilespmem:s23], [sflag:$0x9], $0x2000, s22, s21, $0x38;
	[tilespmem:$0x1E280] =	vst v63  }
0x1ca: {  	s14 =	simm.s32 @!p1 $0x9  }
0x1cb: {  	s13 =	simm.s32 @p0 $0xFF;
	_ =	swait.ge @!p1 [sflag:s14], $0x2000  }
0x1cc: {  	s21 =	sshll.u32 s13, $0x1;
	[sflag:s14] =	ssyncset.done @!p1 $0x0  }
0x1cd: {  	s23 =	sand.u32 $0x3FFFFFFE, s21;
	[sflag:s14] =	ssyncadd.s32 @!p1 $0xFFFFE000  }
0x1ce: {  	v4 =	vld [tilespmem:s23+$0x0];
	_ =	sdelay $0x4  }
0x1cf: {  	(v2sf) =	vpush v4, $0x0;
	_ =	sdelay $0xe  }
0x1d0: {  	s22 =	spop (v2sf)  }
0x1d1: {  	s14 =	sand.u32 $0x7F, s22  }
0x1d2: {  	v5 =	vor.u32 s14, v0  }
0x1d3: {  	v52 =	vmov s21  }
0x1d4: {  	v6 =	vand.u32 $0x7E, v52;
	_ =	swait.ge [sflag:s1], $0x2000  }
0x1d5: {  	v6 =	vbroadcast v6, $0x0;
	[sflag:s1] =	ssyncset.done $0x0  }
0x1d6: {  	[sflag:s1] =	ssyncadd.s32 $0xFFFFE000  }
0x1d7: {  	v53 =	vor.u32 v0, v6;
	v5 =	vld.idx.msk [tilespmem:v5+s19+$0x0], $0xffff  }
0x1d8: {  	v54 =	vor.u32 s14, v1;
	_ =	sdelay $0x3  }
0x1d9: {  	(v2sf) =	vpush v4, $0x1;
	[tilespmem:v53+s29+$0x0] =	vst.idx.msk $0xffff, v5  }
0x1da: {  	v5 =	vor.u32 v1, v6;
	v4 =	vld.idx.msk [tilespmem:v54+s19+$0x0], $0xffff  }
0x1db: {  	v55 =	vor.u32 s14, v2;
	_ =	sdelay $0x3  }
0x1dc: {  	[tilespmem:v5+s29+$0x0] =	vst.idx.msk $0xffff, v4  }
0x1dd: {  	v5 =	vor.u32 v2, v6;
	v4 =	vld.idx.msk [tilespmem:v55+s19+$0x0], $0xffff  }
0x1de: {  	v56 =	vor.u32 s14, v3;
	_ =	sdelay $0x3  }
0x1df: {  	[tilespmem:v5+s29+$0x0] =	vst.idx.msk $0xffff, v4  }
0x1e0: {  	v5 =	vor.u32 v3, v6;
	v4 =	vld.idx.msk [tilespmem:v56+s19+$0x0], $0xffff;
	_ =	sdelay $0x1  }
0x1e1: {  	s23 =	spop (v2sf)  }
0x1e2: {  	s14 =	sand.u32 $0x7F, s23  }
0x1e3: {  	s13 =	sshllo.u32 s13, $0x1;
	v57 =	vor.u32 s14, v0  }
0x1e4: {  	[tilespmem:v5+s29+$0x0] =	vst.idx.msk $0xffff, v4;
	v4 =	vmov s13  }
0x1e5: {  	_ =	swait.ge [sflag:s1], $0x2000;
	v4 =	vand.u32 $0x7F, v4  }
0x1e6: {  	[sflag:s1] =	ssyncset.done $0x0;
	v4 =	vbroadcast v4, $0x0  }
0x1e7: {  	[sflag:s1] =	ssyncadd.s32 $0xFFFFE000  }
0x1e8: {  	v5 =	vld.idx.msk [tilespmem:v57+s20+$0x0], $0xffff;
	v58 =	vor.u32 v0, v4  }
0x1e9: {  	v59 =	vor.u32 s14, v1;
	_ =	sdelay $0x3  }
0x1ea: {  	[tilespmem:v58+s29+$0x0] =	vst.idx.msk $0xffff, v5  }
0x1eb: {  	v60 =	vor.u32 v1, v4;
	v5 =	vld.idx.msk [tilespmem:v59+s20+$0x0], $0xffff  }
0x1ec: {  	v61 =	vor.u32 s14, v2;
	_ =	sdelay $0x3  }
0x1ed: {  	[tilespmem:v60+s29+$0x0] =	vst.idx.msk $0xffff, v5  }
0x1ee: {  	v62 =	vor.u32 v2, v4;
	v5 =	vld.idx.msk [tilespmem:v61+s20+$0x0], $0xffff  }
0x1ef: {  	v63 =	vor.u32 s14, v3;
	_ =	sdelay $0x3  }
0x1f0: {  	[tilespmem:v62+s29+$0x0] =	vst.idx.msk $0xffff, v5  }
0x1f1: {  	v4 =	vor.u32 v3, v4;
	v5 =	vld.idx.msk [tilespmem:v63+s20+$0x0], $0xffff;
	_ =	sdelay $0x4  }
0x1f2: {  	[tilespmem:v4+s29+$0x0] =	vst.idx.msk $0xffff, v5  }
0x1f3: {  	v4 =	vld @!p0 [tilespmem:s11+$0x6];
	_ =	sdelay $0x4  }
0x1f4: {  	(v2sf) =	vpush @!p0 v4, $0x0;
	_ =	sdelay $0x3  }
0x1f5: {  	(v2sf) =	vpush @!p0 v4, $0x1;
	_ =	sdelay $0xa  }
0x1f6: {  	s13 =	spop @!p0 (v2sf)  }
0x1f7: {  	s13 =	sand.u32 @!p0 $0xFFFFF80, s13  }
0x1f8: {  	s14 =	simm.s32 @!p0 $0xC280;
	s13 =	sadd.s32 @!p0 s2, s13  }
0x1f9: {  	[tilespmem:s14], [sflag:$0x4] =	stream.strided.gather @!p0 [hbm4b:s13+s10], $0x2000, s9, s10, $0x38;
	[tilespmem:$0x1E280] =	vst v63  }
0x1fa: {  	s13 =	spop @!p0 (v2sf)  }
0x1fb: {  	s13 =	sand.u32 @!p0 $0xFFFFF80, s13  }
0x1fc: {  	s14 =	simm.s32 @!p0 $0xE280;
	s13 =	sadd.s32 @!p0 s2, s13  }
0x1fd: {  	[tilespmem:s14], [sflag:$0x4] =	stream.strided.gather @!p0 [hbm4b:s13+s10], $0x2000, s9, s10, $0x38;
	[tilespmem:$0x1E280] =	vst v63  }
0x1fe: {  	s9 =	sadd.s32 @!p0 $0xFFFFFFFD, s8  }
0x1ff: {  	s10 =	sand.u32 @!p0 $0x3F, s9  }
0x200: {  	p1 =	sne.s32 @!p0 s10, $0x0  }
0x201: {  	p1 =	por p0, !p1  }
.Ltmp4:
0x202: {  	_ = 	snop;
	(pc) =	sbr.rel @!p1 .LBB2_4-.Ltmp4, $1  }
0x203: {  	_ =	sdelay $0x3  }
0x204: {  	s9 =	simm.s32 @p0 $0x100  }
0x205: {  	s13 =	rddreg [dreg:$0x5];
	s10 =	sshll.u32 s9, $0x4  }
0x206: {  	s10 =	sadd.s32 s10, s13  }
0x207: {  	s10 =	sshrl.u32 s10, $0x3  }
0x208: {  	s22 =	simm.s32 $0x400;
	s14 =	simm.s32 $0x20000;
	s10 =	sadd.s32 s3, s10  }
0x209: {  	[hbm4b:s10+s22] =	stream.strided.scatter [tilespmem:s29], [sflag:$0x9], $0x2000, s14, s22, $0x38;
	[tilespmem:$0x1E280] =	vst v63  }
.Ltmp5:
0x20a: {  	_ = 	snop;
	(pc) =	sbr.rel @!p0 .LBB2_4-.Ltmp5, $4  }
.Ltmp6:
0x20b: {  	s23 =	simm.s32 $0x9;
	(pc) =	sbr.rel @p0 .LBB2_5-.Ltmp6, $4  }
0x20c: {  	_ =	swait.ge [sflag:s23], $0x2000  }
0x20d: {  	[sflag:s23] =	ssyncset.done $0x0  }
0x20e: {  	[sflag:s23] =	ssyncadd.s32 $0xFFFFE000  }
0x20f: {  	_ = 	snop  }
.LBB2_6:
0x210: {  	_ =	sfence.sel $0x180000  }
0x211: {  	[bflag:$0x0] =	sbarrier.arrive $0xFFFF  }
0x212: {  	_ =	strace $0x90000047  }
0x213: {  	s0 =	stileid.u32;
	[bflag:$0x2] =	sbarrier.arrive $0xFFFF  }
0x214: {  	p0 =	sne.s32 s0, $0x0;
	s0 =	rddreg [dreg:$0x3]  }
0x215: {  	s0 =	sadd.s32 @!p0 $0x100000, s0  }
0x216: {  	[sflag:s0] =	ssyncadd.tile.s32 @!p0 $0x1;
	_ =	shalt  }
.Lfunc_end2:
_tile_overlayer_lowered:
.L_overlay_start_2:
0x217: {  	(tag) =	ssettag $0x2  }
0x218: {  	s0 =	rddreg [dreg:$0x0];
	s2 =	stileid.u32  }
0x219: {  	s1 =	rddreg [dreg:$0x1];
	p0 =	sne.s32 s2, $0x0  }
0x21a: {  	s3 =	rddreg [dreg:$0x2];
	[bflag:$0x3] =	sbarrier.arrive $0xFFFF;
	s2 =	simm.s32 @!p0 $0x1C08  }
0x21b: {  	[timem:s3], [sflag:s2] =	dma.local @!p0 [hbm:s0], s1  }
0x21c: {  	s0 =	simm.s32 @!p0 $0x8  }
0x21d: {  	_ =	swait.ge @!p0 [sflag:s0], s1  }
0x21e: {  	s1 =	ssub.s32 @!p0 $0x0, s1;
	[sflag:s0] =	ssyncset.done @!p0 $0x0  }
0x21f: {  	[sflag:s0] =	ssyncadd.s32 @!p0 s1  }
0x220: {  	[bflag:$0x3] =	sbarrier.arrive $0xFFFF  }
0x221: {  	_ =	shalt  }

</sc_bundles>
